<compile_context>
chip_gen: v7x
topology: tpu7x:2x2x1
jax: 0.10.2.dev20260603
libtpu: 0.0.44.dev20260713+nightly
codegen_flags: <defaults>
</compile_context>

<pallas_src>
import functools

import jax
import jax.numpy as jnp
from jax import lax
from jax.experimental import pallas as pl
from jax.experimental.pallas import tpu as pltpu
from jax.experimental.pallas import tpu_sc as plsc

_NC = 2
_NS = 16
_NW = _NC * _NS
_LANES = 16
_CHUNK = 128
_NP = 10240

_SELU_SCALE = 1.0507009873554805
_SELU_ALPHA = 1.6732632423543772


def _sc_degree(adj2d, nchunks):
    maxc = adj2d.shape[1] // _NW
    mesh = plsc.VectorSubcoreMesh(core_axis_name="c", subcore_axis_name="s")

    @functools.partial(
        pl.kernel,
        mesh=mesh,
        out_type=jax.ShapeDtypeStruct((_NW, _NP), jnp.float32),
        scratch_types=[
            pltpu.VMEM((_NP,), jnp.float32),
            pltpu.VMEM((maxc, _CHUNK), jnp.int32),
        ],
        compiler_params=pltpu.CompilerParams(needs_layout_passes=False),
    )
    def k(adj_hbm, out_hbm, hist, idxb):
        c = lax.axis_index("c")
        s = lax.axis_index("s")
        wid = s * _NC + c
        c0 = pl.multiple_of(wid * maxc, 8)
        nch = jnp.minimum(jnp.maximum(nchunks - wid * maxc, 0), maxc)

        pltpu.sync_copy(adj_hbm.at[1, pl.ds(c0, maxc)], idxb)

        z16 = jnp.zeros((_LANES,), jnp.float32)

        def zbody(i, carry):
            base = i * 8 * _LANES
            for t in range(8):
                hist[pl.ds(base + t * _LANES, _LANES)] = z16
            return carry

        lax.fori_loop(0, _NP // (8 * _LANES), zbody, 0)

        ones16 = jnp.full((_LANES,), 1.0, jnp.float32)

        def body(j, carry):
            @pl.when(j < nch)
            def _():
                for t in range(_CHUNK // _LANES):
                    idx16 = idxb[j, pl.ds(t * _LANES, _LANES)]
                    plsc.addupdate_scatter(hist, [idx16], ones16)

            return carry

        lax.fori_loop(0, maxc, body, 0)
        pltpu.sync_copy(hist, out_hbm.at[wid])

    return k(adj2d)


_W = 16


def _sc_aggregate(hs, adj2d, nchunks):
    n, d = hs.shape
    maxc = adj2d.shape[1] // _NW
    rpt = _NP // _NS
    rlast = n - (_NS - 1) * rpt
    mesh = plsc.VectorSubcoreMesh(core_axis_name="c", subcore_axis_name="s")

    @functools.partial(
        pl.kernel,
        mesh=mesh,
        out_type=jax.ShapeDtypeStruct((_NC, _NP, d), jnp.float32),
        scratch_types=[
            pltpu.VMEM_SHARED((_NP, d), jnp.float32),
            pltpu.VMEM((2 * _W, _CHUNK), jnp.int32),
            pltpu.VMEM((2 * _W, _CHUNK), jnp.int32),
            pltpu.VMEM((_CHUNK, d), jnp.float32),
            pltpu.VMEM((_CHUNK, d), jnp.float32),
            pltpu.SemaphoreType.DMA,
            pltpu.SemaphoreType.DMA,
            pltpu.SemaphoreType.DMA,
            pltpu.SemaphoreType.DMA,
        ],
    )
    def k(hs_hbm, adj_hbm, out_hbm,
          acc, idx_s, idx_d, rows0, rows1, sem0, sem1, semis, semid):
        c = lax.axis_index("c")
        s = lax.axis_index("s")
        wid = s * _NC + c
        c0 = pl.multiple_of(wid * maxc, 8)
        nch = jnp.minimum(jnp.maximum(nchunks - wid * maxc, 0), maxc)
        r0 = pl.multiple_of(s * rpt, 8)

        @pl.when(jnp.logical_and(c == 0, s < _NS - 1))
        def _():
            pltpu.sync_copy(hs_hbm.at[pl.ds(r0, rpt)], acc.at[pl.ds(r0, rpt)])

        @pl.when(jnp.logical_and(c == 0, s == _NS - 1))
        def _():
            pltpu.sync_copy(hs_hbm.at[pl.ds(r0, rlast)], acc.at[pl.ds(r0, rlast)])

        @pl.when(c == 1)
        def _():
            z16 = jnp.zeros((_LANES,), jnp.float32)

            def zb(r, carry):
                for t in range(d // _LANES):
                    rows0[r, pl.ds(t * _LANES, _LANES)] = z16
                return carry

            lax.fori_loop(0, _CHUNK, zb, 0)
            for p in range(rpt // _CHUNK):
                pltpu.sync_copy(
                    rows0, acc.at[pl.ds(pl.multiple_of(r0 + p * _CHUNK, 8),
                                        _CHUNK)])

        plsc.subcore_barrier()

        bufs = ((rows0, sem0), (rows1, sem1))
        nwin = maxc // _W

        pltpu.sync_copy(adj_hbm.at[0, pl.ds(c0, _W)], idx_s.at[pl.ds(0, _W)])
        pltpu.sync_copy(adj_hbm.at[1, pl.ds(c0, _W)], idx_d.at[pl.ds(0, _W)])

        @pl.when(0 < nch)
        def _():
            pltpu.make_async_copy(hs_hbm.at[idx_s.at[0]], rows0, sem0).start()

        def win_body(w, carry):
            par = w % 2
            off = par * _W
            offn = _W - off
            j0 = w * _W
            nb = pl.multiple_of(c0 + (w + 1) * _W, 8)

            @pl.when(w + 1 < nwin)
            def _():
                pltpu.make_async_copy(
                    adj_hbm.at[0, pl.ds(nb, _W)],
                    idx_s.at[pl.ds(offn, _W)], semis).start()
                pltpu.make_async_copy(
                    adj_hbm.at[1, pl.ds(nb, _W)],
                    idx_d.at[pl.ds(offn, _W)], semid).start()

            def pair_body(t2, carry2):
                @pl.when(jnp.logical_and(t2 == 3, w + 1 < nwin))
                def _():
                    pltpu.make_async_copy(
                        adj_hbm.at[0, pl.ds(nb, _W)],
                        idx_s.at[pl.ds(offn, _W)], semis).wait()
                    pltpu.make_async_copy(
                        adj_hbm.at[1, pl.ds(nb, _W)],
                        idx_d.at[pl.ds(offn, _W)], semid).wait()

                for b in range(2):
                    t = t2 * 2 + b
                    j = j0 + t
                    rb, sb = bufs[b]
                    rn, sn = bufs[1 - b]
                    nxt_row = jnp.where(t + 1 < _W, off + t + 1, offn)

                    @pl.when(j + 1 < nch)
                    def _():
                        pltpu.make_async_copy(
                            hs_hbm.at[idx_s.at[nxt_row]], rn, sn).start()

                    @pl.when(j < nch)
                    def _():
                        pltpu.make_async_copy(
                            hs_hbm.at[idx_s.at[off + t]], rb, sb).wait()
                        pltpu.sync_copy(rb, acc.at[idx_d.at[off + t]], add=True)

                return carry2

            lax.fori_loop(0, _W // 2, pair_body, 0)
            return carry

        lax.fori_loop(0, nwin, win_body, 0)
        plsc.subcore_barrier()
        pltpu.sync_copy(acc.at[pl.ds(r0, rpt)], out_hbm.at[c, pl.ds(r0, rpt)])

    return k(hs, adj2d)


def _tc_scale_matmul(x, w, degp):
    n, d = x.shape
    nw = degp.shape[0]
    blk = 2048

    def body(x_ref, w_ref, deg_ref, o_ref, dis_ref):
        deg = jnp.sum(deg_ref[...], axis=0) + 1.0
        disv = lax.rsqrt(deg).reshape(blk, 1)
        dis_ref[...] = disv
        h = jnp.dot(x_ref[...], w_ref[...], preferred_element_type=jnp.float32)
        o_ref[...] = h * disv

    return pl.pallas_call(
        body,
        grid=(-(-n // blk),),
        in_specs=[
            pl.BlockSpec((blk, d), lambda i: (i, 0)),
            pl.BlockSpec((d, d), lambda i: (0, 0)),
            pl.BlockSpec((nw, blk), lambda i: (0, i)),
        ],
        out_specs=[
            pl.BlockSpec((blk, d), lambda i: (i, 0)),
            pl.BlockSpec((blk, 1), lambda i: (i, 0)),
        ],
        out_shape=[
            jax.ShapeDtypeStruct((n, d), jnp.float32),
            jax.ShapeDtypeStruct((n, 1), jnp.float32),
        ],
    )(x, w, degp)


def _tc_combine_selu_matmul(y, n, dis, b, w):
    d = y.shape[2]
    blk = 2000

    def body(y_ref, dis_ref, b_ref, w_ref, o_ref):
        t = dis_ref[...] * (y_ref[0] + y_ref[1]) + b_ref[...]
        a = _SELU_SCALE * jnp.where(t > 0, t, _SELU_ALPHA * (jnp.exp(t) - 1.0))
        h = jnp.dot(a, w_ref[...], preferred_element_type=jnp.float32)
        o_ref[...] = h * dis_ref[...]

    return pl.pallas_call(
        body,
        grid=(n // blk,),
        in_specs=[
            pl.BlockSpec((_NC, blk, d), lambda i: (0, i, 0)),
            pl.BlockSpec((blk, 1), lambda i: (i, 0)),
            pl.BlockSpec((d,), lambda i: (0,)),
            pl.BlockSpec((d, d), lambda i: (0, 0)),
        ],
        out_specs=pl.BlockSpec((blk, d), lambda i: (i, 0)),
        out_shape=jax.ShapeDtypeStruct((n, d), jnp.float32),
    )(y, dis, b, w)


def _tc_combine(y, n, dis, b):
    d = y.shape[2]
    blk = 2000

    def body(y_ref, dis_ref, b_ref, o_ref):
        o_ref[...] = dis_ref[...] * (y_ref[0] + y_ref[1]) + b_ref[...]

    return pl.pallas_call(
        body,
        grid=(n // blk,),
        in_specs=[
            pl.BlockSpec((_NC, blk, d), lambda i: (0, i, 0)),
            pl.BlockSpec((blk, 1), lambda i: (i, 0)),
            pl.BlockSpec((d,), lambda i: (0,)),
        ],
        out_specs=pl.BlockSpec((blk, d), lambda i: (i, 0)),
        out_shape=jax.ShapeDtypeStruct((n, d), jnp.float32),
    )(y, dis, b)


def kernel(x, adj_t, W1, b1, W2, b2):
    n, d = x.shape
    e = adj_t.shape[1]
    nchunks = e // _CHUNK
    maxc = -(-nchunks // _NW)
    maxc = -(-maxc // _W) * _W

    adj2d = jnp.pad(adj_t.reshape(2, nchunks, _CHUNK),
                    ((0, 0), (0, _NW * maxc - nchunks), (0, 0)))
    degp = _sc_degree(adj2d, nchunks)

    hs1, dis = _tc_scale_matmul(x, W1, degp)
    y1 = _sc_aggregate(hs1, adj2d, nchunks)
    hs2 = _tc_combine_selu_matmul(y1, n, dis, b1, W2)
    y2 = _sc_aggregate(hs2, adj2d, nchunks)
    return _tc_combine(y2, n, dis, b2)

# --- scband reference (transcript-rebuilt; emitter-appended) ---
"""Pipeline reference for scband-gcn-15556371546547 (READ-ONLY COPY).

The authoritative reference and input builder live on the scoring server;
editing this copy changes nothing except your own understanding.
"""

import jax, jax.numpy as jnp
import numpy as np

N = 10000
E = 320000
D_IN = 128
D_HID = 128
D_OUT = 128


def setup_inputs(seed: int = 0) -> dict:
    key = jax.random.key(seed)
    ks = jax.random.split(key, 6)
    x = jax.random.normal(ks[0], (N, D_IN), dtype=jnp.float32)
    adj_t = jax.random.randint(ks[1], (2, E), 0, N, dtype=jnp.int32)
    W1 = jax.random.normal(ks[2], (D_IN, D_HID), dtype=jnp.float32) * (1.0 / np.sqrt(D_IN))
    b1 = jnp.zeros((D_HID,), dtype=jnp.float32)
    W2 = jax.random.normal(ks[3], (D_HID, D_OUT), dtype=jnp.float32) * (1.0 / np.sqrt(D_HID))
    b2 = jnp.zeros((D_OUT,), dtype=jnp.float32)
    return {"x": x, "adj_t": adj_t, "W1": W1, "b1": b1, "W2": W2, "b2": b2}


def _gcn_conv(x, edge_index, W, b):
    # Faithful PyG GCNConv: add self-loops, symmetric normalization D^-1/2 A D^-1/2, linear transform, bias.
    n = x.shape[0]
    loop = jnp.arange(n, dtype=edge_index.dtype)
    src = jnp.concatenate([edge_index[0], loop])
    dst = jnp.concatenate([edge_index[1], loop])
    h = x @ W
    ones = jnp.ones(dst.shape[0], dtype=h.dtype)
    deg = jax.ops.segment_sum(ones, dst, num_segments=n)
    deg_inv_sqrt = jnp.where(deg > 0, jax.lax.rsqrt(jnp.maximum(deg, 1e-12)), 0.0)
    norm = deg_inv_sqrt[src] * deg_inv_sqrt[dst]
    msg = h[src] * norm[:, None]
    out = jax.ops.segment_sum(msg, dst, num_segments=n)
    return out + b


def reference(x, adj_t, W1, b1, W2, b2):
    h = _gcn_conv(x, adj_t, W1, b1)
    h = jax.nn.selu(h)
    # dropout p=0.0 -> identity (eval semantics)
    out = _gcn_conv(h, adj_t, W2, b2)
    return out

if __name__ == "__main__":
    import jax
    _d = setup_inputs()
    print(jax.jit(kernel)(*tuple(_d.values())))

</pallas_src>

<mosaic_0001>
#map = affine_map<(d0, d1) -> (0, 0)>
#map1 = affine_map<(d0, d1) -> (0, 0, 0)>
module attributes {stable_mosaic.version = 14 : i64} {
  func.func @k(%arg0: i32, %arg1: i32, %arg2: memref<10000x128xf32, #tpu.memory_space<hbm>>, %arg3: memref<2x2560x128xi32, #tpu.memory_space<hbm>>, %arg4: memref<2x10240x128xf32, #tpu.memory_space<hbm>>, %arg5: memref<10240x128xf32, #tpu.memory_space<vmem_shared>>, %arg6: memref<32x128xi32, #tpu.memory_space<vmem>>, %arg7: memref<32x128xi32, #tpu.memory_space<vmem>>, %arg8: memref<128x128xf32, #tpu.memory_space<vmem>>, %arg9: memref<128x128xf32, #tpu.memory_space<vmem>>, %arg10: memref<!tpu.dma_semaphore, #tpu.memory_space<semaphore_mem>>, %arg11: memref<!tpu.dma_semaphore, #tpu.memory_space<semaphore_mem>>, %arg12: memref<!tpu.dma_semaphore, #tpu.memory_space<semaphore_mem>>, %arg13: memref<!tpu.dma_semaphore, #tpu.memory_space<semaphore_mem>>) attributes {dimension_semantics = [#tpu.dimension_semantics<core_parallel>, #tpu.dimension_semantics<subcore_parallel>], iteration_bounds = array<i64: 2, 16>, scalar_prefetch = 0 : i64, scratch_operands = 9 : i64, tpu.core_type = #tpu.core_type<sc_vector_subcore>, window_params = [{transform_indices = #map}, {transform_indices = #map1}, {transform_indices = #map1}]} {
    %mul3A = arith.constant 2 : i32
    %mul3A_0 = arith.muli %arg1, %mul3A : i32
    %add3A = arith.addi %mul3A_0, %arg0 : i32
    %mul3A_1 = arith.constant 80 : i32
    %mul3A_2 = arith.muli %add3A, %mul3A_1 : i32
    %multiple_of3A = tpu.assume_multiple %mul3A_2, 8 : i32
    %mul3A_3 = arith.constant 80 : i32
    %mul3A_4 = arith.muli %add3A, %mul3A_3 : i32
    %sub3A = arith.constant 2500 : i32
    %sub3A_5 = arith.subi %sub3A, %mul3A_4 : i32
    %max3A = arith.constant 0 : i32
    %max3A_6 = arith.maxsi %sub3A_5, %max3A : i32
    %min3A = arith.constant 80 : i32
    %min3A_7 = arith.minsi %max3A_6, %min3A : i32
    %mul3A_8 = arith.constant 640 : i32
    %mul3A_9 = arith.muli %arg1, %mul3A_8 : i32
    %multiple_of3A_10 = tpu.assume_multiple %mul3A_9, 8 : i32
    %eq3A = arith.constant 0 : i32
    %eq3A_11 = arith.cmpi eq, %arg0, %eq3A : i32
    %lt3A = arith.constant 15 : i32
    %lt3A_12 = arith.cmpi slt, %arg1, %lt3A : i32
    %and3A = arith.andi %eq3A_11, %lt3A_12 : i1
    %convert_element_type3A = arith.extui %and3A : i1 to i32
    %cond3A = arith.constant 0 : i32
    %cond3A_13 = arith.cmpi ne, %convert_element_type3A, %cond3A : i32
    scf.if %cond3A_13 {
      "tpu.region"() ({
        %run_scoped3A_38 = tpu.sem_alloc : memref<!tpu.dma_semaphore, #tpu.memory_space<semaphore_mem>>
        %dma_start3A = arith.constant 0 : i32
        %dma_start3A_39 = tpu.memref_slice %arg5[%multiple_of3A_10, %dma_start3A] : memref<10240x128xf32, #tpu.memory_space<vmem_shared>> -> memref<640x128xf32, #tpu.memory_space<vmem_shared>>
        %dma_start3A_40 = arith.constant 0 : i32
        %dma_start3A_41 = tpu.memref_slice %arg2[%multiple_of3A_10, %dma_start3A_40] : memref<10000x128xf32, #tpu.memory_space<hbm>> -> memref<640x128xf32, #tpu.memory_space<hbm>>
        tpu.enqueue_dma source(%dma_start3A_41 : memref<640x128xf32, #tpu.memory_space<hbm>>) target(%dma_start3A_39 : memref<640x128xf32, #tpu.memory_space<vmem_shared>>) target_semaphore(%run_scoped3A_38 : memref<!tpu.dma_semaphore, #tpu.memory_space<semaphore_mem>>)
        %dma_wait3A = arith.constant 0 : i32
        %dma_wait3A_42 = tpu.memref_slice %arg5[%multiple_of3A_10, %dma_wait3A] : memref<10240x128xf32, #tpu.memory_space<vmem_shared>> -> memref<640x128xf32, #tpu.memory_space<vmem_shared>>
        %dma_wait3A_43 = arith.constant 0 : i32
        %dma_wait3A_44 = tpu.memref_slice %arg2[%multiple_of3A_10, %dma_wait3A_43] : memref<10000x128xf32, #tpu.memory_space<hbm>> -> memref<640x128xf32, #tpu.memory_space<hbm>>
        tpu.wait_dma2 semaphore(%run_scoped3A_38 : memref<!tpu.dma_semaphore, #tpu.memory_space<semaphore_mem>>) src(%dma_wait3A_44 : memref<640x128xf32, #tpu.memory_space<hbm>>) dst(%dma_wait3A_42 : memref<640x128xf32, #tpu.memory_space<vmem_shared>>)
        tpu.yield
      }) : () -> ()
    } else {
    }
    %eq3A_14 = arith.constant 0 : i32
    %eq3A_15 = arith.cmpi eq, %arg0, %eq3A_14 : i32
    %eq3A_16 = arith.constant 15 : i32
    %eq3A_17 = arith.cmpi eq, %arg1, %eq3A_16 : i32
    %and3A_18 = arith.andi %eq3A_15, %eq3A_17 : i1
    %convert_element_type3A_19 = arith.extui %and3A_18 : i1 to i32
    %cond3A_20 = arith.constant 0 : i32
    %cond3A_21 = arith.cmpi ne, %convert_element_type3A_19, %cond3A_20 : i32
    scf.if %cond3A_21 {
      "tpu.region"() ({
        %run_scoped3A_38 = tpu.sem_alloc : memref<!tpu.dma_semaphore, #tpu.memory_space<semaphore_mem>>
        %dma_start3A = arith.constant 0 : i32
        %dma_start3A_39 = tpu.memref_slice %arg5[%multiple_of3A_10, %dma_start3A] : memref<10240x128xf32, #tpu.memory_space<vmem_shared>> -> memref<400x128xf32, #tpu.memory_space<vmem_shared>>
        %dma_start3A_40 = arith.constant 0 : i32
        %dma_start3A_41 = tpu.memref_slice %arg2[%multiple_of3A_10, %dma_start3A_40] : memref<10000x128xf32, #tpu.memory_space<hbm>> -> memref<400x128xf32, #tpu.memory_space<hbm>>
        tpu.enqueue_dma source(%dma_start3A_41 : memref<400x128xf32, #tpu.memory_space<hbm>>) target(%dma_start3A_39 : memref<400x128xf32, #tpu.memory_space<vmem_shared>>) target_semaphore(%run_scoped3A_38 : memref<!tpu.dma_semaphore, #tpu.memory_space<semaphore_mem>>)
        %dma_wait3A = arith.constant 0 : i32
        %dma_wait3A_42 = tpu.memref_slice %arg5[%multiple_of3A_10, %dma_wait3A] : memref<10240x128xf32, #tpu.memory_space<vmem_shared>> -> memref<400x128xf32, #tpu.memory_space<vmem_shared>>
        %dma_wait3A_43 = arith.constant 0 : i32
        %dma_wait3A_44 = tpu.memref_slice %arg2[%multiple_of3A_10, %dma_wait3A_43] : memref<10000x128xf32, #tpu.memory_space<hbm>> -> memref<400x128xf32, #tpu.memory_space<hbm>>
        tpu.wait_dma2 semaphore(%run_scoped3A_38 : memref<!tpu.dma_semaphore, #tpu.memory_space<semaphore_mem>>) src(%dma_wait3A_44 : memref<400x128xf32, #tpu.memory_space<hbm>>) dst(%dma_wait3A_42 : memref<400x128xf32, #tpu.memory_space<vmem_shared>>)
        tpu.yield
      }) : () -> ()
    } else {
    }
    %eq3A_22 = arith.constant 1 : i32
    %eq3A_23 = arith.cmpi eq, %arg0, %eq3A_22 : i32
    %convert_element_type3A_24 = arith.extui %eq3A_23 : i1 to i32
    %cond3A_25 = arith.constant 0 : i32
    %cond3A_26 = arith.cmpi ne, %convert_element_type3A_24, %cond3A_25 : i32
    scf.if %cond3A_26 {
      %broadcast_in_dim3A = arith.constant 0.000000e+00 : f32
      %broadcast_in_dim3A_38 = vector.broadcast %broadcast_in_dim3A : f32 to vector<16xf32>
      %scan3A_39 = arith.constant 0 : i32
      %scan3A_40 = arith.constant 0 : i32
      %scan3A_41 = arith.constant 128 : i32
      %scan3A_42 = arith.addi %scan3A_40, %scan3A_41 : i32
      %scan3A_43 = arith.constant 1 : i32
      scf.for %scan3A_60 = %scan3A_40 to %scan3A_42 step %scan3A_43  : i32 {
        %swap3A = arith.index_cast %scan3A_60 : i32 to index
        %swap3A_61 = arith.constant 0 : index
        %swap3A_62 = tpu.vector_load %arg8[%swap3A, %swap3A_61] {strides = array<i32>} : memref<128x128xf32, #tpu.memory_space<vmem>>, vector<1x16xf32>,
        %swap3A_63 = vector.shape_cast %swap3A_62 : vector<1x16xf32> to vector<16xf32>
        %swap3A_64 = vector.shape_cast %broadcast_in_dim3A_38 : vector<16xf32> to vector<1x16xf32>
        tpu.vector_store %arg8[%swap3A, %swap3A_61], %swap3A_64 {strides = array<i32>} : memref<128x128xf32, #tpu.memory_space<vmem>>, vector<1x16xf32>,
        %swap3A_65 = arith.index_cast %scan3A_60 : i32 to index
        %swap3A_66 = arith.constant 16 : index
        %swap3A_67 = tpu.vector_load %arg8[%swap3A_65, %swap3A_66] {strides = array<i32>} : memref<128x128xf32, #tpu.memory_space<vmem>>, vector<1x16xf32>,
        %swap3A_68 = vector.shape_cast %swap3A_67 : vector<1x16xf32> to vector<16xf32>
        %swap3A_69 = vector.shape_cast %broadcast_in_dim3A_38 : vector<16xf32> to vector<1x16xf32>
        tpu.vector_store %arg8[%swap3A_65, %swap3A_66], %swap3A_69 {strides = array<i32>} : memref<128x128xf32, #tpu.memory_space<vmem>>, vector<1x16xf32>,
        %swap3A_70 = arith.index_cast %scan3A_60 : i32 to index
        %swap3A_71 = arith.constant 32 : index
        %swap3A_72 = tpu.vector_load %arg8[%swap3A_70, %swap3A_71] {strides = array<i32>} : memref<128x128xf32, #tpu.memory_space<vmem>>, vector<1x16xf32>,
        %swap3A_73 = vector.shape_cast %swap3A_72 : vector<1x16xf32> to vector<16xf32>
        %swap3A_74 = vector.shape_cast %broadcast_in_dim3A_38 : vector<16xf32> to vector<1x16xf32>
        tpu.vector_store %arg8[%swap3A_70, %swap3A_71], %swap3A_74 {strides = array<i32>} : memref<128x128xf32, #tpu.memory_space<vmem>>, vector<1x16xf32>,
        %swap3A_75 = arith.index_cast %scan3A_60 : i32 to index
        %swap3A_76 = arith.constant 48 : index
        %swap3A_77 = tpu.vector_load %arg8[%swap3A_75, %swap3A_76] {strides = array<i32>} : memref<128x128xf32, #tpu.memory_space<vmem>>, vector<1x16xf32>,
        %swap3A_78 = vector.shape_cast %swap3A_77 : vector<1x16xf32> to vector<16xf32>
        %swap3A_79 = vector.shape_cast %broadcast_in_dim3A_38 : vector<16xf32> to vector<1x16xf32>
        tpu.vector_store %arg8[%swap3A_75, %swap3A_76], %swap3A_79 {strides = array<i32>} : memref<128x128xf32, #tpu.memory_space<vmem>>, vector<1x16xf32>,
        %swap3A_80 = arith.index_cast %scan3A_60 : i32 to index
        %swap3A_81 = arith.constant 64 : index
        %swap3A_82 = tpu.vector_load %arg8[%swap3A_80, %swap3A_81] {strides = array<i32>} : memref<128x128xf32, #tpu.memory_space<vmem>>, vector<1x16xf32>,
        %swap3A_83 = vector.shape_cast %swap3A_82 : vector<1x16xf32> to vector<16xf32>
        %swap3A_84 = vector.shape_cast %broadcast_in_dim3A_38 : vector<16xf32> to vector<1x16xf32>
        tpu.vector_store %arg8[%swap3A_80, %swap3A_81], %swap3A_84 {strides = array<i32>} : memref<128x128xf32, #tpu.memory_space<vmem>>, vector<1x16xf32>,
        %swap3A_85 = arith.index_cast %scan3A_60 : i32 to index
        %swap3A_86 = arith.constant 80 : index
        %swap3A_87 = tpu.vector_load %arg8[%swap3A_85, %swap3A_86] {strides = array<i32>} : memref<128x128xf32, #tpu.memory_space<vmem>>, vector<1x16xf32>,
        %swap3A_88 = vector.shape_cast %swap3A_87 : vector<1x16xf32> to vector<16xf32>
        %swap3A_89 = vector.shape_cast %broadcast_in_dim3A_38 : vector<16xf32> to vector<1x16xf32>
        tpu.vector_store %arg8[%swap3A_85, %swap3A_86], %swap3A_89 {strides = array<i32>} : memref<128x128xf32, #tpu.memory_space<vmem>>, vector<1x16xf32>,
        %swap3A_90 = arith.index_cast %scan3A_60 : i32 to index
        %swap3A_91 = arith.constant 96 : index
        %swap3A_92 = tpu.vector_load %arg8[%swap3A_90, %swap3A_91] {strides = array<i32>} : memref<128x128xf32, #tpu.memory_space<vmem>>, vector<1x16xf32>,
        %swap3A_93 = vector.shape_cast %swap3A_92 : vector<1x16xf32> to vector<16xf32>
        %swap3A_94 = vector.shape_cast %broadcast_in_dim3A_38 : vector<16xf32> to vector<1x16xf32>
        tpu.vector_store %arg8[%swap3A_90, %swap3A_91], %swap3A_94 {strides = array<i32>} : memref<128x128xf32, #tpu.memory_space<vmem>>, vector<1x16xf32>,
        %swap3A_95 = arith.index_cast %scan3A_60 : i32 to index
        %swap3A_96 = arith.constant 112 : index
        %swap3A_97 = tpu.vector_load %arg8[%swap3A_95, %swap3A_96] {strides = array<i32>} : memref<128x128xf32, #tpu.memory_space<vmem>>, vector<1x16xf32>,
        %swap3A_98 = vector.shape_cast %swap3A_97 : vector<1x16xf32> to vector<16xf32>
        %swap3A_99 = vector.shape_cast %broadcast_in_dim3A_38 : vector<16xf32> to vector<1x16xf32>
        tpu.vector_store %arg8[%swap3A_95, %swap3A_96], %swap3A_99 {strides = array<i32>} : memref<128x128xf32, #tpu.memory_space<vmem>>, vector<1x16xf32>,
      }
      %scan3A_44 = arith.constant 128 : i32
      %add3A_45 = arith.constant 0 : i32
      %add3A_46 = arith.addi %multiple_of3A_10, %add3A_45 : i32
      %multiple_of3A_47 = tpu.assume_multiple %add3A_46, 8 : i32
      "tpu.region"() ({
        %run_scoped3A_60 = tpu.sem_alloc : memref<!tpu.dma_semaphore, #tpu.memory_space<semaphore_mem>>
        %dma_start3A = arith.constant 0 : i32
        %dma_start3A_61 = tpu.memref_slice %arg5[%multiple_of3A_47, %dma_start3A] : memref<10240x128xf32, #tpu.memory_space<vmem_shared>> -> memref<128x128xf32, #tpu.memory_space<vmem_shared>>
        %dma_start3A_62 = arith.constant 0 : i32
        %dma_start3A_63 = tpu.memref_slice %arg5[%multiple_of3A_47, %dma_start3A_62] : memref<10240x128xf32, #tpu.memory_space<vmem_shared>> -> memref<128x128xf32, #tpu.memory_space<vmem_shared>>
        tpu.enqueue_dma source(%arg8 : memref<128x128xf32, #tpu.memory_space<vmem>>) target(%dma_start3A_63 : memref<128x128xf32, #tpu.memory_space<vmem_shared>>) target_semaphore(%run_scoped3A_60 : memref<!tpu.dma_semaphore, #tpu.memory_space<semaphore_mem>>)
        %dma_wait3A = arith.constant 0 : i32
        %dma_wait3A_64 = tpu.memref_slice %arg5[%multiple_of3A_47, %dma_wait3A] : memref<10240x128xf32, #tpu.memory_space<vmem_shared>> -> memref<128x128xf32, #tpu.memory_space<vmem_shared>>
        %dma_wait3A_65 = arith.constant 0 : i32
        %dma_wait3A_66 = tpu.memref_slice %arg5[%multiple_of3A_47, %dma_wait3A_65] : memref<10240x128xf32, #tpu.memory_space<vmem_shared>> -> memref<128x128xf32, #tpu.memory_space<vmem_shared>>
        tpu.wait_dma2 semaphore(%run_scoped3A_60 : memref<!tpu.dma_semaphore, #tpu.memory_space<semaphore_mem>>) src(%arg8 : memref<128x128xf32, #tpu.memory_space<vmem>>) dst(%dma_wait3A_66 : memref<128x128xf32, #tpu.memory_space<vmem_shared>>)
        tpu.yield
      }) : () -> ()
      %add3A_48 = arith.constant 128 : i32
      %add3A_49 = arith.addi %multiple_of3A_10, %add3A_48 : i32
      %multiple_of3A_50 = tpu.assume_multiple %add3A_49, 8 : i32
      "tpu.region"() ({
        %run_scoped3A_60 = tpu.sem_alloc : memref<!tpu.dma_semaphore, #tpu.memory_space<semaphore_mem>>
        %dma_start3A = arith.constant 0 : i32
        %dma_start3A_61 = tpu.memref_slice %arg5[%multiple_of3A_50, %dma_start3A] : memref<10240x128xf32, #tpu.memory_space<vmem_shared>> -> memref<128x128xf32, #tpu.memory_space<vmem_shared>>
        %dma_start3A_62 = arith.constant 0 : i32
        %dma_start3A_63 = tpu.memref_slice %arg5[%multiple_of3A_50, %dma_start3A_62] : memref<10240x128xf32, #tpu.memory_space<vmem_shared>> -> memref<128x128xf32, #tpu.memory_space<vmem_shared>>
        tpu.enqueue_dma source(%arg8 : memref<128x128xf32, #tpu.memory_space<vmem>>) target(%dma_start3A_63 : memref<128x128xf32, #tpu.memory_space<vmem_shared>>) target_semaphore(%run_scoped3A_60 : memref<!tpu.dma_semaphore, #tpu.memory_space<semaphore_mem>>)
        %dma_wait3A = arith.constant 0 : i32
        %dma_wait3A_64 = tpu.memref_slice %arg5[%multiple_of3A_50, %dma_wait3A] : memref<10240x128xf32, #tpu.memory_space<vmem_shared>> -> memref<128x128xf32, #tpu.memory_space<vmem_shared>>
        %dma_wait3A_65 = arith.constant 0 : i32
        %dma_wait3A_66 = tpu.memref_slice %arg5[%multiple_of3A_50, %dma_wait3A_65] : memref<10240x128xf32, #tpu.memory_space<vmem_shared>> -> memref<128x128xf32, #tpu.memory_space<vmem_shared>>
        tpu.wait_dma2 semaphore(%run_scoped3A_60 : memref<!tpu.dma_semaphore, #tpu.memory_space<semaphore_mem>>) src(%arg8 : memref<128x128xf32, #tpu.memory_space<vmem>>) dst(%dma_wait3A_66 : memref<128x128xf32, #tpu.memory_space<vmem_shared>>)
        tpu.yield
      }) : () -> ()
      %add3A_51 = arith.constant 256 : i32
      %add3A_52 = arith.addi %multiple_of3A_10, %add3A_51 : i32
      %multiple_of3A_53 = tpu.assume_multiple %add3A_52, 8 : i32
      "tpu.region"() ({
        %run_scoped3A_60 = tpu.sem_alloc : memref<!tpu.dma_semaphore, #tpu.memory_space<semaphore_mem>>
        %dma_start3A = arith.constant 0 : i32
        %dma_start3A_61 = tpu.memref_slice %arg5[%multiple_of3A_53, %dma_start3A] : memref<10240x128xf32, #tpu.memory_space<vmem_shared>> -> memref<128x128xf32, #tpu.memory_space<vmem_shared>>
        %dma_start3A_62 = arith.constant 0 : i32
        %dma_start3A_63 = tpu.memref_slice %arg5[%multiple_of3A_53, %dma_start3A_62] : memref<10240x128xf32, #tpu.memory_space<vmem_shared>> -> memref<128x128xf32, #tpu.memory_space<vmem_shared>>
        tpu.enqueue_dma source(%arg8 : memref<128x128xf32, #tpu.memory_space<vmem>>) target(%dma_start3A_63 : memref<128x128xf32, #tpu.memory_space<vmem_shared>>) target_semaphore(%run_scoped3A_60 : memref<!tpu.dma_semaphore, #tpu.memory_space<semaphore_mem>>)
        %dma_wait3A = arith.constant 0 : i32
        %dma_wait3A_64 = tpu.memref_slice %arg5[%multiple_of3A_53, %dma_wait3A] : memref<10240x128xf32, #tpu.memory_space<vmem_shared>> -> memref<128x128xf32, #tpu.memory_space<vmem_shared>>
        %dma_wait3A_65 = arith.constant 0 : i32
        %dma_wait3A_66 = tpu.memref_slice %arg5[%multiple_of3A_53, %dma_wait3A_65] : memref<10240x128xf32, #tpu.memory_space<vmem_shared>> -> memref<128x128xf32, #tpu.memory_space<vmem_shared>>
        tpu.wait_dma2 semaphore(%run_scoped3A_60 : memref<!tpu.dma_semaphore, #tpu.memory_space<semaphore_mem>>) src(%arg8 : memref<128x128xf32, #tpu.memory_space<vmem>>) dst(%dma_wait3A_66 : memref<128x128xf32, #tpu.memory_space<vmem_shared>>)
        tpu.yield
      }) : () -> ()
      %add3A_54 = arith.constant 384 : i32
      %add3A_55 = arith.addi %multiple_of3A_10, %add3A_54 : i32
      %multiple_of3A_56 = tpu.assume_multiple %add3A_55, 8 : i32
      "tpu.region"() ({
        %run_scoped3A_60 = tpu.sem_alloc : memref<!tpu.dma_semaphore, #tpu.memory_space<semaphore_mem>>
        %dma_start3A = arith.constant 0 : i32
        %dma_start3A_61 = tpu.memref_slice %arg5[%multiple_of3A_56, %dma_start3A] : memref<10240x128xf32, #tpu.memory_space<vmem_shared>> -> memref<128x128xf32, #tpu.memory_space<vmem_shared>>
        %dma_start3A_62 = arith.constant 0 : i32
        %dma_start3A_63 = tpu.memref_slice %arg5[%multiple_of3A_56, %dma_start3A_62] : memref<10240x128xf32, #tpu.memory_space<vmem_shared>> -> memref<128x128xf32, #tpu.memory_space<vmem_shared>>
        tpu.enqueue_dma source(%arg8 : memref<128x128xf32, #tpu.memory_space<vmem>>) target(%dma_start3A_63 : memref<128x128xf32, #tpu.memory_space<vmem_shared>>) target_semaphore(%run_scoped3A_60 : memref<!tpu.dma_semaphore, #tpu.memory_space<semaphore_mem>>)
        %dma_wait3A = arith.constant 0 : i32
        %dma_wait3A_64 = tpu.memref_slice %arg5[%multiple_of3A_56, %dma_wait3A] : memref<10240x128xf32, #tpu.memory_space<vmem_shared>> -> memref<128x128xf32, #tpu.memory_space<vmem_shared>>
        %dma_wait3A_65 = arith.constant 0 : i32
        %dma_wait3A_66 = tpu.memref_slice %arg5[%multiple_of3A_56, %dma_wait3A_65] : memref<10240x128xf32, #tpu.memory_space<vmem_shared>> -> memref<128x128xf32, #tpu.memory_space<vmem_shared>>
        tpu.wait_dma2 semaphore(%run_scoped3A_60 : memref<!tpu.dma_semaphore, #tpu.memory_space<semaphore_mem>>) src(%arg8 : memref<128x128xf32, #tpu.memory_space<vmem>>) dst(%dma_wait3A_66 : memref<128x128xf32, #tpu.memory_space<vmem_shared>>)
        tpu.yield
      }) : () -> ()
      %add3A_57 = arith.constant 512 : i32
      %add3A_58 = arith.addi %multiple_of3A_10, %add3A_57 : i32
      %multiple_of3A_59 = tpu.assume_multiple %add3A_58, 8 : i32
      "tpu.region"() ({
        %run_scoped3A_60 = tpu.sem_alloc : memref<!tpu.dma_semaphore, #tpu.memory_space<semaphore_mem>>
        %dma_start3A = arith.constant 0 : i32
        %dma_start3A_61 = tpu.memref_slice %arg5[%multiple_of3A_59, %dma_start3A] : memref<10240x128xf32, #tpu.memory_space<vmem_shared>> -> memref<128x128xf32, #tpu.memory_space<vmem_shared>>
        %dma_start3A_62 = arith.constant 0 : i32
        %dma_start3A_63 = tpu.memref_slice %arg5[%multiple_of3A_59, %dma_start3A_62] : memref<10240x128xf32, #tpu.memory_space<vmem_shared>> -> memref<128x128xf32, #tpu.memory_space<vmem_shared>>
        tpu.enqueue_dma source(%arg8 : memref<128x128xf32, #tpu.memory_space<vmem>>) target(%dma_start3A_63 : memref<128x128xf32, #tpu.memory_space<vmem_shared>>) target_semaphore(%run_scoped3A_60 : memref<!tpu.dma_semaphore, #tpu.memory_space<semaphore_mem>>)
        %dma_wait3A = arith.constant 0 : i32
        %dma_wait3A_64 = tpu.memref_slice %arg5[%multiple_of3A_59, %dma_wait3A] : memref<10240x128xf32, #tpu.memory_space<vmem_shared>> -> memref<128x128xf32, #tpu.memory_space<vmem_shared>>
        %dma_wait3A_65 = arith.constant 0 : i32
        %dma_wait3A_66 = tpu.memref_slice %arg5[%multiple_of3A_59, %dma_wait3A_65] : memref<10240x128xf32, #tpu.memory_space<vmem_shared>> -> memref<128x128xf32, #tpu.memory_space<vmem_shared>>
        tpu.wait_dma2 semaphore(%run_scoped3A_60 : memref<!tpu.dma_semaphore, #tpu.memory_space<semaphore_mem>>) src(%arg8 : memref<128x128xf32, #tpu.memory_space<vmem>>) dst(%dma_wait3A_66 : memref<128x128xf32, #tpu.memory_space<vmem_shared>>)
        tpu.yield
      }) : () -> ()
    } else {
    }
    %barrier3A = arith.constant 0 : index
    tpu.barrier barrier_id(%barrier3A)
    %run_scoped3A = arith.constant 0 : i32
    "tpu.region"() ({
      %run_scoped3A_38 = tpu.sem_alloc : memref<!tpu.dma_semaphore, #tpu.memory_space<semaphore_mem>>
      %dma_start3A = arith.constant 0 : i32
      %dma_start3A_39 = arith.constant 0 : i32
      %dma_start3A_40 = tpu.memref_slice %arg6[%dma_start3A, %dma_start3A_39] : memref<32x128xi32, #tpu.memory_space<vmem>> -> memref<16x128xi32, #tpu.memory_space<vmem>>
      %dma_start3A_41 = arith.constant 0 : i32
      %dma_start3A_42 = tpu.memref_slice %arg3[%run_scoped3A, %multiple_of3A, %dma_start3A_41] : memref<2x2560x128xi32, #tpu.memory_space<hbm>> -> memref<1x16x128xi32, #tpu.memory_space<hbm>>
      %dma_start3A_43 = tpu.memref_squeeze %dma_start3A_42 : memref<1x16x128xi32, #tpu.memory_space<hbm>> -> memref<16x128xi32, #tpu.memory_space<hbm>>
      %dma_start3A_44 = arith.constant 0 : i32
      %dma_start3A_45 = arith.constant 0 : i32
      %dma_start3A_46 = tpu.memref_slice %arg6[%dma_start3A_44, %dma_start3A_45] : memref<32x128xi32, #tpu.memory_space<vmem>> -> memref<16x128xi32, #tpu.memory_space<vmem>>
      %dma_start3A_47 = arith.constant 0 : i32
      %dma_start3A_48 = tpu.memref_slice %arg3[%run_scoped3A, %multiple_of3A, %dma_start3A_47] : memref<2x2560x128xi32, #tpu.memory_space<hbm>> -> memref<1x16x128xi32, #tpu.memory_space<hbm>>
      %dma_start3A_49 = tpu.memref_squeeze %dma_start3A_48 : memref<1x16x128xi32, #tpu.memory_space<hbm>> -> memref<16x128xi32, #tpu.memory_space<hbm>>
      tpu.enqueue_dma source(%dma_start3A_49 : memref<16x128xi32, #tpu.memory_space<hbm>>) target(%dma_start3A_46 : memref<16x128xi32, #tpu.memory_space<vmem>>) target_semaphore(%run_scoped3A_38 : memref<!tpu.dma_semaphore, #tpu.memory_space<semaphore_mem>>)
      %dma_wait3A = arith.constant 0 : i32
      %dma_wait3A_50 = arith.constant 0 : i32
      %dma_wait3A_51 = tpu.memref_slice %arg6[%dma_wait3A, %dma_wait3A_50] : memref<32x128xi32, #tpu.memory_space<vmem>> -> memref<16x128xi32, #tpu.memory_space<vmem>>
      %dma_wait3A_52 = arith.constant 0 : i32
      %dma_wait3A_53 = tpu.memref_slice %arg3[%run_scoped3A, %multiple_of3A, %dma_wait3A_52] : memref<2x2560x128xi32, #tpu.memory_space<hbm>> -> memref<1x16x128xi32, #tpu.memory_space<hbm>>
      %dma_wait3A_54 = tpu.memref_squeeze %dma_wait3A_53 : memref<1x16x128xi32, #tpu.memory_space<hbm>> -> memref<16x128xi32, #tpu.memory_space<hbm>>
      %dma_wait3A_55 = arith.constant 0 : i32
      %dma_wait3A_56 = arith.constant 0 : i32
      %dma_wait3A_57 = tpu.memref_slice %arg6[%dma_wait3A_55, %dma_wait3A_56] : memref<32x128xi32, #tpu.memory_space<vmem>> -> memref<16x128xi32, #tpu.memory_space<vmem>>
      %dma_wait3A_58 = arith.constant 0 : i32
      %dma_wait3A_59 = tpu.memref_slice %arg3[%run_scoped3A, %multiple_of3A, %dma_wait3A_58] : memref<2x2560x128xi32, #tpu.memory_space<hbm>> -> memref<1x16x128xi32, #tpu.memory_space<hbm>>
      %dma_wait3A_60 = tpu.memref_squeeze %dma_wait3A_59 : memref<1x16x128xi32, #tpu.memory_space<hbm>> -> memref<16x128xi32, #tpu.memory_space<hbm>>
      tpu.wait_dma2 semaphore(%run_scoped3A_38 : memref<!tpu.dma_semaphore, #tpu.memory_space<semaphore_mem>>) src(%dma_wait3A_60 : memref<16x128xi32, #tpu.memory_space<hbm>>) dst(%dma_wait3A_57 : memref<16x128xi32, #tpu.memory_space<vmem>>)
      tpu.yield
    }) : () -> ()
    %run_scoped3A_27 = arith.constant 1 : i32
    "tpu.region"() ({
      %run_scoped3A_38 = tpu.sem_alloc : memref<!tpu.dma_semaphore, #tpu.memory_space<semaphore_mem>>
      %dma_start3A = arith.constant 0 : i32
      %dma_start3A_39 = arith.constant 0 : i32
      %dma_start3A_40 = tpu.memref_slice %arg7[%dma_start3A, %dma_start3A_39] : memref<32x128xi32, #tpu.memory_space<vmem>> -> memref<16x128xi32, #tpu.memory_space<vmem>>
      %dma_start3A_41 = arith.constant 0 : i32
      %dma_start3A_42 = tpu.memref_slice %arg3[%run_scoped3A_27, %multiple_of3A, %dma_start3A_41] : memref<2x2560x128xi32, #tpu.memory_space<hbm>> -> memref<1x16x128xi32, #tpu.memory_space<hbm>>
      %dma_start3A_43 = tpu.memref_squeeze %dma_start3A_42 : memref<1x16x128xi32, #tpu.memory_space<hbm>> -> memref<16x128xi32, #tpu.memory_space<hbm>>
      %dma_start3A_44 = arith.constant 0 : i32
      %dma_start3A_45 = arith.constant 0 : i32
      %dma_start3A_46 = tpu.memref_slice %arg7[%dma_start3A_44, %dma_start3A_45] : memref<32x128xi32, #tpu.memory_space<vmem>> -> memref<16x128xi32, #tpu.memory_space<vmem>>
      %dma_start3A_47 = arith.constant 0 : i32
      %dma_start3A_48 = tpu.memref_slice %arg3[%run_scoped3A_27, %multiple_of3A, %dma_start3A_47] : memref<2x2560x128xi32, #tpu.memory_space<hbm>> -> memref<1x16x128xi32, #tpu.memory_space<hbm>>
      %dma_start3A_49 = tpu.memref_squeeze %dma_start3A_48 : memref<1x16x128xi32, #tpu.memory_space<hbm>> -> memref<16x128xi32, #tpu.memory_space<hbm>>
      tpu.enqueue_dma source(%dma_start3A_49 : memref<16x128xi32, #tpu.memory_space<hbm>>) target(%dma_start3A_46 : memref<16x128xi32, #tpu.memory_space<vmem>>) target_semaphore(%run_scoped3A_38 : memref<!tpu.dma_semaphore, #tpu.memory_space<semaphore_mem>>)
      %dma_wait3A = arith.constant 0 : i32
      %dma_wait3A_50 = arith.constant 0 : i32
      %dma_wait3A_51 = tpu.memref_slice %arg7[%dma_wait3A, %dma_wait3A_50] : memref<32x128xi32, #tpu.memory_space<vmem>> -> memref<16x128xi32, #tpu.memory_space<vmem>>
      %dma_wait3A_52 = arith.constant 0 : i32
      %dma_wait3A_53 = tpu.memref_slice %arg3[%run_scoped3A_27, %multiple_of3A, %dma_wait3A_52] : memref<2x2560x128xi32, #tpu.memory_space<hbm>> -> memref<1x16x128xi32, #tpu.memory_space<hbm>>
      %dma_wait3A_54 = tpu.memref_squeeze %dma_wait3A_53 : memref<1x16x128xi32, #tpu.memory_space<hbm>> -> memref<16x128xi32, #tpu.memory_space<hbm>>
      %dma_wait3A_55 = arith.constant 0 : i32
      %dma_wait3A_56 = arith.constant 0 : i32
      %dma_wait3A_57 = tpu.memref_slice %arg7[%dma_wait3A_55, %dma_wait3A_56] : memref<32x128xi32, #tpu.memory_space<vmem>> -> memref<16x128xi32, #tpu.memory_space<vmem>>
      %dma_wait3A_58 = arith.constant 0 : i32
      %dma_wait3A_59 = tpu.memref_slice %arg3[%run_scoped3A_27, %multiple_of3A, %dma_wait3A_58] : memref<2x2560x128xi32, #tpu.memory_space<hbm>> -> memref<1x16x128xi32, #tpu.memory_space<hbm>>
      %dma_wait3A_60 = tpu.memref_squeeze %dma_wait3A_59 : memref<1x16x128xi32, #tpu.memory_space<hbm>> -> memref<16x128xi32, #tpu.memory_space<hbm>>
      tpu.wait_dma2 semaphore(%run_scoped3A_38 : memref<!tpu.dma_semaphore, #tpu.memory_space<semaphore_mem>>) src(%dma_wait3A_60 : memref<16x128xi32, #tpu.memory_space<hbm>>) dst(%dma_wait3A_57 : memref<16x128xi32, #tpu.memory_space<vmem>>)
      tpu.yield
    }) : () -> ()
    %gt3A = arith.constant 0 : i32
    %gt3A_28 = arith.cmpi sgt, %min3A_7, %gt3A : i32
    %convert_element_type3A_29 = arith.extui %gt3A_28 : i1 to i32
    %cond3A_30 = arith.constant 0 : i32
    %cond3A_31 = arith.cmpi ne, %convert_element_type3A_29, %cond3A_30 : i32
    scf.if %cond3A_31 {
      %dma_start3A = arith.constant 0 : i32
      %dma_start3A_38 = arith.constant 0 : i32
      %dma_start3A_39 = tpu.memref_slice %arg6[%dma_start3A, %dma_start3A_38] : memref<32x128xi32, #tpu.memory_space<vmem>> -> memref<1x128xi32, #tpu.memory_space<vmem>>
      %dma_start3A_40 = tpu.memref_squeeze %dma_start3A_39 : memref<1x128xi32, #tpu.memory_space<vmem>> -> memref<128xi32, #tpu.memory_space<vmem>>
      %dma_start3A_41 = arith.constant 0 : i32
      %dma_start3A_42 = arith.constant 0 : i32
      %dma_start3A_43 = tpu.memref_slice %arg2[%dma_start3A_41, %dma_start3A_42] : memref<10000x128xf32, #tpu.memory_space<hbm>> -> memref<10000x128xf32, #tpu.memory_space<hbm>>
      tpu.enqueue_indirect_dma source(%dma_start3A_43 : memref<10000x128xf32, #tpu.memory_space<hbm>>) target(%arg8 : memref<128x128xf32, #tpu.memory_space<vmem>>) offsets(%dma_start3A_40 : memref<128xi32, #tpu.memory_space<vmem>>) semaphore(%arg10 : memref<!tpu.dma_semaphore, #tpu.memory_space<semaphore_mem>>)
    } else {
    }
    %scan3A = arith.constant 0 : i32
    %scan3A_32 = arith.constant 0 : i32
    %scan3A_33 = arith.constant 5 : i32
    %scan3A_34 = arith.addi %scan3A_32, %scan3A_33 : i32
    %scan3A_35 = arith.constant 1 : i32
    scf.for %scan3A_38 = %scan3A_32 to %scan3A_34 step %scan3A_35  : i32 {
      %jit3A = arith.constant 2 : i32
      %eq3A_39 = arith.constant 0 : i32
      %eq3A_40 = arith.cmpi eq, %jit3A, %eq3A_39 : i32
      %jit3A_41 = arith.constant 1 : i32
      %select_n3A = arith.select %eq3A_40, %jit3A_41, %jit3A : i32
      %rem3A = arith.remsi %scan3A_38, %select_n3A : i32
      %ne3A = arith.constant 0 : i32
      %ne3A_42 = arith.cmpi ne, %rem3A, %ne3A : i32
      %lt3A_43 = arith.constant 0 : i32
      %lt3A_44 = arith.cmpi slt, %rem3A, %lt3A_43 : i32
      %lt3A_45 = arith.constant 0 : i32
      %lt3A_46 = arith.cmpi slt, %select_n3A, %lt3A_45 : i32
      %ne3A_47 = arith.xori %lt3A_44, %lt3A_46 : i1
      %and3A_48 = arith.andi %ne3A_47, %ne3A_42 : i1
      %add3A_49 = arith.addi %rem3A, %select_n3A : i32
      %select_n3A_50 = arith.select %and3A_48, %add3A_49, %rem3A : i32
      %mul3A_51 = arith.constant 16 : i32
      %mul3A_52 = arith.muli %select_n3A_50, %mul3A_51 : i32
      %sub3A_53 = arith.constant 16 : i32
      %sub3A_54 = arith.subi %sub3A_53, %mul3A_52 : i32
      %mul3A_55 = arith.constant 16 : i32
      %mul3A_56 = arith.muli %scan3A_38, %mul3A_55 : i32
      %add3A_57 = arith.constant 1 : i32
      %add3A_58 = arith.addi %scan3A_38, %add3A_57 : i32
      %mul3A_59 = arith.constant 16 : i32
      %mul3A_60 = arith.muli %add3A_58, %mul3A_59 : i32
      %add3A_61 = arith.addi %multiple_of3A, %mul3A_60 : i32
      %multiple_of3A_62 = tpu.assume_multiple %add3A_61, 8 : i32
      %add3A_63 = arith.constant 1 : i32
      %add3A_64 = arith.addi %scan3A_38, %add3A_63 : i32
      %lt3A_65 = arith.constant 5 : i32
      %lt3A_66 = arith.cmpi slt, %add3A_64, %lt3A_65 : i32
      %convert_element_type3A_67 = arith.extui %lt3A_66 : i1 to i32
      %cond3A_68 = arith.constant 0 : i32
      %cond3A_69 = arith.cmpi ne, %convert_element_type3A_67, %cond3A_68 : i32
      scf.if %cond3A_69 {
        %dma_start3A = arith.constant 0 : i32
        %dma_start3A_76 = arith.constant 0 : i32
        %dma_start3A_77 = tpu.memref_slice %arg6[%sub3A_54, %dma_start3A_76] : memref<32x128xi32, #tpu.memory_space<vmem>> -> memref<16x128xi32, #tpu.memory_space<vmem>>
        %dma_start3A_78 = arith.constant 0 : i32
        %dma_start3A_79 = tpu.memref_slice %arg3[%dma_start3A, %multiple_of3A_62, %dma_start3A_78] : memref<2x2560x128xi32, #tpu.memory_space<hbm>> -> memref<1x16x128xi32, #tpu.memory_space<hbm>>
        %dma_start3A_80 = tpu.memref_squeeze %dma_start3A_79 : memref<1x16x128xi32, #tpu.memory_space<hbm>> -> memref<16x128xi32, #tpu.memory_space<hbm>>
        %dma_start3A_81 = arith.constant 0 : i32
        %dma_start3A_82 = tpu.memref_slice %arg6[%sub3A_54, %dma_start3A_81] : memref<32x128xi32, #tpu.memory_space<vmem>> -> memref<16x128xi32, #tpu.memory_space<vmem>>
        %dma_start3A_83 = arith.constant 0 : i32
        %dma_start3A_84 = tpu.memref_slice %arg3[%dma_start3A, %multiple_of3A_62, %dma_start3A_83] : memref<2x2560x128xi32, #tpu.memory_space<hbm>> -> memref<1x16x128xi32, #tpu.memory_space<hbm>>
        %dma_start3A_85 = tpu.memref_squeeze %dma_start3A_84 : memref<1x16x128xi32, #tpu.memory_space<hbm>> -> memref<16x128xi32, #tpu.memory_space<hbm>>
        tpu.enqueue_dma source(%dma_start3A_85 : memref<16x128xi32, #tpu.memory_space<hbm>>) target(%dma_start3A_82 : memref<16x128xi32, #tpu.memory_space<vmem>>) target_semaphore(%arg12 : memref<!tpu.dma_semaphore, #tpu.memory_space<semaphore_mem>>)
        %dma_start3A_86 = arith.constant 1 : i32
        %dma_start3A_87 = arith.constant 0 : i32
        %dma_start3A_88 = tpu.memref_slice %arg7[%sub3A_54, %dma_start3A_87] : memref<32x128xi32, #tpu.memory_space<vmem>> -> memref<16x128xi32, #tpu.memory_space<vmem>>
        %dma_start3A_89 = arith.constant 0 : i32
        %dma_start3A_90 = tpu.memref_slice %arg3[%dma_start3A_86, %multiple_of3A_62, %dma_start3A_89] : memref<2x2560x128xi32, #tpu.memory_space<hbm>> -> memref<1x16x128xi32, #tpu.memory_space<hbm>>
        %dma_start3A_91 = tpu.memref_squeeze %dma_start3A_90 : memref<1x16x128xi32, #tpu.memory_space<hbm>> -> memref<16x128xi32, #tpu.memory_space<hbm>>
        %dma_start3A_92 = arith.constant 0 : i32
        %dma_start3A_93 = tpu.memref_slice %arg7[%sub3A_54, %dma_start3A_92] : memref<32x128xi32, #tpu.memory_space<vmem>> -> memref<16x128xi32, #tpu.memory_space<vmem>>
        %dma_start3A_94 = arith.constant 0 : i32
        %dma_start3A_95 = tpu.memref_slice %arg3[%dma_start3A_86, %multiple_of3A_62, %dma_start3A_94] : memref<2x2560x128xi32, #tpu.memory_space<hbm>> -> memref<1x16x128xi32, #tpu.memory_space<hbm>>
        %dma_start3A_96 = tpu.memref_squeeze %dma_start3A_95 : memref<1x16x128xi32, #tpu.memory_space<hbm>> -> memref<16x128xi32, #tpu.memory_space<hbm>>
        tpu.enqueue_dma source(%dma_start3A_96 : memref<16x128xi32, #tpu.memory_space<hbm>>) target(%dma_start3A_93 : memref<16x128xi32, #tpu.memory_space<vmem>>) target_semaphore(%arg13 : memref<!tpu.dma_semaphore, #tpu.memory_space<semaphore_mem>>)
      } else {
      }
      %scan3A_70 = arith.constant 0 : i32
      %scan3A_71 = arith.constant 0 : i32
      %scan3A_72 = arith.constant 8 : i32
      %scan3A_73 = arith.addi %scan3A_71, %scan3A_72 : i32
      %scan3A_74 = arith.constant 1 : i32
      scf.for %scan3A_76 = %scan3A_71 to %scan3A_73 step %scan3A_74  : i32 {
        %eq3A_77 = arith.constant 3 : i32
        %eq3A_78 = arith.cmpi eq, %scan3A_76, %eq3A_77 : i32
        %add3A_79 = arith.constant 1 : i32
        %add3A_80 = arith.addi %scan3A_38, %add3A_79 : i32
        %lt3A_81 = arith.constant 5 : i32
        %lt3A_82 = arith.cmpi slt, %add3A_80, %lt3A_81 : i32
        %and3A_83 = arith.andi %eq3A_78, %lt3A_82 : i1
        %convert_element_type3A_84 = arith.extui %and3A_83 : i1 to i32
        %cond3A_85 = arith.constant 0 : i32
        %cond3A_86 = arith.cmpi ne, %convert_element_type3A_84, %cond3A_85 : i32
        scf.if %cond3A_86 {
          %dma_wait3A = arith.constant 0 : i32
          %dma_wait3A_133 = arith.constant 0 : i32
          %dma_wait3A_134 = tpu.memref_slice %arg6[%sub3A_54, %dma_wait3A_133] : memref<32x128xi32, #tpu.memory_space<vmem>> -> memref<16x128xi32, #tpu.memory_space<vmem>>
          %dma_wait3A_135 = arith.constant 0 : i32
          %dma_wait3A_136 = tpu.memref_slice %arg3[%dma_wait3A, %multiple_of3A_62, %dma_wait3A_135] : memref<2x2560x128xi32, #tpu.memory_space<hbm>> -> memref<1x16x128xi32, #tpu.memory_space<hbm>>
          %dma_wait3A_137 = tpu.memref_squeeze %dma_wait3A_136 : memref<1x16x128xi32, #tpu.memory_space<hbm>> -> memref<16x128xi32, #tpu.memory_space<hbm>>
          %dma_wait3A_138 = arith.constant 0 : i32
          %dma_wait3A_139 = tpu.memref_slice %arg6[%sub3A_54, %dma_wait3A_138] : memref<32x128xi32, #tpu.memory_space<vmem>> -> memref<16x128xi32, #tpu.memory_space<vmem>>
          %dma_wait3A_140 = arith.constant 0 : i32
          %dma_wait3A_141 = tpu.memref_slice %arg3[%dma_wait3A, %multiple_of3A_62, %dma_wait3A_140] : memref<2x2560x128xi32, #tpu.memory_space<hbm>> -> memref<1x16x128xi32, #tpu.memory_space<hbm>>
          %dma_wait3A_142 = tpu.memref_squeeze %dma_wait3A_141 : memref<1x16x128xi32, #tpu.memory_space<hbm>> -> memref<16x128xi32, #tpu.memory_space<hbm>>
          tpu.wait_dma2 semaphore(%arg12 : memref<!tpu.dma_semaphore, #tpu.memory_space<semaphore_mem>>) src(%dma_wait3A_142 : memref<16x128xi32, #tpu.memory_space<hbm>>) dst(%dma_wait3A_139 : memref<16x128xi32, #tpu.memory_space<vmem>>)
          %dma_wait3A_143 = arith.constant 1 : i32
          %dma_wait3A_144 = arith.constant 0 : i32
          %dma_wait3A_145 = tpu.memref_slice %arg7[%sub3A_54, %dma_wait3A_144] : memref<32x128xi32, #tpu.memory_space<vmem>> -> memref<16x128xi32, #tpu.memory_space<vmem>>
          %dma_wait3A_146 = arith.constant 0 : i32
          %dma_wait3A_147 = tpu.memref_slice %arg3[%dma_wait3A_143, %multiple_of3A_62, %dma_wait3A_146] : memref<2x2560x128xi32, #tpu.memory_space<hbm>> -> memref<1x16x128xi32, #tpu.memory_space<hbm>>
          %dma_wait3A_148 = tpu.memref_squeeze %dma_wait3A_147 : memref<1x16x128xi32, #tpu.memory_space<hbm>> -> memref<16x128xi32, #tpu.memory_space<hbm>>
          %dma_wait3A_149 = arith.constant 0 : i32
          %dma_wait3A_150 = tpu.memref_slice %arg7[%sub3A_54, %dma_wait3A_149] : memref<32x128xi32, #tpu.memory_space<vmem>> -> memref<16x128xi32, #tpu.memory_space<vmem>>
          %dma_wait3A_151 = arith.constant 0 : i32
          %dma_wait3A_152 = tpu.memref_slice %arg3[%dma_wait3A_143, %multiple_of3A_62, %dma_wait3A_151] : memref<2x2560x128xi32, #tpu.memory_space<hbm>> -> memref<1x16x128xi32, #tpu.memory_space<hbm>>
          %dma_wait3A_153 = tpu.memref_squeeze %dma_wait3A_152 : memref<1x16x128xi32, #tpu.memory_space<hbm>> -> memref<16x128xi32, #tpu.memory_space<hbm>>
          tpu.wait_dma2 semaphore(%arg13 : memref<!tpu.dma_semaphore, #tpu.memory_space<semaphore_mem>>) src(%dma_wait3A_153 : memref<16x128xi32, #tpu.memory_space<hbm>>) dst(%dma_wait3A_150 : memref<16x128xi32, #tpu.memory_space<vmem>>)
        } else {
        }
        %mul3A_87 = arith.constant 2 : i32
        %mul3A_88 = arith.muli %scan3A_76, %mul3A_87 : i32
        %add3A_89 = arith.constant 0 : i32
        %add3A_90 = arith.addi %mul3A_88, %add3A_89 : i32
        %add3A_91 = arith.addi %mul3A_56, %add3A_90 : i32
        %add3A_92 = arith.constant 1 : i32
        %add3A_93 = arith.addi %add3A_90, %add3A_92 : i32
        %lt3A_94 = arith.constant 16 : i32
        %lt3A_95 = arith.cmpi slt, %add3A_93, %lt3A_94 : i32
        %add3A_96 = arith.addi %mul3A_52, %add3A_90 : i32
        %add3A_97 = arith.constant 1 : i32
        %add3A_98 = arith.addi %add3A_96, %add3A_97 : i32
        %select_n3A_99 = arith.select %lt3A_95, %add3A_98, %sub3A_54 : i32
        %add3A_100 = arith.constant 1 : i32
        %add3A_101 = arith.addi %add3A_91, %add3A_100 : i32
        %lt3A_102 = arith.cmpi slt, %add3A_101, %min3A_7 : i32
        %convert_element_type3A_103 = arith.extui %lt3A_102 : i1 to i32
        %cond3A_104 = arith.constant 0 : i32
        %cond3A_105 = arith.cmpi ne, %convert_element_type3A_103, %cond3A_104 : i32
        scf.if %cond3A_105 {
          %dma_start3A = arith.constant 0 : i32
          %dma_start3A_133 = tpu.memref_slice %arg6[%select_n3A_99, %dma_start3A] : memref<32x128xi32, #tpu.memory_space<vmem>> -> memref<1x128xi32, #tpu.memory_space<vmem>>
          %dma_start3A_134 = tpu.memref_squeeze %dma_start3A_133 : memref<1x128xi32, #tpu.memory_space<vmem>> -> memref<128xi32, #tpu.memory_space<vmem>>
          %dma_start3A_135 = arith.constant 0 : i32
          %dma_start3A_136 = arith.constant 0 : i32
          %dma_start3A_137 = tpu.memref_slice %arg2[%dma_start3A_135, %dma_start3A_136] : memref<10000x128xf32, #tpu.memory_space<hbm>> -> memref<10000x128xf32, #tpu.memory_space<hbm>>
          tpu.enqueue_indirect_dma source(%dma_start3A_137 : memref<10000x128xf32, #tpu.memory_space<hbm>>) target(%arg9 : memref<128x128xf32, #tpu.memory_space<vmem>>) offsets(%dma_start3A_134 : memref<128xi32, #tpu.memory_space<vmem>>) semaphore(%arg11 : memref<!tpu.dma_semaphore, #tpu.memory_space<semaphore_mem>>)
        } else {
        }
        %lt3A_106 = arith.cmpi slt, %add3A_91, %min3A_7 : i32
        %convert_element_type3A_107 = arith.extui %lt3A_106 : i1 to i32
        %cond3A_108 = arith.constant 0 : i32
        %cond3A_109 = arith.cmpi ne, %convert_element_type3A_107, %cond3A_108 : i32
        scf.if %cond3A_109 {
          %add3A_133 = arith.addi %mul3A_52, %add3A_90 : i32
          %dma_wait3A = arith.constant 0 : i32
          %dma_wait3A_134 = tpu.memref_slice %arg6[%add3A_133, %dma_wait3A] : memref<32x128xi32, #tpu.memory_space<vmem>> -> memref<1x128xi32, #tpu.memory_space<vmem>>
          %dma_wait3A_135 = tpu.memref_squeeze %dma_wait3A_134 : memref<1x128xi32, #tpu.memory_space<vmem>> -> memref<128xi32, #tpu.memory_space<vmem>>
          %dma_wait3A_136 = arith.constant 0 : i32
          %dma_wait3A_137 = arith.constant 0 : i32
          %dma_wait3A_138 = tpu.memref_slice %arg2[%dma_wait3A_136, %dma_wait3A_137] : memref<10000x128xf32, #tpu.memory_space<hbm>> -> memref<10000x128xf32, #tpu.memory_space<hbm>>
          tpu.wait_indirect_dma semaphore(%arg10 : memref<!tpu.dma_semaphore, #tpu.memory_space<semaphore_mem>>) src(%dma_wait3A_138 : memref<10000x128xf32, #tpu.memory_space<hbm>>) dst(%arg8 : memref<128x128xf32, #tpu.memory_space<vmem>>)
          %add3A_139 = arith.addi %mul3A_52, %add3A_90 : i32
          "tpu.region"() ({
            %run_scoped3A_140 = tpu.sem_alloc : memref<!tpu.dma_semaphore, #tpu.memory_space<semaphore_mem>>
            %dma_start3A = arith.constant 0 : i32
            %dma_start3A_141 = tpu.memref_slice %arg7[%add3A_139, %dma_start3A] : memref<32x128xi32, #tpu.memory_space<vmem>> -> memref<1x128xi32, #tpu.memory_space<vmem>>
            %dma_start3A_142 = tpu.memref_squeeze %dma_start3A_141 : memref<1x128xi32, #tpu.memory_space<vmem>> -> memref<128xi32, #tpu.memory_space<vmem>>
            %dma_start3A_143 = arith.constant 0 : i32
            %dma_start3A_144 = arith.constant 0 : i32
            %dma_start3A_145 = tpu.memref_slice %arg5[%dma_start3A_143, %dma_start3A_144] : memref<10240x128xf32, #tpu.memory_space<vmem_shared>> -> memref<10240x128xf32, #tpu.memory_space<vmem_shared>>
            tpu.enqueue_indirect_dma source(%arg8 : memref<128x128xf32, #tpu.memory_space<vmem>>) target(%dma_start3A_145 : memref<10240x128xf32, #tpu.memory_space<vmem_shared>>) offsets(%dma_start3A_142 : memref<128xi32, #tpu.memory_space<vmem>>) semaphore(%run_scoped3A_140 : memref<!tpu.dma_semaphore, #tpu.memory_space<semaphore_mem>>) {add = true}
            %dma_wait3A_146 = arith.constant 0 : i32
            %dma_wait3A_147 = tpu.memref_slice %arg7[%add3A_139, %dma_wait3A_146] : memref<32x128xi32, #tpu.memory_space<vmem>> -> memref<1x128xi32, #tpu.memory_space<vmem>>
            %dma_wait3A_148 = tpu.memref_squeeze %dma_wait3A_147 : memref<1x128xi32, #tpu.memory_space<vmem>> -> memref<128xi32, #tpu.memory_space<vmem>>
            %dma_wait3A_149 = arith.constant 0 : i32
            %dma_wait3A_150 = arith.constant 0 : i32
            %dma_wait3A_151 = tpu.memref_slice %arg5[%dma_wait3A_149, %dma_wait3A_150] : memref<10240x128xf32, #tpu.memory_space<vmem_shared>> -> memref<10240x128xf32, #tpu.memory_space<vmem_shared>>
            tpu.wait_indirect_dma semaphore(%run_scoped3A_140 : memref<!tpu.dma_semaphore, #tpu.memory_space<semaphore_mem>>) src(%arg8 : memref<128x128xf32, #tpu.memory_space<vmem>>) dst(%dma_wait3A_151 : memref<10240x128xf32, #tpu.memory_space<vmem_shared>>)
            tpu.yield
          }) : () -> ()
        } else {
        }
        %mul3A_110 = arith.constant 2 : i32
        %mul3A_111 = arith.muli %scan3A_76, %mul3A_110 : i32
        %add3A_112 = arith.constant 1 : i32
        %add3A_113 = arith.addi %mul3A_111, %add3A_112 : i32
        %add3A_114 = arith.addi %mul3A_56, %add3A_113 : i32
        %add3A_115 = arith.constant 1 : i32
        %add3A_116 = arith.addi %add3A_113, %add3A_115 : i32
        %lt3A_117 = arith.constant 16 : i32
        %lt3A_118 = arith.cmpi slt, %add3A_116, %lt3A_117 : i32
        %add3A_119 = arith.addi %mul3A_52, %add3A_113 : i32
        %add3A_120 = arith.constant 1 : i32
        %add3A_121 = arith.addi %add3A_119, %add3A_120 : i32
        %select_n3A_122 = arith.select %lt3A_118, %add3A_121, %sub3A_54 : i32
        %add3A_123 = arith.constant 1 : i32
        %add3A_124 = arith.addi %add3A_114, %add3A_123 : i32
        %lt3A_125 = arith.cmpi slt, %add3A_124, %min3A_7 : i32
        %convert_element_type3A_126 = arith.extui %lt3A_125 : i1 to i32
        %cond3A_127 = arith.constant 0 : i32
        %cond3A_128 = arith.cmpi ne, %convert_element_type3A_126, %cond3A_127 : i32
        scf.if %cond3A_128 {
          %dma_start3A = arith.constant 0 : i32
          %dma_start3A_133 = tpu.memref_slice %arg6[%select_n3A_122, %dma_start3A] : memref<32x128xi32, #tpu.memory_space<vmem>> -> memref<1x128xi32, #tpu.memory_space<vmem>>
          %dma_start3A_134 = tpu.memref_squeeze %dma_start3A_133 : memref<1x128xi32, #tpu.memory_space<vmem>> -> memref<128xi32, #tpu.memory_space<vmem>>
          %dma_start3A_135 = arith.constant 0 : i32
          %dma_start3A_136 = arith.constant 0 : i32
          %dma_start3A_137 = tpu.memref_slice %arg2[%dma_start3A_135, %dma_start3A_136] : memref<10000x128xf32, #tpu.memory_space<hbm>> -> memref<10000x128xf32, #tpu.memory_space<hbm>>
          tpu.enqueue_indirect_dma source(%dma_start3A_137 : memref<10000x128xf32, #tpu.memory_space<hbm>>) target(%arg8 : memref<128x128xf32, #tpu.memory_space<vmem>>) offsets(%dma_start3A_134 : memref<128xi32, #tpu.memory_space<vmem>>) semaphore(%arg10 : memref<!tpu.dma_semaphore, #tpu.memory_space<semaphore_mem>>)
        } else {
        }
        %lt3A_129 = arith.cmpi slt, %add3A_114, %min3A_7 : i32
        %convert_element_type3A_130 = arith.extui %lt3A_129 : i1 to i32
        %cond3A_131 = arith.constant 0 : i32
        %cond3A_132 = arith.cmpi ne, %convert_element_type3A_130, %cond3A_131 : i32
        scf.if %cond3A_132 {
          %add3A_133 = arith.addi %mul3A_52, %add3A_113 : i32
          %dma_wait3A = arith.constant 0 : i32
          %dma_wait3A_134 = tpu.memref_slice %arg6[%add3A_133, %dma_wait3A] : memref<32x128xi32, #tpu.memory_space<vmem>> -> memref<1x128xi32, #tpu.memory_space<vmem>>
          %dma_wait3A_135 = tpu.memref_squeeze %dma_wait3A_134 : memref<1x128xi32, #tpu.memory_space<vmem>> -> memref<128xi32, #tpu.memory_space<vmem>>
          %dma_wait3A_136 = arith.constant 0 : i32
          %dma_wait3A_137 = arith.constant 0 : i32
          %dma_wait3A_138 = tpu.memref_slice %arg2[%dma_wait3A_136, %dma_wait3A_137] : memref<10000x128xf32, #tpu.memory_space<hbm>> -> memref<10000x128xf32, #tpu.memory_space<hbm>>
          tpu.wait_indirect_dma semaphore(%arg11 : memref<!tpu.dma_semaphore, #tpu.memory_space<semaphore_mem>>) src(%dma_wait3A_138 : memref<10000x128xf32, #tpu.memory_space<hbm>>) dst(%arg9 : memref<128x128xf32, #tpu.memory_space<vmem>>)
          %add3A_139 = arith.addi %mul3A_52, %add3A_113 : i32
          "tpu.region"() ({
            %run_scoped3A_140 = tpu.sem_alloc : memref<!tpu.dma_semaphore, #tpu.memory_space<semaphore_mem>>
            %dma_start3A = arith.constant 0 : i32
            %dma_start3A_141 = tpu.memref_slice %arg7[%add3A_139, %dma_start3A] : memref<32x128xi32, #tpu.memory_space<vmem>> -> memref<1x128xi32, #tpu.memory_space<vmem>>
            %dma_start3A_142 = tpu.memref_squeeze %dma_start3A_141 : memref<1x128xi32, #tpu.memory_space<vmem>> -> memref<128xi32, #tpu.memory_space<vmem>>
            %dma_start3A_143 = arith.constant 0 : i32
            %dma_start3A_144 = arith.constant 0 : i32
            %dma_start3A_145 = tpu.memref_slice %arg5[%dma_start3A_143, %dma_start3A_144] : memref<10240x128xf32, #tpu.memory_space<vmem_shared>> -> memref<10240x128xf32, #tpu.memory_space<vmem_shared>>
            tpu.enqueue_indirect_dma source(%arg9 : memref<128x128xf32, #tpu.memory_space<vmem>>) target(%dma_start3A_145 : memref<10240x128xf32, #tpu.memory_space<vmem_shared>>) offsets(%dma_start3A_142 : memref<128xi32, #tpu.memory_space<vmem>>) semaphore(%run_scoped3A_140 : memref<!tpu.dma_semaphore, #tpu.memory_space<semaphore_mem>>) {add = true}
            %dma_wait3A_146 = arith.constant 0 : i32
            %dma_wait3A_147 = tpu.memref_slice %arg7[%add3A_139, %dma_wait3A_146] : memref<32x128xi32, #tpu.memory_space<vmem>> -> memref<1x128xi32, #tpu.memory_space<vmem>>
            %dma_wait3A_148 = tpu.memref_squeeze %dma_wait3A_147 : memref<1x128xi32, #tpu.memory_space<vmem>> -> memref<128xi32, #tpu.memory_space<vmem>>
            %dma_wait3A_149 = arith.constant 0 : i32
            %dma_wait3A_150 = arith.constant 0 : i32
            %dma_wait3A_151 = tpu.memref_slice %arg5[%dma_wait3A_149, %dma_wait3A_150] : memref<10240x128xf32, #tpu.memory_space<vmem_shared>> -> memref<10240x128xf32, #tpu.memory_space<vmem_shared>>
            tpu.wait_indirect_dma semaphore(%run_scoped3A_140 : memref<!tpu.dma_semaphore, #tpu.memory_space<semaphore_mem>>) src(%arg9 : memref<128x128xf32, #tpu.memory_space<vmem>>) dst(%dma_wait3A_151 : memref<10240x128xf32, #tpu.memory_space<vmem_shared>>)
            tpu.yield
          }) : () -> ()
        } else {
        }
      }
      %scan3A_75 = arith.constant 8 : i32
    }
    %scan3A_36 = arith.constant 5 : i32
    %barrier3A_37 = arith.constant 0 : index
    tpu.barrier barrier_id(%barrier3A_37)
    "tpu.region"() ({
      %run_scoped3A_38 = tpu.sem_alloc : memref<!tpu.dma_semaphore, #tpu.memory_space<semaphore_mem>>
      %dma_start3A = arith.constant 0 : i32
      %dma_start3A_39 = tpu.memref_slice %arg4[%arg0, %multiple_of3A_10, %dma_start3A] : memref<2x10240x128xf32, #tpu.memory_space<hbm>> -> memref<1x640x128xf32, #tpu.memory_space<hbm>>
      %dma_start3A_40 = tpu.memref_squeeze %dma_start3A_39 : memref<1x640x128xf32, #tpu.memory_space<hbm>> -> memref<640x128xf32, #tpu.memory_space<hbm>>
      %dma_start3A_41 = arith.constant 0 : i32
      %dma_start3A_42 = tpu.memref_slice %arg5[%multiple_of3A_10, %dma_start3A_41] : memref<10240x128xf32, #tpu.memory_space<vmem_shared>> -> memref<640x128xf32, #tpu.memory_space<vmem_shared>>
      tpu.enqueue_dma source(%dma_start3A_42 : memref<640x128xf32, #tpu.memory_space<vmem_shared>>) target(%dma_start3A_40 : memref<640x128xf32, #tpu.memory_space<hbm>>) target_semaphore(%run_scoped3A_38 : memref<!tpu.dma_semaphore, #tpu.memory_space<semaphore_mem>>)
      %dma_wait3A = arith.constant 0 : i32
      %dma_wait3A_43 = tpu.memref_slice %arg4[%arg0, %multiple_of3A_10, %dma_wait3A] : memref<2x10240x128xf32, #tpu.memory_space<hbm>> -> memref<1x640x128xf32, #tpu.memory_space<hbm>>
      %dma_wait3A_44 = tpu.memref_squeeze %dma_wait3A_43 : memref<1x640x128xf32, #tpu.memory_space<hbm>> -> memref<640x128xf32, #tpu.memory_space<hbm>>
      %dma_wait3A_45 = arith.constant 0 : i32
      %dma_wait3A_46 = tpu.memref_slice %arg5[%multiple_of3A_10, %dma_wait3A_45] : memref<10240x128xf32, #tpu.memory_space<vmem_shared>> -> memref<640x128xf32, #tpu.memory_space<vmem_shared>>
      tpu.wait_dma2 semaphore(%run_scoped3A_38 : memref<!tpu.dma_semaphore, #tpu.memory_space<semaphore_mem>>) src(%dma_wait3A_46 : memref<640x128xf32, #tpu.memory_space<vmem_shared>>) dst(%dma_wait3A_44 : memref<640x128xf32, #tpu.memory_space<hbm>>)
      tpu.yield
    }) : () -> ()
    return
  }
}

#map = affine_map<(d0, d1) -> (0, 0, 0)>
#map1 = affine_map<(d0, d1) -> (0, 0)>
module attributes {stable_mosaic.version = 14 : i64} {
  func.func @k(%arg0: i32, %arg1: i32, %arg2: memref<2x2560x128xi32, #tpu.memory_space<hbm>>, %arg3: memref<32x10240xf32, #tpu.memory_space<hbm>>, %arg4: memref<10240xf32, #tpu.memory_space<vmem>>, %arg5: memref<80x128xi32, #tpu.memory_space<vmem>>) attributes {dimension_semantics = [#tpu.dimension_semantics<core_parallel>, #tpu.dimension_semantics<subcore_parallel>], iteration_bounds = array<i64: 2, 16>, scalar_prefetch = 0 : i64, scratch_operands = 2 : i64, tpu.core_type = #tpu.core_type<sc_vector_subcore>, window_params = [{transform_indices = #map}, {transform_indices = #map1}]} {
    %mul3A = arith.constant 2 : i32
    %mul3A_0 = arith.muli %arg1, %mul3A : i32
    %add3A = arith.addi %mul3A_0, %arg0 : i32
    %mul3A_1 = arith.constant 80 : i32
    %mul3A_2 = arith.muli %add3A, %mul3A_1 : i32
    %multiple_of3A = tpu.assume_multiple %mul3A_2, 8 : i32
    %mul3A_3 = arith.constant 80 : i32
    %mul3A_4 = arith.muli %add3A, %mul3A_3 : i32
    %sub3A = arith.constant 2500 : i32
    %sub3A_5 = arith.subi %sub3A, %mul3A_4 : i32
    %max3A = arith.constant 0 : i32
    %max3A_6 = arith.maxsi %sub3A_5, %max3A : i32
    %min3A = arith.constant 80 : i32
    %min3A_7 = arith.minsi %max3A_6, %min3A : i32
    %run_scoped3A = arith.constant 1 : i32
    "tpu.region"() ({
      %run_scoped3A_22 = tpu.sem_alloc : memref<!tpu.dma_semaphore, #tpu.memory_space<semaphore_mem>>
      %dma_start3A = arith.constant 0 : i32
      %dma_start3A_23 = tpu.memref_slice %arg2[%run_scoped3A, %multiple_of3A, %dma_start3A] : memref<2x2560x128xi32, #tpu.memory_space<hbm>> -> memref<1x80x128xi32, #tpu.memory_space<hbm>>
      %dma_start3A_24 = tpu.memref_squeeze %dma_start3A_23 : memref<1x80x128xi32, #tpu.memory_space<hbm>> -> memref<80x128xi32, #tpu.memory_space<hbm>>
      %dma_start3A_25 = arith.constant 0 : i32
      %dma_start3A_26 = tpu.memref_slice %arg2[%run_scoped3A, %multiple_of3A, %dma_start3A_25] : memref<2x2560x128xi32, #tpu.memory_space<hbm>> -> memref<1x80x128xi32, #tpu.memory_space<hbm>>
      %dma_start3A_27 = tpu.memref_squeeze %dma_start3A_26 : memref<1x80x128xi32, #tpu.memory_space<hbm>> -> memref<80x128xi32, #tpu.memory_space<hbm>>
      tpu.enqueue_dma source(%dma_start3A_27 : memref<80x128xi32, #tpu.memory_space<hbm>>) target(%arg5 : memref<80x128xi32, #tpu.memory_space<vmem>>) target_semaphore(%run_scoped3A_22 : memref<!tpu.dma_semaphore, #tpu.memory_space<semaphore_mem>>)
      %dma_wait3A = arith.constant 0 : i32
      %dma_wait3A_28 = tpu.memref_slice %arg2[%run_scoped3A, %multiple_of3A, %dma_wait3A] : memref<2x2560x128xi32, #tpu.memory_space<hbm>> -> memref<1x80x128xi32, #tpu.memory_space<hbm>>
      %dma_wait3A_29 = tpu.memref_squeeze %dma_wait3A_28 : memref<1x80x128xi32, #tpu.memory_space<hbm>> -> memref<80x128xi32, #tpu.memory_space<hbm>>
      %dma_wait3A_30 = arith.constant 0 : i32
      %dma_wait3A_31 = tpu.memref_slice %arg2[%run_scoped3A, %multiple_of3A, %dma_wait3A_30] : memref<2x2560x128xi32, #tpu.memory_space<hbm>> -> memref<1x80x128xi32, #tpu.memory_space<hbm>>
      %dma_wait3A_32 = tpu.memref_squeeze %dma_wait3A_31 : memref<1x80x128xi32, #tpu.memory_space<hbm>> -> memref<80x128xi32, #tpu.memory_space<hbm>>
      tpu.wait_dma2 semaphore(%run_scoped3A_22 : memref<!tpu.dma_semaphore, #tpu.memory_space<semaphore_mem>>) src(%dma_wait3A_32 : memref<80x128xi32, #tpu.memory_space<hbm>>) dst(%arg5 : memref<80x128xi32, #tpu.memory_space<vmem>>)
      tpu.yield
    }) : () -> ()
    %broadcast_in_dim3A = arith.constant 0.000000e+00 : f32
    %broadcast_in_dim3A_8 = vector.broadcast %broadcast_in_dim3A : f32 to vector<16xf32>
    %scan3A = arith.constant 0 : i32
    %scan3A_9 = arith.constant 0 : i32
    %scan3A_10 = arith.constant 80 : i32
    %scan3A_11 = arith.addi %scan3A_9, %scan3A_10 : i32
    %scan3A_12 = arith.constant 1 : i32
    scf.for %scan3A_22 = %scan3A_9 to %scan3A_11 step %scan3A_12  : i32 {
      %mul3A_23 = arith.constant 8 : i32
      %mul3A_24 = arith.muli %scan3A_22, %mul3A_23 : i32
      %mul3A_25 = arith.constant 16 : i32
      %mul3A_26 = arith.muli %mul3A_24, %mul3A_25 : i32
      %add3A_27 = arith.constant 0 : i32
      %add3A_28 = arith.addi %mul3A_26, %add3A_27 : i32
      %swap3A = arith.index_cast %add3A_28 : i32 to index
      %swap3A_29 = tpu.vector_load %arg4[%swap3A] {strides = array<i32>} : memref<10240xf32, #tpu.memory_space<vmem>>, vector<16xf32>,
      tpu.vector_store %arg4[%swap3A], %broadcast_in_dim3A_8 {strides = array<i32>} : memref<10240xf32, #tpu.memory_space<vmem>>, vector<16xf32>,
      %add3A_30 = arith.constant 16 : i32
      %add3A_31 = arith.addi %mul3A_26, %add3A_30 : i32
      %swap3A_32 = arith.index_cast %add3A_31 : i32 to index
      %swap3A_33 = tpu.vector_load %arg4[%swap3A_32] {strides = array<i32>} : memref<10240xf32, #tpu.memory_space<vmem>>, vector<16xf32>,
      tpu.vector_store %arg4[%swap3A_32], %broadcast_in_dim3A_8 {strides = array<i32>} : memref<10240xf32, #tpu.memory_space<vmem>>, vector<16xf32>,
      %add3A_34 = arith.constant 32 : i32
      %add3A_35 = arith.addi %mul3A_26, %add3A_34 : i32
      %swap3A_36 = arith.index_cast %add3A_35 : i32 to index
      %swap3A_37 = tpu.vector_load %arg4[%swap3A_36] {strides = array<i32>} : memref<10240xf32, #tpu.memory_space<vmem>>, vector<16xf32>,
      tpu.vector_store %arg4[%swap3A_36], %broadcast_in_dim3A_8 {strides = array<i32>} : memref<10240xf32, #tpu.memory_space<vmem>>, vector<16xf32>,
      %add3A_38 = arith.constant 48 : i32
      %add3A_39 = arith.addi %mul3A_26, %add3A_38 : i32
      %swap3A_40 = arith.index_cast %add3A_39 : i32 to index
      %swap3A_41 = tpu.vector_load %arg4[%swap3A_40] {strides = array<i32>} : memref<10240xf32, #tpu.memory_space<vmem>>, vector<16xf32>,
      tpu.vector_store %arg4[%swap3A_40], %broadcast_in_dim3A_8 {strides = array<i32>} : memref<10240xf32, #tpu.memory_space<vmem>>, vector<16xf32>,
      %add3A_42 = arith.constant 64 : i32
      %add3A_43 = arith.addi %mul3A_26, %add3A_42 : i32
      %swap3A_44 = arith.index_cast %add3A_43 : i32 to index
      %swap3A_45 = tpu.vector_load %arg4[%swap3A_44] {strides = array<i32>} : memref<10240xf32, #tpu.memory_space<vmem>>, vector<16xf32>,
      tpu.vector_store %arg4[%swap3A_44], %broadcast_in_dim3A_8 {strides = array<i32>} : memref<10240xf32, #tpu.memory_space<vmem>>, vector<16xf32>,
      %add3A_46 = arith.constant 80 : i32
      %add3A_47 = arith.addi %mul3A_26, %add3A_46 : i32
      %swap3A_48 = arith.index_cast %add3A_47 : i32 to index
      %swap3A_49 = tpu.vector_load %arg4[%swap3A_48] {strides = array<i32>} : memref<10240xf32, #tpu.memory_space<vmem>>, vector<16xf32>,
      tpu.vector_store %arg4[%swap3A_48], %broadcast_in_dim3A_8 {strides = array<i32>} : memref<10240xf32, #tpu.memory_space<vmem>>, vector<16xf32>,
      %add3A_50 = arith.constant 96 : i32
      %add3A_51 = arith.addi %mul3A_26, %add3A_50 : i32
      %swap3A_52 = arith.index_cast %add3A_51 : i32 to index
      %swap3A_53 = tpu.vector_load %arg4[%swap3A_52] {strides = array<i32>} : memref<10240xf32, #tpu.memory_space<vmem>>, vector<16xf32>,
      tpu.vector_store %arg4[%swap3A_52], %broadcast_in_dim3A_8 {strides = array<i32>} : memref<10240xf32, #tpu.memory_space<vmem>>, vector<16xf32>,
      %add3A_54 = arith.constant 112 : i32
      %add3A_55 = arith.addi %mul3A_26, %add3A_54 : i32
      %swap3A_56 = arith.index_cast %add3A_55 : i32 to index
      %swap3A_57 = tpu.vector_load %arg4[%swap3A_56] {strides = array<i32>} : memref<10240xf32, #tpu.memory_space<vmem>>, vector<16xf32>,
      tpu.vector_store %arg4[%swap3A_56], %broadcast_in_dim3A_8 {strides = array<i32>} : memref<10240xf32, #tpu.memory_space<vmem>>, vector<16xf32>,
    }
    %scan3A_13 = arith.constant 80 : i32
    %broadcast_in_dim3A_14 = arith.constant 1.000000e+00 : f32
    %broadcast_in_dim3A_15 = vector.broadcast %broadcast_in_dim3A_14 : f32 to vector<16xf32>
    %scan3A_16 = arith.constant 0 : i32
    %scan3A_17 = arith.constant 0 : i32
    %scan3A_18 = arith.constant 80 : i32
    %scan3A_19 = arith.addi %scan3A_17, %scan3A_18 : i32
    %scan3A_20 = arith.constant 1 : i32
    scf.for %scan3A_22 = %scan3A_17 to %scan3A_19 step %scan3A_20  : i32 {
      %lt3A = arith.cmpi slt, %scan3A_22, %min3A_7 : i32
      %convert_element_type3A = arith.extui %lt3A : i1 to i32
      %cond3A = arith.constant 0 : i32
      %cond3A_23 = arith.cmpi ne, %convert_element_type3A, %cond3A : i32
      scf.if %cond3A_23 {
        %get3A = arith.index_cast %scan3A_22 : i32 to index
        %get3A_24 = arith.constant 0 : index
        %get3A_25 = tpu.vector_load %arg5[%get3A, %get3A_24] {strides = array<i32>} : memref<80x128xi32, #tpu.memory_space<vmem>>, vector<16xi32>,
        tpu.vector_store_idx %arg4[%get3A_25], %broadcast_in_dim3A_15 {add = true} : memref<10240xf32, #tpu.memory_space<vmem>>[vector<16xi32>], vector<16xf32>,
        %get3A_26 = arith.index_cast %scan3A_22 : i32 to index
        %get3A_27 = arith.constant 16 : index
        %get3A_28 = tpu.vector_load %arg5[%get3A_26, %get3A_27] {strides = array<i32>} : memref<80x128xi32, #tpu.memory_space<vmem>>, vector<16xi32>,
        tpu.vector_store_idx %arg4[%get3A_28], %broadcast_in_dim3A_15 {add = true} : memref<10240xf32, #tpu.memory_space<vmem>>[vector<16xi32>], vector<16xf32>,
        %get3A_29 = arith.index_cast %scan3A_22 : i32 to index
        %get3A_30 = arith.constant 32 : index
        %get3A_31 = tpu.vector_load %arg5[%get3A_29, %get3A_30] {strides = array<i32>} : memref<80x128xi32, #tpu.memory_space<vmem>>, vector<16xi32>,
        tpu.vector_store_idx %arg4[%get3A_31], %broadcast_in_dim3A_15 {add = true} : memref<10240xf32, #tpu.memory_space<vmem>>[vector<16xi32>], vector<16xf32>,
        %get3A_32 = arith.index_cast %scan3A_22 : i32 to index
        %get3A_33 = arith.constant 48 : index
        %get3A_34 = tpu.vector_load %arg5[%get3A_32, %get3A_33] {strides = array<i32>} : memref<80x128xi32, #tpu.memory_space<vmem>>, vector<16xi32>,
        tpu.vector_store_idx %arg4[%get3A_34], %broadcast_in_dim3A_15 {add = true} : memref<10240xf32, #tpu.memory_space<vmem>>[vector<16xi32>], vector<16xf32>,
        %get3A_35 = arith.index_cast %scan3A_22 : i32 to index
        %get3A_36 = arith.constant 64 : index
        %get3A_37 = tpu.vector_load %arg5[%get3A_35, %get3A_36] {strides = array<i32>} : memref<80x128xi32, #tpu.memory_space<vmem>>, vector<16xi32>,
        tpu.vector_store_idx %arg4[%get3A_37], %broadcast_in_dim3A_15 {add = true} : memref<10240xf32, #tpu.memory_space<vmem>>[vector<16xi32>], vector<16xf32>,
        %get3A_38 = arith.index_cast %scan3A_22 : i32 to index
        %get3A_39 = arith.constant 80 : index
        %get3A_40 = tpu.vector_load %arg5[%get3A_38, %get3A_39] {strides = array<i32>} : memref<80x128xi32, #tpu.memory_space<vmem>>, vector<16xi32>,
        tpu.vector_store_idx %arg4[%get3A_40], %broadcast_in_dim3A_15 {add = true} : memref<10240xf32, #tpu.memory_space<vmem>>[vector<16xi32>], vector<16xf32>,
        %get3A_41 = arith.index_cast %scan3A_22 : i32 to index
        %get3A_42 = arith.constant 96 : index
        %get3A_43 = tpu.vector_load %arg5[%get3A_41, %get3A_42] {strides = array<i32>} : memref<80x128xi32, #tpu.memory_space<vmem>>, vector<16xi32>,
        tpu.vector_store_idx %arg4[%get3A_43], %broadcast_in_dim3A_15 {add = true} : memref<10240xf32, #tpu.memory_space<vmem>>[vector<16xi32>], vector<16xf32>,
        %get3A_44 = arith.index_cast %scan3A_22 : i32 to index
        %get3A_45 = arith.constant 112 : index
        %get3A_46 = tpu.vector_load %arg5[%get3A_44, %get3A_45] {strides = array<i32>} : memref<80x128xi32, #tpu.memory_space<vmem>>, vector<16xi32>,
        tpu.vector_store_idx %arg4[%get3A_46], %broadcast_in_dim3A_15 {add = true} : memref<10240xf32, #tpu.memory_space<vmem>>[vector<16xi32>], vector<16xf32>,
      } else {
      }
    }
    %scan3A_21 = arith.constant 80 : i32
    "tpu.region"() ({
      %run_scoped3A_22 = tpu.sem_alloc : memref<!tpu.dma_semaphore, #tpu.memory_space<semaphore_mem>>
      %dma_start3A = arith.constant 0 : i32
      %dma_start3A_23 = tpu.memref_slice %arg3[%add3A, %dma_start3A] : memref<32x10240xf32, #tpu.memory_space<hbm>> -> memref<1x10240xf32, #tpu.memory_space<hbm>>
      %dma_start3A_24 = tpu.memref_squeeze %dma_start3A_23 : memref<1x10240xf32, #tpu.memory_space<hbm>> -> memref<10240xf32, #tpu.memory_space<hbm>>
      %dma_start3A_25 = arith.constant 0 : i32
      %dma_start3A_26 = tpu.memref_slice %arg3[%add3A, %dma_start3A_25] : memref<32x10240xf32, #tpu.memory_space<hbm>> -> memref<1x10240xf32, #tpu.memory_space<hbm>>
      %dma_start3A_27 = tpu.memref_squeeze %dma_start3A_26 : memref<1x10240xf32, #tpu.memory_space<hbm>> -> memref<10240xf32, #tpu.memory_space<hbm>>
      tpu.enqueue_dma source(%arg4 : memref<10240xf32, #tpu.memory_space<vmem>>) target(%dma_start3A_27 : memref<10240xf32, #tpu.memory_space<hbm>>) target_semaphore(%run_scoped3A_22 : memref<!tpu.dma_semaphore, #tpu.memory_space<semaphore_mem>>)
      %dma_wait3A = arith.constant 0 : i32
      %dma_wait3A_28 = tpu.memref_slice %arg3[%add3A, %dma_wait3A] : memref<32x10240xf32, #tpu.memory_space<hbm>> -> memref<1x10240xf32, #tpu.memory_space<hbm>>
      %dma_wait3A_29 = tpu.memref_squeeze %dma_wait3A_28 : memref<1x10240xf32, #tpu.memory_space<hbm>> -> memref<10240xf32, #tpu.memory_space<hbm>>
      %dma_wait3A_30 = arith.constant 0 : i32
      %dma_wait3A_31 = tpu.memref_slice %arg3[%add3A, %dma_wait3A_30] : memref<32x10240xf32, #tpu.memory_space<hbm>> -> memref<1x10240xf32, #tpu.memory_space<hbm>>
      %dma_wait3A_32 = tpu.memref_squeeze %dma_wait3A_31 : memref<1x10240xf32, #tpu.memory_space<hbm>> -> memref<10240xf32, #tpu.memory_space<hbm>>
      tpu.wait_dma2 semaphore(%run_scoped3A_22 : memref<!tpu.dma_semaphore, #tpu.memory_space<semaphore_mem>>) src(%arg4 : memref<10240xf32, #tpu.memory_space<vmem>>) dst(%dma_wait3A_32 : memref<10240xf32, #tpu.memory_space<hbm>>)
      tpu.yield
    }) : () -> ()
    return
  }
}

#map = affine_map<(d0, d1) -> (0, 0)>
#map1 = affine_map<(d0, d1) -> (0, 0, 0)>
module attributes {stable_mosaic.version = 14 : i64} {
  func.func @k(%arg0: i32, %arg1: i32, %arg2: memref<10000x128xf32, #tpu.memory_space<hbm>>, %arg3: memref<2x2560x128xi32, #tpu.memory_space<hbm>>, %arg4: memref<2x10240x128xf32, #tpu.memory_space<hbm>>, %arg5: memref<10240x128xf32, #tpu.memory_space<vmem_shared>>, %arg6: memref<32x128xi32, #tpu.memory_space<vmem>>, %arg7: memref<32x128xi32, #tpu.memory_space<vmem>>, %arg8: memref<128x128xf32, #tpu.memory_space<vmem>>, %arg9: memref<128x128xf32, #tpu.memory_space<vmem>>, %arg10: memref<!tpu.dma_semaphore, #tpu.memory_space<semaphore_mem>>, %arg11: memref<!tpu.dma_semaphore, #tpu.memory_space<semaphore_mem>>, %arg12: memref<!tpu.dma_semaphore, #tpu.memory_space<semaphore_mem>>, %arg13: memref<!tpu.dma_semaphore, #tpu.memory_space<semaphore_mem>>) attributes {dimension_semantics = [#tpu.dimension_semantics<core_parallel>, #tpu.dimension_semantics<subcore_parallel>], iteration_bounds = array<i64: 2, 16>, scalar_prefetch = 0 : i64, scratch_operands = 9 : i64, tpu.core_type = #tpu.core_type<sc_vector_subcore>, window_params = [{transform_indices = #map}, {transform_indices = #map1}, {transform_indices = #map1}]} {
    %mul3A = arith.constant 2 : i32
    %mul3A_0 = arith.muli %arg1, %mul3A : i32
    %add3A = arith.addi %mul3A_0, %arg0 : i32
    %mul3A_1 = arith.constant 80 : i32
    %mul3A_2 = arith.muli %add3A, %mul3A_1 : i32
    %multiple_of3A = tpu.assume_multiple %mul3A_2, 8 : i32
    %mul3A_3 = arith.constant 80 : i32
    %mul3A_4 = arith.muli %add3A, %mul3A_3 : i32
    %sub3A = arith.constant 2500 : i32
    %sub3A_5 = arith.subi %sub3A, %mul3A_4 : i32
    %max3A = arith.constant 0 : i32
    %max3A_6 = arith.maxsi %sub3A_5, %max3A : i32
    %min3A = arith.constant 80 : i32
    %min3A_7 = arith.minsi %max3A_6, %min3A : i32
    %mul3A_8 = arith.constant 640 : i32
    %mul3A_9 = arith.muli %arg1, %mul3A_8 : i32
    %multiple_of3A_10 = tpu.assume_multiple %mul3A_9, 8 : i32
    %eq3A = arith.constant 0 : i32
    %eq3A_11 = arith.cmpi eq, %arg0, %eq3A : i32
    %lt3A = arith.constant 15 : i32
    %lt3A_12 = arith.cmpi slt, %arg1, %lt3A : i32
    %and3A = arith.andi %eq3A_11, %lt3A_12 : i1
    %convert_element_type3A = arith.extui %and3A : i1 to i32
    %cond3A = arith.constant 0 : i32
    %cond3A_13 = arith.cmpi ne, %convert_element_type3A, %cond3A : i32
    scf.if %cond3A_13 {
      "tpu.region"() ({
        %run_scoped3A_38 = tpu.sem_alloc : memref<!tpu.dma_semaphore, #tpu.memory_space<semaphore_mem>>
        %dma_start3A = arith.constant 0 : i32
        %dma_start3A_39 = tpu.memref_slice %arg5[%multiple_of3A_10, %dma_start3A] : memref<10240x128xf32, #tpu.memory_space<vmem_shared>> -> memref<640x128xf32, #tpu.memory_space<vmem_shared>>
        %dma_start3A_40 = arith.constant 0 : i32
        %dma_start3A_41 = tpu.memref_slice %arg2[%multiple_of3A_10, %dma_start3A_40] : memref<10000x128xf32, #tpu.memory_space<hbm>> -> memref<640x128xf32, #tpu.memory_space<hbm>>
        tpu.enqueue_dma source(%dma_start3A_41 : memref<640x128xf32, #tpu.memory_space<hbm>>) target(%dma_start3A_39 : memref<640x128xf32, #tpu.memory_space<vmem_shared>>) target_semaphore(%run_scoped3A_38 : memref<!tpu.dma_semaphore, #tpu.memory_space<semaphore_mem>>)
        %dma_wait3A = arith.constant 0 : i32
        %dma_wait3A_42 = tpu.memref_slice %arg5[%multiple_of3A_10, %dma_wait3A] : memref<10240x128xf32, #tpu.memory_space<vmem_shared>> -> memref<640x128xf32, #tpu.memory_space<vmem_shared>>
        %dma_wait3A_43 = arith.constant 0 : i32
        %dma_wait3A_44 = tpu.memref_slice %arg2[%multiple_of3A_10, %dma_wait3A_43] : memref<10000x128xf32, #tpu.memory_space<hbm>> -> memref<640x128xf32, #tpu.memory_space<hbm>>
        tpu.wait_dma2 semaphore(%run_scoped3A_38 : memref<!tpu.dma_semaphore, #tpu.memory_space<semaphore_mem>>) src(%dma_wait3A_44 : memref<640x128xf32, #tpu.memory_space<hbm>>) dst(%dma_wait3A_42 : memref<640x128xf32, #tpu.memory_space<vmem_shared>>)
        tpu.yield
      }) : () -> ()
    } else {
    }
    %eq3A_14 = arith.constant 0 : i32
    %eq3A_15 = arith.cmpi eq, %arg0, %eq3A_14 : i32
    %eq3A_16 = arith.constant 15 : i32
    %eq3A_17 = arith.cmpi eq, %arg1, %eq3A_16 : i32
    %and3A_18 = arith.andi %eq3A_15, %eq3A_17 : i1
    %convert_element_type3A_19 = arith.extui %and3A_18 : i1 to i32
    %cond3A_20 = arith.constant 0 : i32
    %cond3A_21 = arith.cmpi ne, %convert_element_type3A_19, %cond3A_20 : i32
    scf.if %cond3A_21 {
      "tpu.region"() ({
        %run_scoped3A_38 = tpu.sem_alloc : memref<!tpu.dma_semaphore, #tpu.memory_space<semaphore_mem>>
        %dma_start3A = arith.constant 0 : i32
        %dma_start3A_39 = tpu.memref_slice %arg5[%multiple_of3A_10, %dma_start3A] : memref<10240x128xf32, #tpu.memory_space<vmem_shared>> -> memref<400x128xf32, #tpu.memory_space<vmem_shared>>
        %dma_start3A_40 = arith.constant 0 : i32
        %dma_start3A_41 = tpu.memref_slice %arg2[%multiple_of3A_10, %dma_start3A_40] : memref<10000x128xf32, #tpu.memory_space<hbm>> -> memref<400x128xf32, #tpu.memory_space<hbm>>
        tpu.enqueue_dma source(%dma_start3A_41 : memref<400x128xf32, #tpu.memory_space<hbm>>) target(%dma_start3A_39 : memref<400x128xf32, #tpu.memory_space<vmem_shared>>) target_semaphore(%run_scoped3A_38 : memref<!tpu.dma_semaphore, #tpu.memory_space<semaphore_mem>>)
        %dma_wait3A = arith.constant 0 : i32
        %dma_wait3A_42 = tpu.memref_slice %arg5[%multiple_of3A_10, %dma_wait3A] : memref<10240x128xf32, #tpu.memory_space<vmem_shared>> -> memref<400x128xf32, #tpu.memory_space<vmem_shared>>
        %dma_wait3A_43 = arith.constant 0 : i32
        %dma_wait3A_44 = tpu.memref_slice %arg2[%multiple_of3A_10, %dma_wait3A_43] : memref<10000x128xf32, #tpu.memory_space<hbm>> -> memref<400x128xf32, #tpu.memory_space<hbm>>
        tpu.wait_dma2 semaphore(%run_scoped3A_38 : memref<!tpu.dma_semaphore, #tpu.memory_space<semaphore_mem>>) src(%dma_wait3A_44 : memref<400x128xf32, #tpu.memory_space<hbm>>) dst(%dma_wait3A_42 : memref<400x128xf32, #tpu.memory_space<vmem_shared>>)
        tpu.yield
      }) : () -> ()
    } else {
    }
    %eq3A_22 = arith.constant 1 : i32
    %eq3A_23 = arith.cmpi eq, %arg0, %eq3A_22 : i32
    %convert_element_type3A_24 = arith.extui %eq3A_23 : i1 to i32
    %cond3A_25 = arith.constant 0 : i32
    %cond3A_26 = arith.cmpi ne, %convert_element_type3A_24, %cond3A_25 : i32
    scf.if %cond3A_26 {
      %broadcast_in_dim3A = arith.constant 0.000000e+00 : f32
      %broadcast_in_dim3A_38 = vector.broadcast %broadcast_in_dim3A : f32 to vector<16xf32>
      %scan3A_39 = arith.constant 0 : i32
      %scan3A_40 = arith.constant 0 : i32
      %scan3A_41 = arith.constant 128 : i32
      %scan3A_42 = arith.addi %scan3A_40, %scan3A_41 : i32
      %scan3A_43 = arith.constant 1 : i32
      scf.for %scan3A_60 = %scan3A_40 to %scan3A_42 step %scan3A_43  : i32 {
        %swap3A = arith.index_cast %scan3A_60 : i32 to index
        %swap3A_61 = arith.constant 0 : index
        %swap3A_62 = tpu.vector_load %arg8[%swap3A, %swap3A_61] {strides = array<i32>} : memref<128x128xf32, #tpu.memory_space<vmem>>, vector<1x16xf32>,
        %swap3A_63 = vector.shape_cast %swap3A_62 : vector<1x16xf32> to vector<16xf32>
        %swap3A_64 = vector.shape_cast %broadcast_in_dim3A_38 : vector<16xf32> to vector<1x16xf32>
        tpu.vector_store %arg8[%swap3A, %swap3A_61], %swap3A_64 {strides = array<i32>} : memref<128x128xf32, #tpu.memory_space<vmem>>, vector<1x16xf32>,
        %swap3A_65 = arith.index_cast %scan3A_60 : i32 to index
        %swap3A_66 = arith.constant 16 : index
        %swap3A_67 = tpu.vector_load %arg8[%swap3A_65, %swap3A_66] {strides = array<i32>} : memref<128x128xf32, #tpu.memory_space<vmem>>, vector<1x16xf32>,
        %swap3A_68 = vector.shape_cast %swap3A_67 : vector<1x16xf32> to vector<16xf32>
        %swap3A_69 = vector.shape_cast %broadcast_in_dim3A_38 : vector<16xf32> to vector<1x16xf32>
        tpu.vector_store %arg8[%swap3A_65, %swap3A_66], %swap3A_69 {strides = array<i32>} : memref<128x128xf32, #tpu.memory_space<vmem>>, vector<1x16xf32>,
        %swap3A_70 = arith.index_cast %scan3A_60 : i32 to index
        %swap3A_71 = arith.constant 32 : index
        %swap3A_72 = tpu.vector_load %arg8[%swap3A_70, %swap3A_71] {strides = array<i32>} : memref<128x128xf32, #tpu.memory_space<vmem>>, vector<1x16xf32>,
        %swap3A_73 = vector.shape_cast %swap3A_72 : vector<1x16xf32> to vector<16xf32>
        %swap3A_74 = vector.shape_cast %broadcast_in_dim3A_38 : vector<16xf32> to vector<1x16xf32>
        tpu.vector_store %arg8[%swap3A_70, %swap3A_71], %swap3A_74 {strides = array<i32>} : memref<128x128xf32, #tpu.memory_space<vmem>>, vector<1x16xf32>,
        %swap3A_75 = arith.index_cast %scan3A_60 : i32 to index
        %swap3A_76 = arith.constant 48 : index
        %swap3A_77 = tpu.vector_load %arg8[%swap3A_75, %swap3A_76] {strides = array<i32>} : memref<128x128xf32, #tpu.memory_space<vmem>>, vector<1x16xf32>,
        %swap3A_78 = vector.shape_cast %swap3A_77 : vector<1x16xf32> to vector<16xf32>
        %swap3A_79 = vector.shape_cast %broadcast_in_dim3A_38 : vector<16xf32> to vector<1x16xf32>
        tpu.vector_store %arg8[%swap3A_75, %swap3A_76], %swap3A_79 {strides = array<i32>} : memref<128x128xf32, #tpu.memory_space<vmem>>, vector<1x16xf32>,
        %swap3A_80 = arith.index_cast %scan3A_60 : i32 to index
        %swap3A_81 = arith.constant 64 : index
        %swap3A_82 = tpu.vector_load %arg8[%swap3A_80, %swap3A_81] {strides = array<i32>} : memref<128x128xf32, #tpu.memory_space<vmem>>, vector<1x16xf32>,
        %swap3A_83 = vector.shape_cast %swap3A_82 : vector<1x16xf32> to vector<16xf32>
        %swap3A_84 = vector.shape_cast %broadcast_in_dim3A_38 : vector<16xf32> to vector<1x16xf32>
        tpu.vector_store %arg8[%swap3A_80, %swap3A_81], %swap3A_84 {strides = array<i32>} : memref<128x128xf32, #tpu.memory_space<vmem>>, vector<1x16xf32>,
        %swap3A_85 = arith.index_cast %scan3A_60 : i32 to index
        %swap3A_86 = arith.constant 80 : index
        %swap3A_87 = tpu.vector_load %arg8[%swap3A_85, %swap3A_86] {strides = array<i32>} : memref<128x128xf32, #tpu.memory_space<vmem>>, vector<1x16xf32>,
        %swap3A_88 = vector.shape_cast %swap3A_87 : vector<1x16xf32> to vector<16xf32>
        %swap3A_89 = vector.shape_cast %broadcast_in_dim3A_38 : vector<16xf32> to vector<1x16xf32>
        tpu.vector_store %arg8[%swap3A_85, %swap3A_86], %swap3A_89 {strides = array<i32>} : memref<128x128xf32, #tpu.memory_space<vmem>>, vector<1x16xf32>,
        %swap3A_90 = arith.index_cast %scan3A_60 : i32 to index
        %swap3A_91 = arith.constant 96 : index
        %swap3A_92 = tpu.vector_load %arg8[%swap3A_90, %swap3A_91] {strides = array<i32>} : memref<128x128xf32, #tpu.memory_space<vmem>>, vector<1x16xf32>,
        %swap3A_93 = vector.shape_cast %swap3A_92 : vector<1x16xf32> to vector<16xf32>
        %swap3A_94 = vector.shape_cast %broadcast_in_dim3A_38 : vector<16xf32> to vector<1x16xf32>
        tpu.vector_store %arg8[%swap3A_90, %swap3A_91], %swap3A_94 {strides = array<i32>} : memref<128x128xf32, #tpu.memory_space<vmem>>, vector<1x16xf32>,
        %swap3A_95 = arith.index_cast %scan3A_60 : i32 to index
        %swap3A_96 = arith.constant 112 : index
        %swap3A_97 = tpu.vector_load %arg8[%swap3A_95, %swap3A_96] {strides = array<i32>} : memref<128x128xf32, #tpu.memory_space<vmem>>, vector<1x16xf32>,
        %swap3A_98 = vector.shape_cast %swap3A_97 : vector<1x16xf32> to vector<16xf32>
        %swap3A_99 = vector.shape_cast %broadcast_in_dim3A_38 : vector<16xf32> to vector<1x16xf32>
        tpu.vector_store %arg8[%swap3A_95, %swap3A_96], %swap3A_99 {strides = array<i32>} : memref<128x128xf32, #tpu.memory_space<vmem>>, vector<1x16xf32>,
      }
      %scan3A_44 = arith.constant 128 : i32
      %add3A_45 = arith.constant 0 : i32
      %add3A_46 = arith.addi %multiple_of3A_10, %add3A_45 : i32
      %multiple_of3A_47 = tpu.assume_multiple %add3A_46, 8 : i32
      "tpu.region"() ({
        %run_scoped3A_60 = tpu.sem_alloc : memref<!tpu.dma_semaphore, #tpu.memory_space<semaphore_mem>>
        %dma_start3A = arith.constant 0 : i32
        %dma_start3A_61 = tpu.memref_slice %arg5[%multiple_of3A_47, %dma_start3A] : memref<10240x128xf32, #tpu.memory_space<vmem_shared>> -> memref<128x128xf32, #tpu.memory_space<vmem_shared>>
        %dma_start3A_62 = arith.constant 0 : i32
        %dma_start3A_63 = tpu.memref_slice %arg5[%multiple_of3A_47, %dma_start3A_62] : memref<10240x128xf32, #tpu.memory_space<vmem_shared>> -> memref<128x128xf32, #tpu.memory_space<vmem_shared>>
        tpu.enqueue_dma source(%arg8 : memref<128x128xf32, #tpu.memory_space<vmem>>) target(%dma_start3A_63 : memref<128x128xf32, #tpu.memory_space<vmem_shared>>) target_semaphore(%run_scoped3A_60 : memref<!tpu.dma_semaphore, #tpu.memory_space<semaphore_mem>>)
        %dma_wait3A = arith.constant 0 : i32
        %dma_wait3A_64 = tpu.memref_slice %arg5[%multiple_of3A_47, %dma_wait3A] : memref<10240x128xf32, #tpu.memory_space<vmem_shared>> -> memref<128x128xf32, #tpu.memory_space<vmem_shared>>
        %dma_wait3A_65 = arith.constant 0 : i32
        %dma_wait3A_66 = tpu.memref_slice %arg5[%multiple_of3A_47, %dma_wait3A_65] : memref<10240x128xf32, #tpu.memory_space<vmem_shared>> -> memref<128x128xf32, #tpu.memory_space<vmem_shared>>
        tpu.wait_dma2 semaphore(%run_scoped3A_60 : memref<!tpu.dma_semaphore, #tpu.memory_space<semaphore_mem>>) src(%arg8 : memref<128x128xf32, #tpu.memory_space<vmem>>) dst(%dma_wait3A_66 : memref<128x128xf32, #tpu.memory_space<vmem_shared>>)
        tpu.yield
      }) : () -> ()
      %add3A_48 = arith.constant 128 : i32
      %add3A_49 = arith.addi %multiple_of3A_10, %add3A_48 : i32
      %multiple_of3A_50 = tpu.assume_multiple %add3A_49, 8 : i32
      "tpu.region"() ({
        %run_scoped3A_60 = tpu.sem_alloc : memref<!tpu.dma_semaphore, #tpu.memory_space<semaphore_mem>>
        %dma_start3A = arith.constant 0 : i32
        %dma_start3A_61 = tpu.memref_slice %arg5[%multiple_of3A_50, %dma_start3A] : memref<10240x128xf32, #tpu.memory_space<vmem_shared>> -> memref<128x128xf32, #tpu.memory_space<vmem_shared>>
        %dma_start3A_62 = arith.constant 0 : i32
        %dma_start3A_63 = tpu.memref_slice %arg5[%multiple_of3A_50, %dma_start3A_62] : memref<10240x128xf32, #tpu.memory_space<vmem_shared>> -> memref<128x128xf32, #tpu.memory_space<vmem_shared>>
        tpu.enqueue_dma source(%arg8 : memref<128x128xf32, #tpu.memory_space<vmem>>) target(%dma_start3A_63 : memref<128x128xf32, #tpu.memory_space<vmem_shared>>) target_semaphore(%run_scoped3A_60 : memref<!tpu.dma_semaphore, #tpu.memory_space<semaphore_mem>>)
        %dma_wait3A = arith.constant 0 : i32
        %dma_wait3A_64 = tpu.memref_slice %arg5[%multiple_of3A_50, %dma_wait3A] : memref<10240x128xf32, #tpu.memory_space<vmem_shared>> -> memref<128x128xf32, #tpu.memory_space<vmem_shared>>
        %dma_wait3A_65 = arith.constant 0 : i32
        %dma_wait3A_66 = tpu.memref_slice %arg5[%multiple_of3A_50, %dma_wait3A_65] : memref<10240x128xf32, #tpu.memory_space<vmem_shared>> -> memref<128x128xf32, #tpu.memory_space<vmem_shared>>
        tpu.wait_dma2 semaphore(%run_scoped3A_60 : memref<!tpu.dma_semaphore, #tpu.memory_space<semaphore_mem>>) src(%arg8 : memref<128x128xf32, #tpu.memory_space<vmem>>) dst(%dma_wait3A_66 : memref<128x128xf32, #tpu.memory_space<vmem_shared>>)
        tpu.yield
      }) : () -> ()
      %add3A_51 = arith.constant 256 : i32
      %add3A_52 = arith.addi %multiple_of3A_10, %add3A_51 : i32
      %multiple_of3A_53 = tpu.assume_multiple %add3A_52, 8 : i32
      "tpu.region"() ({
        %run_scoped3A_60 = tpu.sem_alloc : memref<!tpu.dma_semaphore, #tpu.memory_space<semaphore_mem>>
        %dma_start3A = arith.constant 0 : i32
        %dma_start3A_61 = tpu.memref_slice %arg5[%multiple_of3A_53, %dma_start3A] : memref<10240x128xf32, #tpu.memory_space<vmem_shared>> -> memref<128x128xf32, #tpu.memory_space<vmem_shared>>
        %dma_start3A_62 = arith.constant 0 : i32
        %dma_start3A_63 = tpu.memref_slice %arg5[%multiple_of3A_53, %dma_start3A_62] : memref<10240x128xf32, #tpu.memory_space<vmem_shared>> -> memref<128x128xf32, #tpu.memory_space<vmem_shared>>
        tpu.enqueue_dma source(%arg8 : memref<128x128xf32, #tpu.memory_space<vmem>>) target(%dma_start3A_63 : memref<128x128xf32, #tpu.memory_space<vmem_shared>>) target_semaphore(%run_scoped3A_60 : memref<!tpu.dma_semaphore, #tpu.memory_space<semaphore_mem>>)
        %dma_wait3A = arith.constant 0 : i32
        %dma_wait3A_64 = tpu.memref_slice %arg5[%multiple_of3A_53, %dma_wait3A] : memref<10240x128xf32, #tpu.memory_space<vmem_shared>> -> memref<128x128xf32, #tpu.memory_space<vmem_shared>>
        %dma_wait3A_65 = arith.constant 0 : i32
        %dma_wait3A_66 = tpu.memref_slice %arg5[%multiple_of3A_53, %dma_wait3A_65] : memref<10240x128xf32, #tpu.memory_space<vmem_shared>> -> memref<128x128xf32, #tpu.memory_space<vmem_shared>>
        tpu.wait_dma2 semaphore(%run_scoped3A_60 : memref<!tpu.dma_semaphore, #tpu.memory_space<semaphore_mem>>) src(%arg8 : memref<128x128xf32, #tpu.memory_space<vmem>>) dst(%dma_wait3A_66 : memref<128x128xf32, #tpu.memory_space<vmem_shared>>)
        tpu.yield
      }) : () -> ()
      %add3A_54 = arith.constant 384 : i32
      %add3A_55 = arith.addi %multiple_of3A_10, %add3A_54 : i32
      %multiple_of3A_56 = tpu.assume_multiple %add3A_55, 8 : i32
      "tpu.region"() ({
        %run_scoped3A_60 = tpu.sem_alloc : memref<!tpu.dma_semaphore, #tpu.memory_space<semaphore_mem>>
        %dma_start3A = arith.constant 0 : i32
        %dma_start3A_61 = tpu.memref_slice %arg5[%multiple_of3A_56, %dma_start3A] : memref<10240x128xf32, #tpu.memory_space<vmem_shared>> -> memref<128x128xf32, #tpu.memory_space<vmem_shared>>
        %dma_start3A_62 = arith.constant 0 : i32
        %dma_start3A_63 = tpu.memref_slice %arg5[%multiple_of3A_56, %dma_start3A_62] : memref<10240x128xf32, #tpu.memory_space<vmem_shared>> -> memref<128x128xf32, #tpu.memory_space<vmem_shared>>
        tpu.enqueue_dma source(%arg8 : memref<128x128xf32, #tpu.memory_space<vmem>>) target(%dma_start3A_63 : memref<128x128xf32, #tpu.memory_space<vmem_shared>>) target_semaphore(%run_scoped3A_60 : memref<!tpu.dma_semaphore, #tpu.memory_space<semaphore_mem>>)
        %dma_wait3A = arith.constant 0 : i32
        %dma_wait3A_64 = tpu.memref_slice %arg5[%multiple_of3A_56, %dma_wait3A] : memref<10240x128xf32, #tpu.memory_space<vmem_shared>> -> memref<128x128xf32, #tpu.memory_space<vmem_shared>>
        %dma_wait3A_65 = arith.constant 0 : i32
        %dma_wait3A_66 = tpu.memref_slice %arg5[%multiple_of3A_56, %dma_wait3A_65] : memref<10240x128xf32, #tpu.memory_space<vmem_shared>> -> memref<128x128xf32, #tpu.memory_space<vmem_shared>>
        tpu.wait_dma2 semaphore(%run_scoped3A_60 : memref<!tpu.dma_semaphore, #tpu.memory_space<semaphore_mem>>) src(%arg8 : memref<128x128xf32, #tpu.memory_space<vmem>>) dst(%dma_wait3A_66 : memref<128x128xf32, #tpu.memory_space<vmem_shared>>)
        tpu.yield
      }) : () -> ()
      %add3A_57 = arith.constant 512 : i32
      %add3A_58 = arith.addi %multiple_of3A_10, %add3A_57 : i32
      %multiple_of3A_59 = tpu.assume_multiple %add3A_58, 8 : i32
      "tpu.region"() ({
        %run_scoped3A_60 = tpu.sem_alloc : memref<!tpu.dma_semaphore, #tpu.memory_space<semaphore_mem>>
        %dma_start3A = arith.constant 0 : i32
        %dma_start3A_61 = tpu.memref_slice %arg5[%multiple_of3A_59, %dma_start3A] : memref<10240x128xf32, #tpu.memory_space<vmem_shared>> -> memref<128x128xf32, #tpu.memory_space<vmem_shared>>
        %dma_start3A_62 = arith.constant 0 : i32
        %dma_start3A_63 = tpu.memref_slice %arg5[%multiple_of3A_59, %dma_start3A_62] : memref<10240x128xf32, #tpu.memory_space<vmem_shared>> -> memref<128x128xf32, #tpu.memory_space<vmem_shared>>
        tpu.enqueue_dma source(%arg8 : memref<128x128xf32, #tpu.memory_space<vmem>>) target(%dma_start3A_63 : memref<128x128xf32, #tpu.memory_space<vmem_shared>>) target_semaphore(%run_scoped3A_60 : memref<!tpu.dma_semaphore, #tpu.memory_space<semaphore_mem>>)
        %dma_wait3A = arith.constant 0 : i32
        %dma_wait3A_64 = tpu.memref_slice %arg5[%multiple_of3A_59, %dma_wait3A] : memref<10240x128xf32, #tpu.memory_space<vmem_shared>> -> memref<128x128xf32, #tpu.memory_space<vmem_shared>>
        %dma_wait3A_65 = arith.constant 0 : i32
        %dma_wait3A_66 = tpu.memref_slice %arg5[%multiple_of3A_59, %dma_wait3A_65] : memref<10240x128xf32, #tpu.memory_space<vmem_shared>> -> memref<128x128xf32, #tpu.memory_space<vmem_shared>>
        tpu.wait_dma2 semaphore(%run_scoped3A_60 : memref<!tpu.dma_semaphore, #tpu.memory_space<semaphore_mem>>) src(%arg8 : memref<128x128xf32, #tpu.memory_space<vmem>>) dst(%dma_wait3A_66 : memref<128x128xf32, #tpu.memory_space<vmem_shared>>)
        tpu.yield
      }) : () -> ()
    } else {
    }
    %barrier3A = arith.constant 0 : index
    tpu.barrier barrier_id(%barrier3A)
    %run_scoped3A = arith.constant 0 : i32
    "tpu.region"() ({
      %run_scoped3A_38 = tpu.sem_alloc : memref<!tpu.dma_semaphore, #tpu.memory_space<semaphore_mem>>
      %dma_start3A = arith.constant 0 : i32
      %dma_start3A_39 = arith.constant 0 : i32
      %dma_start3A_40 = tpu.memref_slice %arg6[%dma_start3A, %dma_start3A_39] : memref<32x128xi32, #tpu.memory_space<vmem>> -> memref<16x128xi32, #tpu.memory_space<vmem>>
      %dma_start3A_41 = arith.constant 0 : i32
      %dma_start3A_42 = tpu.memref_slice %arg3[%run_scoped3A, %multiple_of3A, %dma_start3A_41] : memref<2x2560x128xi32, #tpu.memory_space<hbm>> -> memref<1x16x128xi32, #tpu.memory_space<hbm>>
      %dma_start3A_43 = tpu.memref_squeeze %dma_start3A_42 : memref<1x16x128xi32, #tpu.memory_space<hbm>> -> memref<16x128xi32, #tpu.memory_space<hbm>>
      %dma_start3A_44 = arith.constant 0 : i32
      %dma_start3A_45 = arith.constant 0 : i32
      %dma_start3A_46 = tpu.memref_slice %arg6[%dma_start3A_44, %dma_start3A_45] : memref<32x128xi32, #tpu.memory_space<vmem>> -> memref<16x128xi32, #tpu.memory_space<vmem>>
      %dma_start3A_47 = arith.constant 0 : i32
      %dma_start3A_48 = tpu.memref_slice %arg3[%run_scoped3A, %multiple_of3A, %dma_start3A_47] : memref<2x2560x128xi32, #tpu.memory_space<hbm>> -> memref<1x16x128xi32, #tpu.memory_space<hbm>>
      %dma_start3A_49 = tpu.memref_squeeze %dma_start3A_48 : memref<1x16x128xi32, #tpu.memory_space<hbm>> -> memref<16x128xi32, #tpu.memory_space<hbm>>
      tpu.enqueue_dma source(%dma_start3A_49 : memref<16x128xi32, #tpu.memory_space<hbm>>) target(%dma_start3A_46 : memref<16x128xi32, #tpu.memory_space<vmem>>) target_semaphore(%run_scoped3A_38 : memref<!tpu.dma_semaphore, #tpu.memory_space<semaphore_mem>>)
      %dma_wait3A = arith.constant 0 : i32
      %dma_wait3A_50 = arith.constant 0 : i32
      %dma_wait3A_51 = tpu.memref_slice %arg6[%dma_wait3A, %dma_wait3A_50] : memref<32x128xi32, #tpu.memory_space<vmem>> -> memref<16x128xi32, #tpu.memory_space<vmem>>
      %dma_wait3A_52 = arith.constant 0 : i32
      %dma_wait3A_53 = tpu.memref_slice %arg3[%run_scoped3A, %multiple_of3A, %dma_wait3A_52] : memref<2x2560x128xi32, #tpu.memory_space<hbm>> -> memref<1x16x128xi32, #tpu.memory_space<hbm>>
      %dma_wait3A_54 = tpu.memref_squeeze %dma_wait3A_53 : memref<1x16x128xi32, #tpu.memory_space<hbm>> -> memref<16x128xi32, #tpu.memory_space<hbm>>
      %dma_wait3A_55 = arith.constant 0 : i32
      %dma_wait3A_56 = arith.constant 0 : i32
      %dma_wait3A_57 = tpu.memref_slice %arg6[%dma_wait3A_55, %dma_wait3A_56] : memref<32x128xi32, #tpu.memory_space<vmem>> -> memref<16x128xi32, #tpu.memory_space<vmem>>
      %dma_wait3A_58 = arith.constant 0 : i32
      %dma_wait3A_59 = tpu.memref_slice %arg3[%run_scoped3A, %multiple_of3A, %dma_wait3A_58] : memref<2x2560x128xi32, #tpu.memory_space<hbm>> -> memref<1x16x128xi32, #tpu.memory_space<hbm>>
      %dma_wait3A_60 = tpu.memref_squeeze %dma_wait3A_59 : memref<1x16x128xi32, #tpu.memory_space<hbm>> -> memref<16x128xi32, #tpu.memory_space<hbm>>
      tpu.wait_dma2 semaphore(%run_scoped3A_38 : memref<!tpu.dma_semaphore, #tpu.memory_space<semaphore_mem>>) src(%dma_wait3A_60 : memref<16x128xi32, #tpu.memory_space<hbm>>) dst(%dma_wait3A_57 : memref<16x128xi32, #tpu.memory_space<vmem>>)
      tpu.yield
    }) : () -> ()
    %run_scoped3A_27 = arith.constant 1 : i32
    "tpu.region"() ({
      %run_scoped3A_38 = tpu.sem_alloc : memref<!tpu.dma_semaphore, #tpu.memory_space<semaphore_mem>>
      %dma_start3A = arith.constant 0 : i32
      %dma_start3A_39 = arith.constant 0 : i32
      %dma_start3A_40 = tpu.memref_slice %arg7[%dma_start3A, %dma_start3A_39] : memref<32x128xi32, #tpu.memory_space<vmem>> -> memref<16x128xi32, #tpu.memory_space<vmem>>
      %dma_start3A_41 = arith.constant 0 : i32
      %dma_start3A_42 = tpu.memref_slice %arg3[%run_scoped3A_27, %multiple_of3A, %dma_start3A_41] : memref<2x2560x128xi32, #tpu.memory_space<hbm>> -> memref<1x16x128xi32, #tpu.memory_space<hbm>>
      %dma_start3A_43 = tpu.memref_squeeze %dma_start3A_42 : memref<1x16x128xi32, #tpu.memory_space<hbm>> -> memref<16x128xi32, #tpu.memory_space<hbm>>
      %dma_start3A_44 = arith.constant 0 : i32
      %dma_start3A_45 = arith.constant 0 : i32
      %dma_start3A_46 = tpu.memref_slice %arg7[%dma_start3A_44, %dma_start3A_45] : memref<32x128xi32, #tpu.memory_space<vmem>> -> memref<16x128xi32, #tpu.memory_space<vmem>>
      %dma_start3A_47 = arith.constant 0 : i32
      %dma_start3A_48 = tpu.memref_slice %arg3[%run_scoped3A_27, %multiple_of3A, %dma_start3A_47] : memref<2x2560x128xi32, #tpu.memory_space<hbm>> -> memref<1x16x128xi32, #tpu.memory_space<hbm>>
      %dma_start3A_49 = tpu.memref_squeeze %dma_start3A_48 : memref<1x16x128xi32, #tpu.memory_space<hbm>> -> memref<16x128xi32, #tpu.memory_space<hbm>>
      tpu.enqueue_dma source(%dma_start3A_49 : memref<16x128xi32, #tpu.memory_space<hbm>>) target(%dma_start3A_46 : memref<16x128xi32, #tpu.memory_space<vmem>>) target_semaphore(%run_scoped3A_38 : memref<!tpu.dma_semaphore, #tpu.memory_space<semaphore_mem>>)
      %dma_wait3A = arith.constant 0 : i32
      %dma_wait3A_50 = arith.constant 0 : i32
      %dma_wait3A_51 = tpu.memref_slice %arg7[%dma_wait3A, %dma_wait3A_50] : memref<32x128xi32, #tpu.memory_space<vmem>> -> memref<16x128xi32, #tpu.memory_space<vmem>>
      %dma_wait3A_52 = arith.constant 0 : i32
      %dma_wait3A_53 = tpu.memref_slice %arg3[%run_scoped3A_27, %multiple_of3A, %dma_wait3A_52] : memref<2x2560x128xi32, #tpu.memory_space<hbm>> -> memref<1x16x128xi32, #tpu.memory_space<hbm>>
      %dma_wait3A_54 = tpu.memref_squeeze %dma_wait3A_53 : memref<1x16x128xi32, #tpu.memory_space<hbm>> -> memref<16x128xi32, #tpu.memory_space<hbm>>
      %dma_wait3A_55 = arith.constant 0 : i32
      %dma_wait3A_56 = arith.constant 0 : i32
      %dma_wait3A_57 = tpu.memref_slice %arg7[%dma_wait3A_55, %dma_wait3A_56] : memref<32x128xi32, #tpu.memory_space<vmem>> -> memref<16x128xi32, #tpu.memory_space<vmem>>
      %dma_wait3A_58 = arith.constant 0 : i32
      %dma_wait3A_59 = tpu.memref_slice %arg3[%run_scoped3A_27, %multiple_of3A, %dma_wait3A_58] : memref<2x2560x128xi32, #tpu.memory_space<hbm>> -> memref<1x16x128xi32, #tpu.memory_space<hbm>>
      %dma_wait3A_60 = tpu.memref_squeeze %dma_wait3A_59 : memref<1x16x128xi32, #tpu.memory_space<hbm>> -> memref<16x128xi32, #tpu.memory_space<hbm>>
      tpu.wait_dma2 semaphore(%run_scoped3A_38 : memref<!tpu.dma_semaphore, #tpu.memory_space<semaphore_mem>>) src(%dma_wait3A_60 : memref<16x128xi32, #tpu.memory_space<hbm>>) dst(%dma_wait3A_57 : memref<16x128xi32, #tpu.memory_space<vmem>>)
      tpu.yield
    }) : () -> ()
    %gt3A = arith.constant 0 : i32
    %gt3A_28 = arith.cmpi sgt, %min3A_7, %gt3A : i32
    %convert_element_type3A_29 = arith.extui %gt3A_28 : i1 to i32
    %cond3A_30 = arith.constant 0 : i32
    %cond3A_31 = arith.cmpi ne, %convert_element_type3A_29, %cond3A_30 : i32
    scf.if %cond3A_31 {
      %dma_start3A = arith.constant 0 : i32
      %dma_start3A_38 = arith.constant 0 : i32
      %dma_start3A_39 = tpu.memref_slice %arg6[%dma_start3A, %dma_start3A_38] : memref<32x128xi32, #tpu.memory_space<vmem>> -> memref<1x128xi32, #tpu.memory_space<vmem>>
      %dma_start3A_40 = tpu.memref_squeeze %dma_start3A_39 : memref<1x128xi32, #tpu.memory_space<vmem>> -> memref<128xi32, #tpu.memory_space<vmem>>
      %dma_start3A_41 = arith.constant 0 : i32
      %dma_start3A_42 = arith.constant 0 : i32
      %dma_start3A_43 = tpu.memref_slice %arg2[%dma_start3A_41, %dma_start3A_42] : memref<10000x128xf32, #tpu.memory_space<hbm>> -> memref<10000x128xf32, #tpu.memory_space<hbm>>
      tpu.enqueue_indirect_dma source(%dma_start3A_43 : memref<10000x128xf32, #tpu.memory_space<hbm>>) target(%arg8 : memref<128x128xf32, #tpu.memory_space<vmem>>) offsets(%dma_start3A_40 : memref<128xi32, #tpu.memory_space<vmem>>) semaphore(%arg10 : memref<!tpu.dma_semaphore, #tpu.memory_space<semaphore_mem>>)
    } else {
    }
    %scan3A = arith.constant 0 : i32
    %scan3A_32 = arith.constant 0 : i32
    %scan3A_33 = arith.constant 5 : i32
    %scan3A_34 = arith.addi %scan3A_32, %scan3A_33 : i32
    %scan3A_35 = arith.constant 1 : i32
    scf.for %scan3A_38 = %scan3A_32 to %scan3A_34 step %scan3A_35  : i32 {
      %jit3A = arith.constant 2 : i32
      %eq3A_39 = arith.constant 0 : i32
      %eq3A_40 = arith.cmpi eq, %jit3A, %eq3A_39 : i32
      %jit3A_41 = arith.constant 1 : i32
      %select_n3A = arith.select %eq3A_40, %jit3A_41, %jit3A : i32
      %rem3A = arith.remsi %scan3A_38, %select_n3A : i32
      %ne3A = arith.constant 0 : i32
      %ne3A_42 = arith.cmpi ne, %rem3A, %ne3A : i32
      %lt3A_43 = arith.constant 0 : i32
      %lt3A_44 = arith.cmpi slt, %rem3A, %lt3A_43 : i32
      %lt3A_45 = arith.constant 0 : i32
      %lt3A_46 = arith.cmpi slt, %select_n3A, %lt3A_45 : i32
      %ne3A_47 = arith.xori %lt3A_44, %lt3A_46 : i1
      %and3A_48 = arith.andi %ne3A_47, %ne3A_42 : i1
      %add3A_49 = arith.addi %rem3A, %select_n3A : i32
      %select_n3A_50 = arith.select %and3A_48, %add3A_49, %rem3A : i32
      %mul3A_51 = arith.constant 16 : i32
      %mul3A_52 = arith.muli %select_n3A_50, %mul3A_51 : i32
      %sub3A_53 = arith.constant 16 : i32
      %sub3A_54 = arith.subi %sub3A_53, %mul3A_52 : i32
      %mul3A_55 = arith.constant 16 : i32
      %mul3A_56 = arith.muli %scan3A_38, %mul3A_55 : i32
      %add3A_57 = arith.constant 1 : i32
      %add3A_58 = arith.addi %scan3A_38, %add3A_57 : i32
      %mul3A_59 = arith.constant 16 : i32
      %mul3A_60 = arith.muli %add3A_58, %mul3A_59 : i32
      %add3A_61 = arith.addi %multiple_of3A, %mul3A_60 : i32
      %multiple_of3A_62 = tpu.assume_multiple %add3A_61, 8 : i32
      %add3A_63 = arith.constant 1 : i32
      %add3A_64 = arith.addi %scan3A_38, %add3A_63 : i32
      %lt3A_65 = arith.constant 5 : i32
      %lt3A_66 = arith.cmpi slt, %add3A_64, %lt3A_65 : i32
      %convert_element_type3A_67 = arith.extui %lt3A_66 : i1 to i32
      %cond3A_68 = arith.constant 0 : i32
      %cond3A_69 = arith.cmpi ne, %convert_element_type3A_67, %cond3A_68 : i32
      scf.if %cond3A_69 {
        %dma_start3A = arith.constant 0 : i32
        %dma_start3A_76 = arith.constant 0 : i32
        %dma_start3A_77 = tpu.memref_slice %arg6[%sub3A_54, %dma_start3A_76] : memref<32x128xi32, #tpu.memory_space<vmem>> -> memref<16x128xi32, #tpu.memory_space<vmem>>
        %dma_start3A_78 = arith.constant 0 : i32
        %dma_start3A_79 = tpu.memref_slice %arg3[%dma_start3A, %multiple_of3A_62, %dma_start3A_78] : memref<2x2560x128xi32, #tpu.memory_space<hbm>> -> memref<1x16x128xi32, #tpu.memory_space<hbm>>
        %dma_start3A_80 = tpu.memref_squeeze %dma_start3A_79 : memref<1x16x128xi32, #tpu.memory_space<hbm>> -> memref<16x128xi32, #tpu.memory_space<hbm>>
        %dma_start3A_81 = arith.constant 0 : i32
        %dma_start3A_82 = tpu.memref_slice %arg6[%sub3A_54, %dma_start3A_81] : memref<32x128xi32, #tpu.memory_space<vmem>> -> memref<16x128xi32, #tpu.memory_space<vmem>>
        %dma_start3A_83 = arith.constant 0 : i32
        %dma_start3A_84 = tpu.memref_slice %arg3[%dma_start3A, %multiple_of3A_62, %dma_start3A_83] : memref<2x2560x128xi32, #tpu.memory_space<hbm>> -> memref<1x16x128xi32, #tpu.memory_space<hbm>>
        %dma_start3A_85 = tpu.memref_squeeze %dma_start3A_84 : memref<1x16x128xi32, #tpu.memory_space<hbm>> -> memref<16x128xi32, #tpu.memory_space<hbm>>
        tpu.enqueue_dma source(%dma_start3A_85 : memref<16x128xi32, #tpu.memory_space<hbm>>) target(%dma_start3A_82 : memref<16x128xi32, #tpu.memory_space<vmem>>) target_semaphore(%arg12 : memref<!tpu.dma_semaphore, #tpu.memory_space<semaphore_mem>>)
        %dma_start3A_86 = arith.constant 1 : i32
        %dma_start3A_87 = arith.constant 0 : i32
        %dma_start3A_88 = tpu.memref_slice %arg7[%sub3A_54, %dma_start3A_87] : memref<32x128xi32, #tpu.memory_space<vmem>> -> memref<16x128xi32, #tpu.memory_space<vmem>>
        %dma_start3A_89 = arith.constant 0 : i32
        %dma_start3A_90 = tpu.memref_slice %arg3[%dma_start3A_86, %multiple_of3A_62, %dma_start3A_89] : memref<2x2560x128xi32, #tpu.memory_space<hbm>> -> memref<1x16x128xi32, #tpu.memory_space<hbm>>
        %dma_start3A_91 = tpu.memref_squeeze %dma_start3A_90 : memref<1x16x128xi32, #tpu.memory_space<hbm>> -> memref<16x128xi32, #tpu.memory_space<hbm>>
        %dma_start3A_92 = arith.constant 0 : i32
        %dma_start3A_93 = tpu.memref_slice %arg7[%sub3A_54, %dma_start3A_92] : memref<32x128xi32, #tpu.memory_space<vmem>> -> memref<16x128xi32, #tpu.memory_space<vmem>>
        %dma_start3A_94 = arith.constant 0 : i32
        %dma_start3A_95 = tpu.memref_slice %arg3[%dma_start3A_86, %multiple_of3A_62, %dma_start3A_94] : memref<2x2560x128xi32, #tpu.memory_space<hbm>> -> memref<1x16x128xi32, #tpu.memory_space<hbm>>
        %dma_start3A_96 = tpu.memref_squeeze %dma_start3A_95 : memref<1x16x128xi32, #tpu.memory_space<hbm>> -> memref<16x128xi32, #tpu.memory_space<hbm>>
        tpu.enqueue_dma source(%dma_start3A_96 : memref<16x128xi32, #tpu.memory_space<hbm>>) target(%dma_start3A_93 : memref<16x128xi32, #tpu.memory_space<vmem>>) target_semaphore(%arg13 : memref<!tpu.dma_semaphore, #tpu.memory_space<semaphore_mem>>)
      } else {
      }
      %scan3A_70 = arith.constant 0 : i32
      %scan3A_71 = arith.constant 0 : i32
      %scan3A_72 = arith.constant 8 : i32
      %scan3A_73 = arith.addi %scan3A_71, %scan3A_72 : i32
      %scan3A_74 = arith.constant 1 : i32
      scf.for %scan3A_76 = %scan3A_71 to %scan3A_73 step %scan3A_74  : i32 {
        %eq3A_77 = arith.constant 3 : i32
        %eq3A_78 = arith.cmpi eq, %scan3A_76, %eq3A_77 : i32
        %add3A_79 = arith.constant 1 : i32
        %add3A_80 = arith.addi %scan3A_38, %add3A_79 : i32
        %lt3A_81 = arith.constant 5 : i32
        %lt3A_82 = arith.cmpi slt, %add3A_80, %lt3A_81 : i32
        %and3A_83 = arith.andi %eq3A_78, %lt3A_82 : i1
        %convert_element_type3A_84 = arith.extui %and3A_83 : i1 to i32
        %cond3A_85 = arith.constant 0 : i32
        %cond3A_86 = arith.cmpi ne, %convert_element_type3A_84, %cond3A_85 : i32
        scf.if %cond3A_86 {
          %dma_wait3A = arith.constant 0 : i32
          %dma_wait3A_133 = arith.constant 0 : i32
          %dma_wait3A_134 = tpu.memref_slice %arg6[%sub3A_54, %dma_wait3A_133] : memref<32x128xi32, #tpu.memory_space<vmem>> -> memref<16x128xi32, #tpu.memory_space<vmem>>
          %dma_wait3A_135 = arith.constant 0 : i32
          %dma_wait3A_136 = tpu.memref_slice %arg3[%dma_wait3A, %multiple_of3A_62, %dma_wait3A_135] : memref<2x2560x128xi32, #tpu.memory_space<hbm>> -> memref<1x16x128xi32, #tpu.memory_space<hbm>>
          %dma_wait3A_137 = tpu.memref_squeeze %dma_wait3A_136 : memref<1x16x128xi32, #tpu.memory_space<hbm>> -> memref<16x128xi32, #tpu.memory_space<hbm>>
          %dma_wait3A_138 = arith.constant 0 : i32
          %dma_wait3A_139 = tpu.memref_slice %arg6[%sub3A_54, %dma_wait3A_138] : memref<32x128xi32, #tpu.memory_space<vmem>> -> memref<16x128xi32, #tpu.memory_space<vmem>>
          %dma_wait3A_140 = arith.constant 0 : i32
          %dma_wait3A_141 = tpu.memref_slice %arg3[%dma_wait3A, %multiple_of3A_62, %dma_wait3A_140] : memref<2x2560x128xi32, #tpu.memory_space<hbm>> -> memref<1x16x128xi32, #tpu.memory_space<hbm>>
          %dma_wait3A_142 = tpu.memref_squeeze %dma_wait3A_141 : memref<1x16x128xi32, #tpu.memory_space<hbm>> -> memref<16x128xi32, #tpu.memory_space<hbm>>
          tpu.wait_dma2 semaphore(%arg12 : memref<!tpu.dma_semaphore, #tpu.memory_space<semaphore_mem>>) src(%dma_wait3A_142 : memref<16x128xi32, #tpu.memory_space<hbm>>) dst(%dma_wait3A_139 : memref<16x128xi32, #tpu.memory_space<vmem>>)
          %dma_wait3A_143 = arith.constant 1 : i32
          %dma_wait3A_144 = arith.constant 0 : i32
          %dma_wait3A_145 = tpu.memref_slice %arg7[%sub3A_54, %dma_wait3A_144] : memref<32x128xi32, #tpu.memory_space<vmem>> -> memref<16x128xi32, #tpu.memory_space<vmem>>
          %dma_wait3A_146 = arith.constant 0 : i32
          %dma_wait3A_147 = tpu.memref_slice %arg3[%dma_wait3A_143, %multiple_of3A_62, %dma_wait3A_146] : memref<2x2560x128xi32, #tpu.memory_space<hbm>> -> memref<1x16x128xi32, #tpu.memory_space<hbm>>
          %dma_wait3A_148 = tpu.memref_squeeze %dma_wait3A_147 : memref<1x16x128xi32, #tpu.memory_space<hbm>> -> memref<16x128xi32, #tpu.memory_space<hbm>>
          %dma_wait3A_149 = arith.constant 0 : i32
          %dma_wait3A_150 = tpu.memref_slice %arg7[%sub3A_54, %dma_wait3A_149] : memref<32x128xi32, #tpu.memory_space<vmem>> -> memref<16x128xi32, #tpu.memory_space<vmem>>
          %dma_wait3A_151 = arith.constant 0 : i32
          %dma_wait3A_152 = tpu.memref_slice %arg3[%dma_wait3A_143, %multiple_of3A_62, %dma_wait3A_151] : memref<2x2560x128xi32, #tpu.memory_space<hbm>> -> memref<1x16x128xi32, #tpu.memory_space<hbm>>
          %dma_wait3A_153 = tpu.memref_squeeze %dma_wait3A_152 : memref<1x16x128xi32, #tpu.memory_space<hbm>> -> memref<16x128xi32, #tpu.memory_space<hbm>>
          tpu.wait_dma2 semaphore(%arg13 : memref<!tpu.dma_semaphore, #tpu.memory_space<semaphore_mem>>) src(%dma_wait3A_153 : memref<16x128xi32, #tpu.memory_space<hbm>>) dst(%dma_wait3A_150 : memref<16x128xi32, #tpu.memory_space<vmem>>)
        } else {
        }
        %mul3A_87 = arith.constant 2 : i32
        %mul3A_88 = arith.muli %scan3A_76, %mul3A_87 : i32
        %add3A_89 = arith.constant 0 : i32
        %add3A_90 = arith.addi %mul3A_88, %add3A_89 : i32
        %add3A_91 = arith.addi %mul3A_56, %add3A_90 : i32
        %add3A_92 = arith.constant 1 : i32
        %add3A_93 = arith.addi %add3A_90, %add3A_92 : i32
        %lt3A_94 = arith.constant 16 : i32
        %lt3A_95 = arith.cmpi slt, %add3A_93, %lt3A_94 : i32
        %add3A_96 = arith.addi %mul3A_52, %add3A_90 : i32
        %add3A_97 = arith.constant 1 : i32
        %add3A_98 = arith.addi %add3A_96, %add3A_97 : i32
        %select_n3A_99 = arith.select %lt3A_95, %add3A_98, %sub3A_54 : i32
        %add3A_100 = arith.constant 1 : i32
        %add3A_101 = arith.addi %add3A_91, %add3A_100 : i32
        %lt3A_102 = arith.cmpi slt, %add3A_101, %min3A_7 : i32
        %convert_element_type3A_103 = arith.extui %lt3A_102 : i1 to i32
        %cond3A_104 = arith.constant 0 : i32
        %cond3A_105 = arith.cmpi ne, %convert_element_type3A_103, %cond3A_104 : i32
        scf.if %cond3A_105 {
          %dma_start3A = arith.constant 0 : i32
          %dma_start3A_133 = tpu.memref_slice %arg6[%select_n3A_99, %dma_start3A] : memref<32x128xi32, #tpu.memory_space<vmem>> -> memref<1x128xi32, #tpu.memory_space<vmem>>
          %dma_start3A_134 = tpu.memref_squeeze %dma_start3A_133 : memref<1x128xi32, #tpu.memory_space<vmem>> -> memref<128xi32, #tpu.memory_space<vmem>>
          %dma_start3A_135 = arith.constant 0 : i32
          %dma_start3A_136 = arith.constant 0 : i32
          %dma_start3A_137 = tpu.memref_slice %arg2[%dma_start3A_135, %dma_start3A_136] : memref<10000x128xf32, #tpu.memory_space<hbm>> -> memref<10000x128xf32, #tpu.memory_space<hbm>>
          tpu.enqueue_indirect_dma source(%dma_start3A_137 : memref<10000x128xf32, #tpu.memory_space<hbm>>) target(%arg9 : memref<128x128xf32, #tpu.memory_space<vmem>>) offsets(%dma_start3A_134 : memref<128xi32, #tpu.memory_space<vmem>>) semaphore(%arg11 : memref<!tpu.dma_semaphore, #tpu.memory_space<semaphore_mem>>)
        } else {
        }
        %lt3A_106 = arith.cmpi slt, %add3A_91, %min3A_7 : i32
        %convert_element_type3A_107 = arith.extui %lt3A_106 : i1 to i32
        %cond3A_108 = arith.constant 0 : i32
        %cond3A_109 = arith.cmpi ne, %convert_element_type3A_107, %cond3A_108 : i32
        scf.if %cond3A_109 {
          %add3A_133 = arith.addi %mul3A_52, %add3A_90 : i32
          %dma_wait3A = arith.constant 0 : i32
          %dma_wait3A_134 = tpu.memref_slice %arg6[%add3A_133, %dma_wait3A] : memref<32x128xi32, #tpu.memory_space<vmem>> -> memref<1x128xi32, #tpu.memory_space<vmem>>
          %dma_wait3A_135 = tpu.memref_squeeze %dma_wait3A_134 : memref<1x128xi32, #tpu.memory_space<vmem>> -> memref<128xi32, #tpu.memory_space<vmem>>
          %dma_wait3A_136 = arith.constant 0 : i32
          %dma_wait3A_137 = arith.constant 0 : i32
          %dma_wait3A_138 = tpu.memref_slice %arg2[%dma_wait3A_136, %dma_wait3A_137] : memref<10000x128xf32, #tpu.memory_space<hbm>> -> memref<10000x128xf32, #tpu.memory_space<hbm>>
          tpu.wait_indirect_dma semaphore(%arg10 : memref<!tpu.dma_semaphore, #tpu.memory_space<semaphore_mem>>) src(%dma_wait3A_138 : memref<10000x128xf32, #tpu.memory_space<hbm>>) dst(%arg8 : memref<128x128xf32, #tpu.memory_space<vmem>>)
          %add3A_139 = arith.addi %mul3A_52, %add3A_90 : i32
          "tpu.region"() ({
            %run_scoped3A_140 = tpu.sem_alloc : memref<!tpu.dma_semaphore, #tpu.memory_space<semaphore_mem>>
            %dma_start3A = arith.constant 0 : i32
            %dma_start3A_141 = tpu.memref_slice %arg7[%add3A_139, %dma_start3A] : memref<32x128xi32, #tpu.memory_space<vmem>> -> memref<1x128xi32, #tpu.memory_space<vmem>>
            %dma_start3A_142 = tpu.memref_squeeze %dma_start3A_141 : memref<1x128xi32, #tpu.memory_space<vmem>> -> memref<128xi32, #tpu.memory_space<vmem>>
            %dma_start3A_143 = arith.constant 0 : i32
            %dma_start3A_144 = arith.constant 0 : i32
            %dma_start3A_145 = tpu.memref_slice %arg5[%dma_start3A_143, %dma_start3A_144] : memref<10240x128xf32, #tpu.memory_space<vmem_shared>> -> memref<10240x128xf32, #tpu.memory_space<vmem_shared>>
            tpu.enqueue_indirect_dma source(%arg8 : memref<128x128xf32, #tpu.memory_space<vmem>>) target(%dma_start3A_145 : memref<10240x128xf32, #tpu.memory_space<vmem_shared>>) offsets(%dma_start3A_142 : memref<128xi32, #tpu.memory_space<vmem>>) semaphore(%run_scoped3A_140 : memref<!tpu.dma_semaphore, #tpu.memory_space<semaphore_mem>>) {add = true}
            %dma_wait3A_146 = arith.constant 0 : i32
            %dma_wait3A_147 = tpu.memref_slice %arg7[%add3A_139, %dma_wait3A_146] : memref<32x128xi32, #tpu.memory_space<vmem>> -> memref<1x128xi32, #tpu.memory_space<vmem>>
            %dma_wait3A_148 = tpu.memref_squeeze %dma_wait3A_147 : memref<1x128xi32, #tpu.memory_space<vmem>> -> memref<128xi32, #tpu.memory_space<vmem>>
            %dma_wait3A_149 = arith.constant 0 : i32
            %dma_wait3A_150 = arith.constant 0 : i32
            %dma_wait3A_151 = tpu.memref_slice %arg5[%dma_wait3A_149, %dma_wait3A_150] : memref<10240x128xf32, #tpu.memory_space<vmem_shared>> -> memref<10240x128xf32, #tpu.memory_space<vmem_shared>>
            tpu.wait_indirect_dma semaphore(%run_scoped3A_140 : memref<!tpu.dma_semaphore, #tpu.memory_space<semaphore_mem>>) src(%arg8 : memref<128x128xf32, #tpu.memory_space<vmem>>) dst(%dma_wait3A_151 : memref<10240x128xf32, #tpu.memory_space<vmem_shared>>)
            tpu.yield
          }) : () -> ()
        } else {
        }
        %mul3A_110 = arith.constant 2 : i32
        %mul3A_111 = arith.muli %scan3A_76, %mul3A_110 : i32
        %add3A_112 = arith.constant 1 : i32
        %add3A_113 = arith.addi %mul3A_111, %add3A_112 : i32
        %add3A_114 = arith.addi %mul3A_56, %add3A_113 : i32
        %add3A_115 = arith.constant 1 : i32
        %add3A_116 = arith.addi %add3A_113, %add3A_115 : i32
        %lt3A_117 = arith.constant 16 : i32
        %lt3A_118 = arith.cmpi slt, %add3A_116, %lt3A_117 : i32
        %add3A_119 = arith.addi %mul3A_52, %add3A_113 : i32
        %add3A_120 = arith.constant 1 : i32
        %add3A_121 = arith.addi %add3A_119, %add3A_120 : i32
        %select_n3A_122 = arith.select %lt3A_118, %add3A_121, %sub3A_54 : i32
        %add3A_123 = arith.constant 1 : i32
        %add3A_124 = arith.addi %add3A_114, %add3A_123 : i32
        %lt3A_125 = arith.cmpi slt, %add3A_124, %min3A_7 : i32
        %convert_element_type3A_126 = arith.extui %lt3A_125 : i1 to i32
        %cond3A_127 = arith.constant 0 : i32
        %cond3A_128 = arith.cmpi ne, %convert_element_type3A_126, %cond3A_127 : i32
        scf.if %cond3A_128 {
          %dma_start3A = arith.constant 0 : i32
          %dma_start3A_133 = tpu.memref_slice %arg6[%select_n3A_122, %dma_start3A] : memref<32x128xi32, #tpu.memory_space<vmem>> -> memref<1x128xi32, #tpu.memory_space<vmem>>
          %dma_start3A_134 = tpu.memref_squeeze %dma_start3A_133 : memref<1x128xi32, #tpu.memory_space<vmem>> -> memref<128xi32, #tpu.memory_space<vmem>>
          %dma_start3A_135 = arith.constant 0 : i32
          %dma_start3A_136 = arith.constant 0 : i32
          %dma_start3A_137 = tpu.memref_slice %arg2[%dma_start3A_135, %dma_start3A_136] : memref<10000x128xf32, #tpu.memory_space<hbm>> -> memref<10000x128xf32, #tpu.memory_space<hbm>>
          tpu.enqueue_indirect_dma source(%dma_start3A_137 : memref<10000x128xf32, #tpu.memory_space<hbm>>) target(%arg8 : memref<128x128xf32, #tpu.memory_space<vmem>>) offsets(%dma_start3A_134 : memref<128xi32, #tpu.memory_space<vmem>>) semaphore(%arg10 : memref<!tpu.dma_semaphore, #tpu.memory_space<semaphore_mem>>)
        } else {
        }
        %lt3A_129 = arith.cmpi slt, %add3A_114, %min3A_7 : i32
        %convert_element_type3A_130 = arith.extui %lt3A_129 : i1 to i32
        %cond3A_131 = arith.constant 0 : i32
        %cond3A_132 = arith.cmpi ne, %convert_element_type3A_130, %cond3A_131 : i32
        scf.if %cond3A_132 {
          %add3A_133 = arith.addi %mul3A_52, %add3A_113 : i32
          %dma_wait3A = arith.constant 0 : i32
          %dma_wait3A_134 = tpu.memref_slice %arg6[%add3A_133, %dma_wait3A] : memref<32x128xi32, #tpu.memory_space<vmem>> -> memref<1x128xi32, #tpu.memory_space<vmem>>
          %dma_wait3A_135 = tpu.memref_squeeze %dma_wait3A_134 : memref<1x128xi32, #tpu.memory_space<vmem>> -> memref<128xi32, #tpu.memory_space<vmem>>
          %dma_wait3A_136 = arith.constant 0 : i32
          %dma_wait3A_137 = arith.constant 0 : i32
          %dma_wait3A_138 = tpu.memref_slice %arg2[%dma_wait3A_136, %dma_wait3A_137] : memref<10000x128xf32, #tpu.memory_space<hbm>> -> memref<10000x128xf32, #tpu.memory_space<hbm>>
          tpu.wait_indirect_dma semaphore(%arg11 : memref<!tpu.dma_semaphore, #tpu.memory_space<semaphore_mem>>) src(%dma_wait3A_138 : memref<10000x128xf32, #tpu.memory_space<hbm>>) dst(%arg9 : memref<128x128xf32, #tpu.memory_space<vmem>>)
          %add3A_139 = arith.addi %mul3A_52, %add3A_113 : i32
          "tpu.region"() ({
            %run_scoped3A_140 = tpu.sem_alloc : memref<!tpu.dma_semaphore, #tpu.memory_space<semaphore_mem>>
            %dma_start3A = arith.constant 0 : i32
            %dma_start3A_141 = tpu.memref_slice %arg7[%add3A_139, %dma_start3A] : memref<32x128xi32, #tpu.memory_space<vmem>> -> memref<1x128xi32, #tpu.memory_space<vmem>>
            %dma_start3A_142 = tpu.memref_squeeze %dma_start3A_141 : memref<1x128xi32, #tpu.memory_space<vmem>> -> memref<128xi32, #tpu.memory_space<vmem>>
            %dma_start3A_143 = arith.constant 0 : i32
            %dma_start3A_144 = arith.constant 0 : i32
            %dma_start3A_145 = tpu.memref_slice %arg5[%dma_start3A_143, %dma_start3A_144] : memref<10240x128xf32, #tpu.memory_space<vmem_shared>> -> memref<10240x128xf32, #tpu.memory_space<vmem_shared>>
            tpu.enqueue_indirect_dma source(%arg9 : memref<128x128xf32, #tpu.memory_space<vmem>>) target(%dma_start3A_145 : memref<10240x128xf32, #tpu.memory_space<vmem_shared>>) offsets(%dma_start3A_142 : memref<128xi32, #tpu.memory_space<vmem>>) semaphore(%run_scoped3A_140 : memref<!tpu.dma_semaphore, #tpu.memory_space<semaphore_mem>>) {add = true}
            %dma_wait3A_146 = arith.constant 0 : i32
            %dma_wait3A_147 = tpu.memref_slice %arg7[%add3A_139, %dma_wait3A_146] : memref<32x128xi32, #tpu.memory_space<vmem>> -> memref<1x128xi32, #tpu.memory_space<vmem>>
            %dma_wait3A_148 = tpu.memref_squeeze %dma_wait3A_147 : memref<1x128xi32, #tpu.memory_space<vmem>> -> memref<128xi32, #tpu.memory_space<vmem>>
            %dma_wait3A_149 = arith.constant 0 : i32
            %dma_wait3A_150 = arith.constant 0 : i32
            %dma_wait3A_151 = tpu.memref_slice %arg5[%dma_wait3A_149, %dma_wait3A_150] : memref<10240x128xf32, #tpu.memory_space<vmem_shared>> -> memref<10240x128xf32, #tpu.memory_space<vmem_shared>>
            tpu.wait_indirect_dma semaphore(%run_scoped3A_140 : memref<!tpu.dma_semaphore, #tpu.memory_space<semaphore_mem>>) src(%arg9 : memref<128x128xf32, #tpu.memory_space<vmem>>) dst(%dma_wait3A_151 : memref<10240x128xf32, #tpu.memory_space<vmem_shared>>)
            tpu.yield
          }) : () -> ()
        } else {
        }
      }
      %scan3A_75 = arith.constant 8 : i32
    }
    %scan3A_36 = arith.constant 5 : i32
    %barrier3A_37 = arith.constant 0 : index
    tpu.barrier barrier_id(%barrier3A_37)
    "tpu.region"() ({
      %run_scoped3A_38 = tpu.sem_alloc : memref<!tpu.dma_semaphore, #tpu.memory_space<semaphore_mem>>
      %dma_start3A = arith.constant 0 : i32
      %dma_start3A_39 = tpu.memref_slice %arg4[%arg0, %multiple_of3A_10, %dma_start3A] : memref<2x10240x128xf32, #tpu.memory_space<hbm>> -> memref<1x640x128xf32, #tpu.memory_space<hbm>>
      %dma_start3A_40 = tpu.memref_squeeze %dma_start3A_39 : memref<1x640x128xf32, #tpu.memory_space<hbm>> -> memref<640x128xf32, #tpu.memory_space<hbm>>
      %dma_start3A_41 = arith.constant 0 : i32
      %dma_start3A_42 = tpu.memref_slice %arg5[%multiple_of3A_10, %dma_start3A_41] : memref<10240x128xf32, #tpu.memory_space<vmem_shared>> -> memref<640x128xf32, #tpu.memory_space<vmem_shared>>
      tpu.enqueue_dma source(%dma_start3A_42 : memref<640x128xf32, #tpu.memory_space<vmem_shared>>) target(%dma_start3A_40 : memref<640x128xf32, #tpu.memory_space<hbm>>) target_semaphore(%run_scoped3A_38 : memref<!tpu.dma_semaphore, #tpu.memory_space<semaphore_mem>>)
      %dma_wait3A = arith.constant 0 : i32
      %dma_wait3A_43 = tpu.memref_slice %arg4[%arg0, %multiple_of3A_10, %dma_wait3A] : memref<2x10240x128xf32, #tpu.memory_space<hbm>> -> memref<1x640x128xf32, #tpu.memory_space<hbm>>
      %dma_wait3A_44 = tpu.memref_squeeze %dma_wait3A_43 : memref<1x640x128xf32, #tpu.memory_space<hbm>> -> memref<640x128xf32, #tpu.memory_space<hbm>>
      %dma_wait3A_45 = arith.constant 0 : i32
      %dma_wait3A_46 = tpu.memref_slice %arg5[%multiple_of3A_10, %dma_wait3A_45] : memref<10240x128xf32, #tpu.memory_space<vmem_shared>> -> memref<640x128xf32, #tpu.memory_space<vmem_shared>>
      tpu.wait_dma2 semaphore(%run_scoped3A_38 : memref<!tpu.dma_semaphore, #tpu.memory_space<semaphore_mem>>) src(%dma_wait3A_46 : memref<640x128xf32, #tpu.memory_space<vmem_shared>>) dst(%dma_wait3A_44 : memref<640x128xf32, #tpu.memory_space<hbm>>)
      tpu.yield
    }) : () -> ()
    return
  }
}

module attributes {stable_mosaic.version = 14 : i64} {
  func.func @body(%arg0: i32, %arg1: memref<2048x128xf32, #tpu.memory_space<vmem>>, %arg2: memref<128x128xf32, #tpu.memory_space<vmem>>, %arg3: memref<32x2048xf32, #tpu.memory_space<vmem>>, %arg4: memref<2048x128xf32, #tpu.memory_space<vmem>>, %arg5: memref<2048x1xf32, #tpu.memory_space<vmem>>) attributes {dimension_semantics = [#tpu.dimension_semantics<arbitrary>], iteration_bounds = array<i64: 5>, scalar_prefetch = 0 : i64, scratch_operands = 0 : i64, tpu.core_type = #tpu.core_type<tc>, window_params = [{transform_indices = @transform_0, window_bounds = array<i64: 2048, 128>}, {pipeline_mode = #tpu.pipeline_mode<synchronous>, transform_indices = @transform_1, window_bounds = array<i64: 128, 128>}, {transform_indices = @transform_2, window_bounds = array<i64: 32, 2048>}, {transform_indices = @transform_3, window_bounds = array<i64: 2048, 128>}, {transform_indices = @transform_4, window_bounds = array<i64: 2048, 1>}]} {
    %get3A = arith.constant 0 : index
    %get3A_0 = arith.constant 0 : index
    %get3A_1 = vector.load %arg3[%get3A, %get3A_0] : memref<32x2048xf32, #tpu.memory_space<vmem>>, vector<32x2048xf32>
    %reduce_sum3A = arith.constant dense<0.000000e+00> : vector<2048xf32>
    %reduce_sum3A_2 = vector.multi_reduction <add>, %get3A_1, %reduce_sum3A [0] : vector<32x2048xf32> to vector<2048xf32>
    %add3A = arith.constant 1.000000e+00 : f32
    %add3A_3 = vector.broadcast %add3A : f32 to vector<2048xf32>
    %add3A_4 = arith.addf %reduce_sum3A_2, %add3A_3 : vector<2048xf32>
    %rsqrt3A = math.rsqrt %add3A_4 : vector<2048xf32>
    %reshape3A = vector.shape_cast %rsqrt3A : vector<2048xf32> to vector<2048x1xf32>
    %swap3A = arith.constant 0 : index
    %swap3A_5 = arith.constant 0 : index
    %swap3A_6 = vector.load %arg5[%swap3A, %swap3A_5] : memref<2048x1xf32, #tpu.memory_space<vmem>>, vector<2048x1xf32>
    tpu.vector_store %arg5[%swap3A, %swap3A_5], %reshape3A {strides = array<i32>} : memref<2048x1xf32, #tpu.memory_space<vmem>>, vector<2048x1xf32>,
    %get3A_7 = arith.constant 0 : index
    %get3A_8 = arith.constant 0 : index
    %get3A_9 = vector.load %arg1[%get3A_7, %get3A_8] : memref<2048x128xf32, #tpu.memory_space<vmem>>, vector<2048x128xf32>
    %get3A_10 = arith.constant 0 : index
    %get3A_11 = arith.constant 0 : index
    %get3A_12 = vector.load %arg2[%get3A_10, %get3A_11] : memref<128x128xf32, #tpu.memory_space<vmem>>, vector<128x128xf32>
    %dot_general3A = arith.constant dense<0.000000e+00> : vector<2048x128xf32>
    %dot_general3A_13 = tpu.matmul %get3A_9, %get3A_12, %dot_general3A {dimension_numbers = #tpu.dot_dimension_numbers<[1], [0], [0], [1], [0, 0, 1, 1], [], []>, transpose_lhs_hint = false} : vector<2048x128xf32>, vector<128x128xf32>, vector<2048x128xf32> -> vector<2048x128xf32>
    %mul3A = vector.broadcast %reshape3A : vector<2048x1xf32> to vector<2048x128xf32>
    %mul3A_14 = arith.mulf %dot_general3A_13, %mul3A : vector<2048x128xf32>
    %swap3A_15 = arith.constant 0 : index
    %swap3A_16 = arith.constant 0 : index
    %swap3A_17 = vector.load %arg4[%swap3A_15, %swap3A_16] : memref<2048x128xf32, #tpu.memory_space<vmem>>, vector<2048x128xf32>
    tpu.vector_store %arg4[%swap3A_15, %swap3A_16], %mul3A_14 {strides = array<i32>} : memref<2048x128xf32, #tpu.memory_space<vmem>>, vector<2048x128xf32>,
    return
  }
  func.func @transform_0(%arg0: i32) -> (i32, i32) {
    %c0_i32 = arith.constant 0 : i32
    %c0_i32_0 = arith.constant 0 : i32
    return %arg0, %c0_i32 : i32, i32
  }
  func.func @transform_1(%arg0: i32) -> (i32, i32) {
    %c0_i32 = arith.constant 0 : i32
    %c0_i32_0 = arith.constant 0 : i32
    %c0_i32_1 = arith.constant 0 : i32
    return %c0_i32, %c0_i32_0 : i32, i32
  }
  func.func @transform_2(%arg0: i32) -> (i32, i32) {
    %c0_i32 = arith.constant 0 : i32
    %c0_i32_0 = arith.constant 0 : i32
    return %c0_i32, %arg0 : i32, i32
  }
  func.func @transform_3(%arg0: i32) -> (i32, i32) {
    %c0_i32 = arith.constant 0 : i32
    %c0_i32_0 = arith.constant 0 : i32
    return %arg0, %c0_i32 : i32, i32
  }
  func.func @transform_4(%arg0: i32) -> (i32, i32) {
    %c0_i32 = arith.constant 0 : i32
    %c0_i32_0 = arith.constant 0 : i32
    return %arg0, %c0_i32 : i32, i32
  }
}

module attributes {stable_mosaic.version = 14 : i64} {
  func.func @body(%arg0: i32, %arg1: memref<2x2000x128xf32, #tpu.memory_space<vmem>>, %arg2: memref<2000x1xf32, #tpu.memory_space<vmem>>, %arg3: memref<128xf32, #tpu.memory_space<vmem>>, %arg4: memref<128x128xf32, #tpu.memory_space<vmem>>, %arg5: memref<2000x128xf32, #tpu.memory_space<vmem>>) attributes {dimension_semantics = [#tpu.dimension_semantics<arbitrary>], iteration_bounds = array<i64: 5>, scalar_prefetch = 0 : i64, scratch_operands = 0 : i64, tpu.core_type = #tpu.core_type<tc>, window_params = [{transform_indices = @transform_0, window_bounds = array<i64: 2, 2000, 128>}, {transform_indices = @transform_1, window_bounds = array<i64: 2000, 1>}, {pipeline_mode = #tpu.pipeline_mode<synchronous>, transform_indices = @transform_2, window_bounds = array<i64: 128>}, {pipeline_mode = #tpu.pipeline_mode<synchronous>, transform_indices = @transform_3, window_bounds = array<i64: 128, 128>}, {transform_indices = @transform_4, window_bounds = array<i64: 2000, 128>}]} {
    %get3A = arith.constant 0 : index
    %get3A_0 = arith.constant 0 : index
    %get3A_1 = vector.load %arg2[%get3A, %get3A_0] : memref<2000x1xf32, #tpu.memory_space<vmem>>, vector<2000x1xf32>
    %get3A_2 = arith.constant 0 : index
    %get3A_3 = arith.constant 0 : index
    %get3A_4 = arith.constant 0 : index
    %get3A_5 = vector.load %arg1[%get3A_2, %get3A_3, %get3A_4] : memref<2x2000x128xf32, #tpu.memory_space<vmem>>, vector<1x2000x128xf32>
    %get3A_6 = vector.shape_cast %get3A_5 : vector<1x2000x128xf32> to vector<2000x128xf32>
    %get3A_7 = arith.constant 1 : index
    %get3A_8 = arith.constant 0 : index
    %get3A_9 = arith.constant 0 : index
    %get3A_10 = vector.load %arg1[%get3A_7, %get3A_8, %get3A_9] : memref<2x2000x128xf32, #tpu.memory_space<vmem>>, vector<1x2000x128xf32>
    %get3A_11 = vector.shape_cast %get3A_10 : vector<1x2000x128xf32> to vector<2000x128xf32>
    %add3A = arith.addf %get3A_6, %get3A_11 : vector<2000x128xf32>
    %mul3A = vector.broadcast %get3A_1 : vector<2000x1xf32> to vector<2000x128xf32>
    %mul3A_12 = arith.mulf %mul3A, %add3A : vector<2000x128xf32>
    %get3A_13 = arith.constant 0 : index
    %get3A_14 = vector.load %arg3[%get3A_13] : memref<128xf32, #tpu.memory_space<vmem>>, vector<128xf32>
    %broadcast_in_dim3A = vector.shape_cast %get3A_14 : vector<128xf32> to vector<1x128xf32>
    %add3A_15 = vector.broadcast %broadcast_in_dim3A : vector<1x128xf32> to vector<2000x128xf32>
    %add3A_16 = arith.addf %mul3A_12, %add3A_15 : vector<2000x128xf32>
    %gt3A = arith.constant 0.000000e+00 : f32
    %gt3A_17 = vector.broadcast %gt3A : f32 to vector<2000x128xf32>
    %gt3A_18 = arith.cmpf ogt, %add3A_16, %gt3A_17 : vector<2000x128xf32>
    %exp3A = math.exp %add3A_16 : vector<2000x128xf32>
    %sub3A = arith.constant 1.000000e+00 : f32
    %sub3A_19 = vector.broadcast %sub3A : f32 to vector<2000x128xf32>
    %sub3A_20 = arith.subf %exp3A, %sub3A_19 : vector<2000x128xf32>
    %mul3A_21 = arith.constant 1.67326319 : f32
    %mul3A_22 = vector.broadcast %mul3A_21 : f32 to vector<2000x128xf32>
    %mul3A_23 = arith.mulf %mul3A_22, %sub3A_20 : vector<2000x128xf32>
    %select_n3A = arith.select %gt3A_18, %add3A_16, %mul3A_23 : vector<2000x128xi1>, vector<2000x128xf32>
    %mul3A_24 = arith.constant 1.05070102 : f32
    %mul3A_25 = vector.broadcast %mul3A_24 : f32 to vector<2000x128xf32>
    %mul3A_26 = arith.mulf %mul3A_25, %select_n3A : vector<2000x128xf32>
    %get3A_27 = arith.constant 0 : index
    %get3A_28 = arith.constant 0 : index
    %get3A_29 = vector.load %arg4[%get3A_27, %get3A_28] : memref<128x128xf32, #tpu.memory_space<vmem>>, vector<128x128xf32>
    %dot_general3A = arith.constant dense<0.000000e+00> : vector<2000x128xf32>
    %dot_general3A_30 = tpu.matmul %mul3A_26, %get3A_29, %dot_general3A {dimension_numbers = #tpu.dot_dimension_numbers<[1], [0], [0], [1], [0, 0, 1, 1], [], []>, transpose_lhs_hint = false} : vector<2000x128xf32>, vector<128x128xf32>, vector<2000x128xf32> -> vector<2000x128xf32>
    %get3A_31 = arith.constant 0 : index
    %get3A_32 = arith.constant 0 : index
    %get3A_33 = vector.load %arg2[%get3A_31, %get3A_32] : memref<2000x1xf32, #tpu.memory_space<vmem>>, vector<2000x1xf32>
    %mul3A_34 = vector.broadcast %get3A_33 : vector<2000x1xf32> to vector<2000x128xf32>
    %mul3A_35 = arith.mulf %dot_general3A_30, %mul3A_34 : vector<2000x128xf32>
    %swap3A = arith.constant 0 : index
    %swap3A_36 = arith.constant 0 : index
    %swap3A_37 = vector.load %arg5[%swap3A, %swap3A_36] : memref<2000x128xf32, #tpu.memory_space<vmem>>, vector<2000x128xf32>
    tpu.vector_store %arg5[%swap3A, %swap3A_36], %mul3A_35 {strides = array<i32>} : memref<2000x128xf32, #tpu.memory_space<vmem>>, vector<2000x128xf32>,
    return
  }
  func.func @transform_0(%arg0: i32) -> (i32, i32, i32) {
    %c0_i32 = arith.constant 0 : i32
    %c0_i32_0 = arith.constant 0 : i32
    %c0_i32_1 = arith.constant 0 : i32
    return %c0_i32, %arg0, %c0_i32_0 : i32, i32, i32
  }
  func.func @transform_1(%arg0: i32) -> (i32, i32) {
    %c0_i32 = arith.constant 0 : i32
    %c0_i32_0 = arith.constant 0 : i32
    return %arg0, %c0_i32 : i32, i32
  }
  func.func @transform_2(%arg0: i32) -> i32 {
    %c0_i32 = arith.constant 0 : i32
    %c0_i32_0 = arith.constant 0 : i32
    return %c0_i32 : i32
  }
  func.func @transform_3(%arg0: i32) -> (i32, i32) {
    %c0_i32 = arith.constant 0 : i32
    %c0_i32_0 = arith.constant 0 : i32
    %c0_i32_1 = arith.constant 0 : i32
    return %c0_i32, %c0_i32_0 : i32, i32
  }
  func.func @transform_4(%arg0: i32) -> (i32, i32) {
    %c0_i32 = arith.constant 0 : i32
    %c0_i32_0 = arith.constant 0 : i32
    return %arg0, %c0_i32 : i32, i32
  }
}

module attributes {stable_mosaic.version = 14 : i64} {
  func.func @body(%arg0: i32, %arg1: memref<2x2000x128xf32, #tpu.memory_space<vmem>>, %arg2: memref<2000x1xf32, #tpu.memory_space<vmem>>, %arg3: memref<128xf32, #tpu.memory_space<vmem>>, %arg4: memref<2000x128xf32, #tpu.memory_space<vmem>>) attributes {dimension_semantics = [#tpu.dimension_semantics<arbitrary>], iteration_bounds = array<i64: 5>, scalar_prefetch = 0 : i64, scratch_operands = 0 : i64, tpu.core_type = #tpu.core_type<tc>, window_params = [{transform_indices = @transform_0, window_bounds = array<i64: 2, 2000, 128>}, {transform_indices = @transform_1, window_bounds = array<i64: 2000, 1>}, {pipeline_mode = #tpu.pipeline_mode<synchronous>, transform_indices = @transform_2, window_bounds = array<i64: 128>}, {transform_indices = @transform_3, window_bounds = array<i64: 2000, 128>}]} {
    %get3A = arith.constant 0 : index
    %get3A_0 = arith.constant 0 : index
    %get3A_1 = vector.load %arg2[%get3A, %get3A_0] : memref<2000x1xf32, #tpu.memory_space<vmem>>, vector<2000x1xf32>
    %get3A_2 = arith.constant 0 : index
    %get3A_3 = arith.constant 0 : index
    %get3A_4 = arith.constant 0 : index
    %get3A_5 = vector.load %arg1[%get3A_2, %get3A_3, %get3A_4] : memref<2x2000x128xf32, #tpu.memory_space<vmem>>, vector<1x2000x128xf32>
    %get3A_6 = vector.shape_cast %get3A_5 : vector<1x2000x128xf32> to vector<2000x128xf32>
    %get3A_7 = arith.constant 1 : index
    %get3A_8 = arith.constant 0 : index
    %get3A_9 = arith.constant 0 : index
    %get3A_10 = vector.load %arg1[%get3A_7, %get3A_8, %get3A_9] : memref<2x2000x128xf32, #tpu.memory_space<vmem>>, vector<1x2000x128xf32>
    %get3A_11 = vector.shape_cast %get3A_10 : vector<1x2000x128xf32> to vector<2000x128xf32>
    %add3A = arith.addf %get3A_6, %get3A_11 : vector<2000x128xf32>
    %mul3A = vector.broadcast %get3A_1 : vector<2000x1xf32> to vector<2000x128xf32>
    %mul3A_12 = arith.mulf %mul3A, %add3A : vector<2000x128xf32>
    %get3A_13 = arith.constant 0 : index
    %get3A_14 = vector.load %arg3[%get3A_13] : memref<128xf32, #tpu.memory_space<vmem>>, vector<128xf32>
    %broadcast_in_dim3A = vector.shape_cast %get3A_14 : vector<128xf32> to vector<1x128xf32>
    %add3A_15 = vector.broadcast %broadcast_in_dim3A : vector<1x128xf32> to vector<2000x128xf32>
    %add3A_16 = arith.addf %mul3A_12, %add3A_15 : vector<2000x128xf32>
    %swap3A = arith.constant 0 : index
    %swap3A_17 = arith.constant 0 : index
    %swap3A_18 = vector.load %arg4[%swap3A, %swap3A_17] : memref<2000x128xf32, #tpu.memory_space<vmem>>, vector<2000x128xf32>
    tpu.vector_store %arg4[%swap3A, %swap3A_17], %add3A_16 {strides = array<i32>} : memref<2000x128xf32, #tpu.memory_space<vmem>>, vector<2000x128xf32>,
    return
  }
  func.func @transform_0(%arg0: i32) -> (i32, i32, i32) {
    %c0_i32 = arith.constant 0 : i32
    %c0_i32_0 = arith.constant 0 : i32
    %c0_i32_1 = arith.constant 0 : i32
    return %c0_i32, %arg0, %c0_i32_0 : i32, i32, i32
  }
  func.func @transform_1(%arg0: i32) -> (i32, i32) {
    %c0_i32 = arith.constant 0 : i32
    %c0_i32_0 = arith.constant 0 : i32
    return %arg0, %c0_i32 : i32, i32
  }
  func.func @transform_2(%arg0: i32) -> i32 {
    %c0_i32 = arith.constant 0 : i32
    %c0_i32_0 = arith.constant 0 : i32
    return %c0_i32 : i32
  }
  func.func @transform_3(%arg0: i32) -> (i32, i32) {
    %c0_i32 = arith.constant 0 : i32
    %c0_i32_0 = arith.constant 0 : i32
    return %arg0, %c0_i32 : i32, i32
  }
}

</mosaic_0001>

<sc_bundles>
// kernel: kernel.11.cloned.1.call-start
scs
__scs_entry_jumppad:
0x0: {  	(pc) =	sbr.rel $0x88, $3  }
0x1: {  	(tag) =	ssettag $0x0;
	lr =	simm.s32 $0x1  }
0x2: {  	[smem:$0x3F9B] =	sst lr;
	_ =	strace $0xD0000000  }
0x3: {  	_ = 	snop  }
0x4: {  	_ = 	snop  }
0x5: {  	_ = 	snop  }
0x6: {  	_ = 	snop  }
0x7: {  	_ = 	snop  }
__scs_overlays_trampoline_lowered:
0x8: {  	[smem:$0x3FAA] =	sst s0  }
0x9: {  	[smem:$0x3FAB] =	sst s1  }
0xa: {  	[smem:$0x3FAC] =	sst s2  }
0xb: {  	[smem:$0x3FAD] =	sst s3  }
0xc: {  	[smem:$0x3FAE] =	sst s4  }
0xd: {  	[smem:$0x3FAF] =	sst s5  }
0xe: {  	[smem:$0x3FB0] =	sst s6  }
0xf: {  	[smem:$0x3FB1] =	sst s7  }
0x10: {  	[smem:$0x3FB2] =	sst s8  }
0x11: {  	[smem:$0x3FB3] =	sst s9;
	s0 =	simm.s32 @!p0 $0x0  }
0x12: {  	s1 =	sld [smem:$0x3F99];
	s0 =	simm.s32 @p0 $0x1  }
0x13: {  	[smem:$0x3FB4] =	sst s0;
	s0 =	simm.s32 @!p1 $0x0  }
0x14: {  	s2 =	sld [smem:$0x3F98];
	s0 =	simm.s32 @p1 $0x1  }
0x15: {  	[smem:$0x3FB5] =	sst s0;
	s0 =	simm.s32 @!p2 $0x0  }
0x16: {  	s3 =	sld [smem:$0x3FDB];
	s0 =	simm.s32 @p2 $0x1  }
0x17: {  	s4 =	simm.s32 $0x1BF5;
	[smem:$0x3FB7] =	sst s0  }
0x18: {  	s0 =	sld [smem:$0x3F9A];
	_ =	swait.ge [sflag:s4], $0x0  }
0x19: {  	s7 =	sld [smem:$0x3F9B]  }
0x1a: {  	s8 =	sadd.s32 $0xFFFFE003, lr  }
0x1b: {  	s9 =	sadd.s32 $0xFFFFFEF7, lr;
	s5 =	simm.s32 $0xFFFFFFFF;
	p2 =	slt.u32 s8, $0xFFFFF086  }
0x1c: {  	p1 =	slt.u32 s9, $0xF7A;
	s5 =	simm.s32 @!p2 $0x0  }
0x1d: {  	s5 =	simm.s32 @p1 $0x1;
	p0 =	seq.s32 s7, s2  }
0x1e: {  	s7 =	smul.u32 @!p0 $0xF7A, s2;
	p2 =	seq.s32 @!p0 s5, $0x0  }
0x1f: {  	s9 =	smul.u32 $0xF7A, s1;
	s8 =	simm.s32 @!p0 $0x1BF5;
	p2 =	por !p2, p0  }
0x20: {  	[sflag:s8] =	ssyncset.s32 @!p0 $0xFFFFF086;
	s6 =	sadd.s32 @!p0 s3, s7;
	s7 =	simm.s32 @!p0 $0x108  }
0x21: {  	s3 =	sadd.s32 s3, s9;
	s6 =	sadd.s32 @!p0 $0x88, s6;
	s7 =	simm.s32 @p2 $0x1082  }
0x22: {  	[simem:s7], [sflag:s8] =	dma.local @!p0 [hbm:s6], $0xF7A  }
0x23: {  	s9 =	sor.u32 $0xD0000000, s2;
	s6 =	simm.s32 $0x108;
	_ =	swait.ge @!p0 [sflag:s8], $0x0  }
0x24: {  	s3 =	sadd.s32 $0x88, s3;
	s6 =	simm.s32 @!p1 $0x1082;
	[sflag:s4] =	ssyncset.s32 $0xFFFFF086  }
0x25: {  	[simem:s6], [sflag:s4] =	dma.local [hbm:s3], $0xF7A  }
0x26: {  	[smem:$0x3F9B] =	sst s1;
	(tag) =	ssettag s2;
	_ =	strace s9  }
0x27: {  	s1 =	sld [smem:$0x3FAB]  }
0x28: {  	s2 =	sld [smem:$0x3FAC]  }
0x29: {  	s4 =	sld [smem:$0x3FAE]  }
0x2a: {  	p0 =	seq.s32 s5, $0x0;
	s5 =	sld [smem:$0x3FAF]  }
0x2b: {  	s6 =	sld [smem:$0x3FB0]  }
0x2c: {  	s7 =	sld [smem:$0x3FB1]  }
0x2d: {  	s3 =	simm.s32 $0x108;
	s8 =	sld [smem:$0x3FB2]  }
0x2e: {  	s3 =	simm.s32 @!p0 $0x1082;
	s9 =	sld [smem:$0x3FB3]  }
0x2f: {  	lr =	sadd.s32 s0, s3;
	s0 =	sld [smem:$0x3FAA]  }
0x30: {  	s3 =	sld [smem:$0x3FAD]  }
0x31: {  	[smem:$0x3FB6] =	sst s10  }
0x32: {  	s10 =	sld [smem:$0x3FB4];
	_ =	sdelay $0x3  }
0x33: {  	p0 =	seq.s32 s10, $0x1;
	s10 =	sld [smem:$0x3FB6];
	_ =	sdelay $0x3  }
0x34: {  	[smem:$0x3FB6] =	sst s10  }
0x35: {  	s10 =	sld [smem:$0x3FB5];
	_ =	sdelay $0x3  }
0x36: {  	p1 =	seq.s32 s10, $0x1;
	s10 =	sld [smem:$0x3FB6];
	_ =	sdelay $0x3  }
0x37: {  	[smem:$0x3FB6] =	sst s10  }
0x38: {  	s10 =	sld [smem:$0x3FB7]  }
0x39: {  	_ = 	snop;
	(pc) =	sbr.ind lr, $3  }
0x3a: {  	_ = 	snop  }
0x3b: {  	_ = 	snop  }
0x3c: {  	p2 =	seq.s32 s10, $0x1;
	s10 =	sld [smem:$0x3FB6]  }
0x3d: {  	_ =	shalt  }
0x3e: {  	_ =	shalt  }
0x3f: {  	_ =	shalt  }
0x40: {  	_ =	shalt  }
0x41: {  	_ =	shalt  }
0x42: {  	_ =	shalt  }
0x43: {  	_ =	shalt  }
0x44: {  	_ =	shalt  }
0x45: {  	_ =	shalt  }
0x46: {  	_ =	shalt  }
0x47: {  	_ =	shalt  }
0x48: {  	_ =	shalt  }
0x49: {  	_ =	shalt  }
0x4a: {  	_ =	shalt  }
0x4b: {  	_ =	shalt  }
0x4c: {  	_ =	shalt  }
0x4d: {  	_ =	shalt  }
0x4e: {  	_ =	shalt  }
0x4f: {  	_ =	shalt  }
0x50: {  	_ =	shalt  }
0x51: {  	_ =	shalt  }
0x52: {  	_ =	shalt  }
0x53: {  	_ =	shalt  }
0x54: {  	_ =	shalt  }
0x55: {  	_ =	shalt  }
0x56: {  	_ =	shalt  }
0x57: {  	_ =	shalt  }
0x58: {  	_ =	shalt  }
0x59: {  	_ =	shalt  }
0x5a: {  	_ =	shalt  }
0x5b: {  	_ =	shalt  }
0x5c: {  	_ =	shalt  }
0x5d: {  	_ =	shalt  }
0x5e: {  	_ =	shalt  }
0x5f: {  	_ =	shalt  }
0x60: {  	_ =	shalt  }
0x61: {  	_ =	shalt  }
0x62: {  	_ =	shalt  }
0x63: {  	_ =	shalt  }
0x64: {  	_ =	shalt  }
0x65: {  	_ =	shalt  }
0x66: {  	_ =	shalt  }
0x67: {  	_ =	shalt  }
0x68: {  	_ =	shalt  }
0x69: {  	_ =	shalt  }
0x6a: {  	_ =	shalt  }
0x6b: {  	_ =	shalt  }
0x6c: {  	_ =	shalt  }
0x6d: {  	_ =	shalt  }
0x6e: {  	_ =	shalt  }
0x6f: {  	_ =	shalt  }
0x70: {  	_ =	shalt  }
0x71: {  	_ =	shalt  }
0x72: {  	_ =	shalt  }
0x73: {  	_ =	shalt  }
0x74: {  	_ =	shalt  }
0x75: {  	_ =	shalt  }
0x76: {  	_ =	shalt  }
0x77: {  	_ =	shalt  }
0x78: {  	_ =	shalt  }
0x79: {  	_ =	shalt  }
0x7a: {  	_ =	shalt  }
0x7b: {  	_ =	shalt  }
0x7c: {  	_ =	shalt  }
0x7d: {  	_ =	shalt  }
0x7e: {  	_ =	shalt  }
0x7f: {  	_ =	shalt  }
0x80: {  	_ =	shalt  }
0x81: {  	_ =	shalt  }
0x82: {  	_ =	shalt  }
0x83: {  	_ =	shalt  }
0x84: {  	_ =	shalt  }
0x85: {  	_ =	shalt  }
0x86: {  	_ =	shalt  }
0x87: {  	_ =	shalt  }
.Lfunc_end0:
.L_simem_size_0:
called_computation.1_lowered:
.L_overlay_start_0:
0x88: {  	s2 =	sld [smem:$0x3FD9]  }
0x89: {  	s3 =	sld [smem:$0x3FFE];
	_ =	sdelay $0x1  }
0x8a: {  	s1 =	srdreg.scid  }
0x8b: {  	s0 =	sand.u32 $0x1, s1  }
0x8c: {  	s17 =	sshll.u32 s0, $0xA;
	s2 =	sadd.s32 s3, s2  }
0x8d: {  	s2 =	sadd.s32 s2, s17  }
0x8e: {  	[smem:$0x3FC2] =	sst s2  }
0x8f: {  	_ = 	snop  }
0x90: {  	s2 =	sld [smem:$0x3FD0];
	(tm) =	ssettm $0x1  }
0x91: {  	s18 =	sld [smem:$0x3FFB];
	_ =	sdelay $0x3  }
0x92: {  	_ =	strace s18  }
0x93: {  	s3 =	sld [smem:$0x3FFC];
	_ =	sdelay $0x3  }
0x94: {  	_ =	strace s3  }
0x95: {  	s3 =	sld [smem:$0x3FFD];
	_ =	sdelay $0x3  }
0x96: {  	_ =	strace s3  }
0x97: {  	_ =	strace $0x8FFFFFFF  }
0x98: {  	s19 =	sld [smem:$0x3FDB];
	_ =	sdelay $0x1  }
0x99: {  	s4 =	simm.s32 $_scs_section_size  }
0x9a: {  	s5 =	simm.s32 $_size__tile_overlayer_lowered;
	s6 =	simm.s32 $_tile_overlayer_lowered  }
0x9b: {  	s22 =	simm.s32 $0x1BFF;
	s21 =	sshll.u32 s6, $0x1;
	s3 =	sadd.s32 s4, s19  }
0x9c: {  	s7 =	simm.s32 $0x0;
	s20 =	sshll.u32 s5, $0x1;
	s5 =	sadd.s32 s21, s3  }
0x9d: {  	[timem:s7], [sflag:s22] =	dma.local [hbm:s5], s20  }
0x9e: {  	_ =	swait.ge [sflag:s22], s20  }
0x9f: {  	s4 =	ssub.s32 $0x0, s20;
	[sflag:s22] =	ssyncset.done $0x0  }
0xa0: {  	[sflag:s22] =	ssyncadd.s32 s4;
	_ =	sdelay $0x1  }
0xa1: {  	s23 =	simm.s32 $0x1B8B  }
0xa2: {  	_ =	swait.ge [sflag:s23], $0x1  }
0xa3: {  	[sflag:s23] =	ssyncset.done $0x0  }
0xa4: {  	s25 =	simm.s32 $0x1B8E;
	s24 =	sld [smem:$0x3FFE];
	[sflag:s23] =	ssyncadd.s32 $0xFFFFFFFF  }
0xa5: {  	s26 =	simm.s32 $execute0_lowered;
	[smem:$0x3FD2] =	sst s25  }
0xa6: {  	s5 =	sshll.u32 s26, $0x1;
	_ =	strace $0x80000049;
	[dreg:$0x1] =	wrdreg $0xFFFFFFFF  }
0xa7: {  	s28 =	simm.s32 $_size_execute0_lowered;
	s3 =	sadd.s32 s3, s5;
	[dreg:$0x0] =	wrdreg $0x0  }
0xa8: {  	s5 =	sshll.u32 s28, $0x1;
	[dreg:$0x2] =	wrdreg s3  }
0xa9: {  	[dreg:$0x3] =	wrdreg s5  }
0xaa: {  	[dreg:$0x4] =	wrdreg $0xC0  }
0xab: {  	_ =	task [dreg:s7], $0x5FFFF  }
0xac: {  	[dreg:$0x1] =	wrdreg $0xFFFFFFFF  }
0xad: {  	[dreg:$0x0] =	wrdreg $0x60  }
0xae: {  	[dreg:$0x2] =	wrdreg s2  }
0xaf: {  	[dreg:$0x3] =	wrdreg s24  }
0xb0: {  	[dreg:$0x4] =	wrdreg $0x0  }
0xb1: {  	[dreg:$0x5] =	wrdreg $0x9  }
0xb2: {  	_ =	task.clear_ibuf [dreg:s7], $0x6FFFF;
	_ =	strace $0x90000049  }
0xb3: {  	s29 =	simm.s32 $0x9;
	_ =	strace $0x8000004B  }
0xb4: {  	_ =	swait.ge [sflag:s29], $0x1  }
0xb5: {  	[sflag:s29] =	ssyncadd.s32 $0xFFFFFFFF  }
0xb6: {  	_ =	strace $0x9000004B  }
0xb7: {  	_ =	sfence  }
0xb8: {  	s30 =	sld [smem:$0x0];
	_ =	sdelay $0x2  }
0xb9: {  	s31 =	sshll.u32 s1, $0xD;
	s1 =	sshrl.u32 s1, $0x2  }
0xba: {  	s3 =	sand.u32 $0x4000, s31;
	s1 =	sadd.s32 s1, s30  }
0xbb: {  	s0 =	sor.u32 s3, s0;
	s1 =	sshll.u32 s1, $0x11  }
0xbc: {  	s0 =	sor.u32 s1, s0  }
0xbd: {  	s0 =	sadd.s32 $0x8F2B, s0  }
0xbe: {  	[sflag:s0] =	ssyncadd.remote.s32 $0x1  }
0xbf: {  	_ =	sfence.sel $0xFFFF  }
0xc0: {  	[dreg:$0x0] =	wrdreg $0xFFFFFFFF;
	(pc) =	sbr.abs _section_cstart, $3  }
0xc1: {  	[dreg:$0x1] =	wrdreg $0xFFFFFFFF  }
0xc2: {  	_ =	task.clear_ibuf [dreg:s7], $0x2FFFF;
	_ =	strace $0x9FFFFFFF  }
0xc3: {  	(tm) =	ssettm $0x7FFFFFFF  }
tec
execute0_lowered:
.L_overlay_start_1:
0x0: {  	(tag) =	ssettag $0x1  }
0x1: {  	s1 =	rddreg [dreg:$0x0]  }
0x2: {  	s0 =	rddreg [dreg:$0x1]  }
0x3: {  	s3 =	rddreg [dreg:$0x2]  }
0x4: {  	s2 =	srdreg.scid;
	s13 =	stileid.u32;
	s4 =	simm.s32 $0x0  }
0x5: {  	s19 =	simm.s32 $0x16000;
	s2 =	sand.u32 $0x1, s2;
	s7 =	smul.u32 $0x14000, s13  }
0x6: {  	s5 =	sshll.u32 s13, $0x1;
	[smem:$0x7FF] =	sst s4;
	s21 =	smul.u32 $0x50000, s13  }
0x7: {  	p5 =	sne.s32 s13, $0xF;
	p2 =	seq.s32 s13, $0xF;
	s26 =	smul.u32 $0x2800, s13  }
0x8: {  	s12 =	sadd.s32 $0x12C000, s3;
	s14 =	sadd.s32 $0x25800, s1;
	s30 =	sshll.u32 s13, $0x6  }
0x9: {  	s6 =	smul.u32 $0x140000, s2;
	s8 =	sor.u32 s2, s5;
	_ =	strace $0x8000004A  }
0xa: {  	s5 =	sadd.s32 $0x2800, s0;
	s20 =	ssub.s32 $0x2, s2;
	p3 =	seq.s32 s2, $0x0  }
0xb: {  	[dreg:$0x9] =	wrdreg s14;
	s31 =	sshrl.u32 s12, $0x3;
	s9 =	smul.u32 $0xFFFFFFB0, s8  }
0xc: {  	s10 =	sshrl.u32 s20, $0x1;
	p6 =	por !p3, !p2;
	s2 =	sshrl.u32 s21, $0x2  }
0xd: {  	s8 =	smul.u32 $0x2800, s8;
	[dreg:$0xd] =	wrdreg s31;
	s6 =	sadd.s32 s7, s6  }
0xe: {  	s10 =	ssub.s32 s20, s10;
	s7 =	simm.s32 @!p3 $0x0;
	s22 =	sadd.s32 s2, s3  }
0xf: {  	s20 =	sor.u32 $0x1C05, s30;
	s6 =	sshrl.u32 s6, $0x3;
	p0 =	slt.s32 s9, $0xFFFFF68C  }
0x10: {  	s7 =	simm.s32 @p3 $0x1;
	s2 =	sadd.s32 $0x4000, s22;
	[dreg:$0x4] =	wrdreg s22  }
0x11: {  	s23 =	sadd.s32 $0x8000, s22;
	s24 =	sadd.s32 $0xC000, s22;
	[smem:$0x7FC] =	sst s7  }
0x12: {  	s25 =	sadd.s32 $0x10000, s22;
	s11 =	sshrl.u32 s8, $0x3;
	[dreg:$0x5] =	wrdreg s2  }
0x13: {  	s29 =	smax.u32 s10, $0x1;
	s21 =	sshrl.u32 s22, $0x3;
	[dreg:$0x6] =	wrdreg s23  }
0x14: {  	s0 =	sadd.s32 s6, s0;
	s9 =	simm.s32 @!p0 $0xFFFFF68C;
	[dreg:$0x7] =	wrdreg s24  }
0x15: {  	p0 =	por !p3, !p5;
	[dreg:$0x8] =	wrdreg s25;
	s14 =	sadd.s32 s5, s11  }
0x16: {  	s2 =	sadd.s32 s1, s26;
	[dreg:$0xe] =	wrdreg s29;
	p1 =	por !p0, !p0  }
0x17: {  	p0 =	por !p6, !p6;
	[dreg:$0xa] =	wrdreg s2;
	s28 =	sadd.s32 $0xA000, s14  }
0x18: {  	s0 =	sadd.s32 $0x16800, s0;
	s7 =	simm.s32 @!p0 $0x0;
	[dreg:$0xb] =	wrdreg s28  }
0x19: {  	s22 =	simm.s32 $0x5;
	[dreg:$0xc] =	wrdreg s0;
	s7 =	simm.s32 @p0 $0x1  }
0x1a: {  	v0 =	vimm.f32 $0.0e+00;
	s6 =	sadd.s32 $0x9C4, s9;
	s17 =	sadd.s32 $0x9C3, s9;
	[smem:$0x7FD] =	sst s7  }
.LBB2_1:
.Ltmp0:
0x1b: {  	(pc) =	sbr.rel @!p1 .LBB2_3-.Ltmp0, $1  }
0x1c: {  	_ =	sdelay $0x3  }
.Ltmp1:
0x1d: {  	s0 =	rddreg [dreg:$0xa];
	(pc) =	sbr.rel .LBB2_9-.Ltmp1, $4  }
0x1e: {  	[spmem:s21], [sflag:s20] =	dma.local [hbm:s0], $0x2800  }
0x1f: {  	_ =	swait.ge [sflag:s22], $0x2800  }
0x20: {  	[sflag:s22] =	ssyncset.done $0x0  }
0x21: {  	[sflag:s22] =	ssyncadd.s32 $0xFFFFD800  }
.LBB2_3:
0x22: {  	s0 =	sld [smem:$0x7FD];
	_ =	sdelay $0x2  }
0x23: {  	p0 =	seq.s32 s0, $0x1  }
.Ltmp2:
0x24: {  	_ = 	snop;
	(pc) =	sbr.rel @!p0 .LBB2_5-.Ltmp2, $1  }
0x25: {  	_ =	sdelay $0x3  }
0x26: {  	s0 =	rddreg [dreg:$0x9]  }
.Ltmp3:
0x27: {  	s2 =	rddreg [dreg:$0xd];
	s7 =	simm.s32 $0x1FC5;
	(pc) =	sbr.rel .LBB2_9-.Ltmp3, $4  }
0x28: {  	[spmem:s2], [sflag:s7] =	dma.local [hbm:s0], $0x1900  }
0x29: {  	_ =	swait.ge [sflag:s22], $0x1900  }
0x2a: {  	[sflag:s22] =	ssyncset.done $0x0  }
0x2b: {  	[sflag:s22] =	ssyncadd.s32 $0xFFFFE700  }
.LBB2_5:
0x2c: {  	s0 =	sld [smem:$0x7FC];
	_ =	sdelay $0x2  }
0x2d: {  	p0 =	seq.s32 s0, $0x1  }
.Ltmp4:
0x2e: {  	_ = 	snop;
	(pc) =	sbr.rel @p0 .LBB2_9-.Ltmp4, $2  }
0x2f: {  	_ =	sdelay $0x2  }
0x30: {  	s2 =	simm.s32 $0x0  }
0x31: {  	s0 =	sshra.s32 s2, $0x2;
	s2 =	sadd.s32 $0x200, s2  }
.LBB2_7:
0x32: {  	p0 =	sne.s32 s2, $0xFE00;
	[tilespmem:s0+$0x16070] =	vst v0  }
0x33: {  	[tilespmem:s0+$0x16000] =	vst v0  }
0x34: {  	[tilespmem:s0+$0x16010] =	vst v0  }
.Ltmp5:
0x35: {  	[tilespmem:s0+$0x16020] =	vst v0;
	(pc) =	sbr.rel @p0 .LBB2_7-.Ltmp5, $4  }
0x36: {  	[tilespmem:s0+$0x16030] =	vst v0  }
0x37: {  	[tilespmem:s0+$0x16040] =	vst v0  }
0x38: {  	[tilespmem:s0+$0x16050] =	vst v0  }
0x39: {  	[tilespmem:s0+$0x16060] =	vst v0;
	s0 =	sshra.s32 s2, $0x2;
	s2 =	sadd.s32 $0x200, s2  }
0x3a: {  	[tilespmem:s0+$0x16070] =	vst v0  }
0x3b: {  	[tilespmem:s0+$0x16000] =	vst v0  }
0x3c: {  	[tilespmem:s0+$0x16010] =	vst v0  }
0x3d: {  	[tilespmem:s0+$0x16020] =	vst v0  }
0x3e: {  	[tilespmem:s0+$0x16030] =	vst v0  }
0x3f: {  	[tilespmem:s0+$0x16040] =	vst v0  }
0x40: {  	[tilespmem:s0+$0x16050] =	vst v0  }
0x41: {  	[tilespmem:s0+$0x16060] =	vst v0;
	s26 =	rddreg [dreg:$0x4];
	s2 =	simm.s32 $0x16000  }
0x42: {  	[spmem:s26] =	stream.linear.scatter [tilespmem:s2], [sflag:$0x5], $0x4000, $0x38;
	[tilespmem:$0x1E000] =	vst v63  }
0x43: {  	_ =	swait.ge [sflag:s22], $0x4000  }
0x44: {  	[sflag:s22] =	ssyncset.done $0x0  }
0x45: {  	s28 =	rddreg [dreg:$0x5];
	[sflag:s22] =	ssyncadd.s32 $0xFFFFC000  }
0x46: {  	[spmem:s28] =	stream.linear.scatter [tilespmem:s2], [sflag:$0x5], $0x4000, $0x38;
	[tilespmem:$0x1E000] =	vst v63  }
0x47: {  	_ =	swait.ge [sflag:s22], $0x4000  }
0x48: {  	[sflag:s22] =	ssyncset.done $0x0  }
0x49: {  	s29 =	rddreg [dreg:$0x6];
	[sflag:s22] =	ssyncadd.s32 $0xFFFFC000  }
0x4a: {  	[spmem:s29] =	stream.linear.scatter [tilespmem:s2], [sflag:$0x5], $0x4000, $0x38;
	[tilespmem:$0x1E000] =	vst v63  }
0x4b: {  	_ =	swait.ge [sflag:s22], $0x4000  }
0x4c: {  	[sflag:s22] =	ssyncset.done $0x0  }
0x4d: {  	s30 =	rddreg [dreg:$0x7];
	[sflag:s22] =	ssyncadd.s32 $0xFFFFC000  }
0x4e: {  	[spmem:s30] =	stream.linear.scatter [tilespmem:s2], [sflag:$0x5], $0x4000, $0x38;
	[tilespmem:$0x1E000] =	vst v63  }
0x4f: {  	_ =	swait.ge [sflag:s22], $0x4000  }
0x50: {  	[sflag:s22] =	ssyncset.done $0x0  }
0x51: {  	s31 =	rddreg [dreg:$0x8];
	[sflag:s22] =	ssyncadd.s32 $0xFFFFC000  }
0x52: {  	[spmem:s31] =	stream.linear.scatter [tilespmem:s2], [sflag:$0x5], $0x4000, $0x38;
	[tilespmem:$0x1E000] =	vst v63  }
0x53: {  	_ =	swait.ge [sflag:s22], $0x4000  }
0x54: {  	[sflag:s22] =	ssyncset.done $0x0  }
0x55: {  	s19 =	simm.s32 $0x16000;
	[sflag:s22] =	ssyncadd.s32 $0xFFFFC000  }
.LBB2_9:
0x56: {  	[bflag:$0x0] =	sbarrier.arrive $0xFFFF;
	s30 =	simm.s32 $0x0;
	s2 =	simm.s32 $0x14000  }
0x57: {  	[tilespmem:s2], [sflag:$0x5] =	stream.linear.gather [hbm4b:s14+s30], $0x800, $0x38;
	[tilespmem:$0x1E000] =	vst v63  }
0x58: {  	_ =	swait.ge [sflag:s22], $0x800  }
0x59: {  	[sflag:s22] =	ssyncset.done $0x0  }
0x5a: {  	s7 =	simm.s32 $0x15000;
	s0 =	rddreg [dreg:$0xb];
	[sflag:s22] =	ssyncadd.s32 $0xFFFFF800  }
0x5b: {  	[tilespmem:s7], [sflag:$0x5] =	stream.linear.gather [hbm4b:s0+s30], $0x800, $0x38;
	[tilespmem:$0x1E000] =	vst v63  }
0x5c: {  	_ =	swait.ge [sflag:s22], $0x800  }
0x5d: {  	s29 =	simm.s32 $0x80;
	[sflag:s22] =	ssyncset.done $0x0  }
0x5e: {  	p3 =	por $0x0, $0x0;
	s31 =	simm.s32 $0x0;
	[sflag:s22] =	ssyncadd.s32 $0xFFFFF800  }
0x5f: {  	[tilespmem:s19], [sflag:$0x1] =	stream.indirect.gather [hbm4b:s1+s29], $0x80, s2, s29, $0xb8;
	[tilespmem:$0x1E000] =	vst v63  }
.LBB2_11:
0x60: {  	s0 =	smov.u32 s30;
	s2 =	sshll.u32 s30, $0x4;
	s30 =	sadd.s32 $0x1, s30  }
0x61: {  	p5 =	sge.u32 s31, s17;
	s28 =	sadd.s32 $0x1, s31;
	p4 =	seq.s32 s0, $0x4  }
0x62: {  	s0 =	sand.u32 $0x10, s2;
	s7 =	simm.s32 @!p5 $0x80;
	s9 =	sshll.u32 @!p4 s30, $0xB  }
0x63: {  	s29 =	sxor.u32 $0x10, s0;
	s12 =	simm.s32 @!p4 $0x0;
	s9 =	sadd.s32 @!p4 s8, s9  }
0x64: {  	p0 =	por @!p4 $0x1, $0x1;
	s10 =	sshll.u32 @!p4 s29, $0x7;
	s9 =	sshrl.u32 @!p4 s9, $0x3  }
0x65: {  	p2 =	por p0, p4;
	s11 =	sor.u32 @!p4 $0x14000, s10;
	s9 =	sadd.s32 @!p4 s5, s9  }
0x66: {  	[tilespmem:s11], [sflag:$0x3] =	stream.linear.gather @!p4 [hbm4b:s9+s12], $0x800, $0x38;
	[tilespmem:$0x1E000] =	vst v63  }
0x67: {  	s10 =	sor.u32 @!p4 $0x15000, s10;
	s9 =	sadd.s32 @!p4 $0xA000, s9;
	s11 =	simm.s32 @!p2 $0x3  }
0x68: {  	[tilespmem:s10], [sflag:$0x4] =	stream.linear.gather @!p4 [hbm4b:s9+s12], $0x800, $0x38;
	[tilespmem:$0x1E000] =	vst v63  }
0x69: {  	p0 =	sge.u32 s31, s6;
	s9 =	simm.s32 $0x1;
	_ =	swait.ge @!p2 [sflag:s11], $0x800  }
0x6a: {  	s25 =	simm.s32 @!p0 $0x1;
	s9 =	simm.s32 @!p3 $0x0;
	[sflag:s11] =	ssyncset.done @!p2 $0x0  }
0x6b: {  	s12 =	simm.s32 @!p2 $0x4;
	s9 =	sshll.u32 s9, $0xB;
	[sflag:s11] =	ssyncadd.s32 @!p2 $0xFFFFF800  }
0x6c: {  	s24 =	simm.s32 @!p0 $0x80;
	s10 =	sor.u32 $0x14000, s9;
	_ =	swait.ge @!p2 [sflag:s12], $0x800  }
0x6d: {  	s9 =	sor.u32 $0x15000, s9;
	s13 =	sadd.s32 @!p5 $0x0, s10;
	[sflag:s12] =	ssyncset.done @!p2 $0x0  }
0x6e: {  	s11 =	simm.s32 @!p5 $0x1A000;
	s13 =	sadd.s32 @!p5 $0x80, s13;
	[sflag:s12] =	ssyncadd.s32 @!p2 $0xFFFFF800  }
0x6f: {  	[tilespmem:s11], [sflag:$0x2] =	stream.indirect.gather @!p5 [hbm4b:s1+s7], $0x80, s13, s7, $0xb8;
	[tilespmem:$0x1E000] =	vst v63  }
0x70: {  	s12 =	simm.s32 @!p0 $0x6;
	p2 =	sge.u32 s28, s17;
	_ =	swait.ge @!p0 [sflag:s25], $0x4000  }
0x71: {  	s11 =	simm.s32 @!p0 $0x16000;
	s13 =	sadd.s32 @!p0 $0x0, s9;
	[sflag:s25] =	ssyncset.done @!p0 $0x0  }
0x72: {  	p5 =	sge.u32 s28, s6;
	s7 =	sadd.s32 @!p2 $0x0, s10;
	[sflag:s25] =	ssyncadd.s32 @!p0 $0xFFFFC000  }
0x73: {  	[spmem:s3] =	stream.indirect.scatter.add.f32 @!p0 [tilespmem:s11], [sflag:$0x6], $0x80, s13, s24, $0xb8;
	[tilespmem:$0x1E000] =	vst v63  }
0x74: {  	s7 =	sadd.s32 @!p2 $0x100, s7;
	s25 =	simm.s32 @!p5 $0x5;
	_ =	swait.ge @!p0 [sflag:s12], $0x4000  }
0x75: {  	s13 =	simm.s32 @!p5 $0x2;
	s11 =	simm.s32 @!p2 $0x80;
	[sflag:s12] =	ssyncset.done @!p0 $0x0  }
0x76: {  	[sflag:s12] =	ssyncadd.s32 @!p0 $0xFFFFC000;
	s12 =	simm.s32 @!p2 $0x16000;
	p0 =	por @!p4 $0x1, $0x1  }
0x77: {  	[tilespmem:s12], [sflag:$0x1] =	stream.indirect.gather @!p2 [hbm4b:s1+s11], $0x80, s7, s11, $0xb8;
	[tilespmem:$0x1E000] =	vst v63  }
0x78: {  	s7 =	sadd.s32 @!p5 $0x0, s9;
	s11 =	simm.s32 $0x400;
	_ =	swait.ge @!p5 [sflag:s13], $0x4000  }
0x79: {  	s12 =	simm.s32 @!p5 $0x80;
	p0 =	por p0, p4;
	[sflag:s13] =	ssyncset.done @!p5 $0x0  }
0x7a: {  	s7 =	sadd.s32 @!p5 $0x80, s7;
	[sflag:s13] =	ssyncadd.s32 @!p5 $0xFFFFC000;
	s13 =	simm.s32 @!p5 $0x1A000  }
0x7b: {  	[spmem:s3] =	stream.indirect.scatter.add.f32 @!p5 [tilespmem:s13], [sflag:$0x5], $0x80, s7, s12, $0xb8;
	[tilespmem:$0x1E000] =	vst v63  }
0x7c: {  	s13 =	simm.s32 $0x800;
	s12 =	sadd.s32 $0x2, s31;
	_ =	swait.ge @!p5 [sflag:s25], $0x4000  }
.LBB2_12:
0x7d: {  	s7 =	simm.s32 @!p0 $0x3;
	[sflag:s25] =	ssyncset.done @!p5 $0x0  }
0x7e: {  	s24 =	smov.u32 s11;
	s11 =	smov.u32 s13;
	s13 =	sadd.s32 $0x400, s13  }
0x7f: {  	s15 =	sadd.s32 $0x1, s12;
	p6 =	seq.s32 s13, $0x1C00;
	[sflag:s25] =	ssyncadd.s32 @!p5 $0xFFFFC000  }
0x80: {  	p2 =	sge.u32 s12, s6;
	p5 =	sge.u32 s12, s17;
	_ =	swait.ge @!p0 [sflag:s7], $0x800  }
0x81: {  	s25 =	simm.s32 @!p0 $0x4;
	s26 =	simm.s32 @!p2 $0x16000;
	[sflag:s7] =	ssyncset.done @!p0 $0x0  }
0x82: {  	s28 =	simm.s32 @!p5 $0x1A000;
	[sflag:s7] =	ssyncadd.s32 @!p0 $0xFFFFF800;
	s7 =	sshra.s32 @!p5 s24, $0x2  }
0x83: {  	s16 =	simm.s32 @!p2 $0x1;
	_ =	swait.ge @!p0 [sflag:s25], $0x800;
	s7 =	sadd.s32 @!p5 s7, s10  }
0x84: {  	s23 =	simm.s32 @!p5 $0x80;
	[sflag:s25] =	ssyncset.done @!p0 $0x0;
	s7 =	sadd.s32 @!p5 $0x80, s7  }
0x85: {  	s18 =	simm.s32 @!p2 $0x6;
	[sflag:s25] =	ssyncadd.s32 @!p0 $0xFFFFF800;
	s25 =	sshra.s32 @!p2 s24, $0x2  }
0x86: {  	[tilespmem:s28], [sflag:$0x2] =	stream.indirect.gather @!p5 [hbm4b:s1+s23], $0x80, s7, s23, $0xb8;
	[tilespmem:$0x1E000] =	vst v63  }
0x87: {  	s7 =	sadd.s32 @!p2 s25, s9;
	p5 =	sge.u32 s15, s6;
	_ =	swait.ge @!p2 [sflag:s16], $0x4000  }
0x88: {  	p0 =	sge.u32 s15, s17;
	s23 =	simm.s32 @!p2 $0x80;
	[sflag:s16] =	ssyncset.done @!p2 $0x0  }
0x89: {  	s15 =	sshra.s32 @!p0 s24, $0x2;
	[sflag:s16] =	ssyncadd.s32 @!p2 $0xFFFFC000;
	s16 =	sshra.s32 @!p5 s24, $0x2  }
0x8a: {  	[spmem:s3] =	stream.indirect.scatter.add.f32 @!p2 [tilespmem:s26], [sflag:$0x6], $0x80, s7, s23, $0xb8;
	[tilespmem:$0x1E000] =	vst v63  }
0x8b: {  	s25 =	simm.s32 @!p5 $0x5;
	s7 =	sadd.s32 @!p0 s15, s10;
	_ =	swait.ge @!p2 [sflag:s18], $0x4000  }
0x8c: {  	s15 =	simm.s32 @!p5 $0x2;
	s7 =	sadd.s32 @!p0 $0x100, s7;
	[sflag:s18] =	ssyncset.done @!p2 $0x0  }
0x8d: {  	s23 =	simm.s32 @!p0 $0x16000;
	[sflag:s18] =	ssyncadd.s32 @!p2 $0xFFFFC000;
	s18 =	simm.s32 @!p0 $0x80  }
0x8e: {  	[tilespmem:s23], [sflag:$0x1] =	stream.indirect.gather @!p0 [hbm4b:s1+s18], $0x80, s7, s18, $0xb8;
	[tilespmem:$0x1E000] =	vst v63  }
.Ltmp6:
0x8f: {  	s7 =	sadd.s32 @!p5 s16, s9;
	_ =	swait.ge @!p5 [sflag:s15], $0x4000;
	(pc) =	sbr.rel @!p6 .LBB2_12-.Ltmp6, $4  }
0x90: {  	s16 =	simm.s32 @!p5 $0x80;
	s7 =	sadd.s32 @!p5 $0x80, s7;
	[sflag:s15] =	ssyncset.done @!p5 $0x0  }
0x91: {  	p0 =	sne.s32 @!p4 s11, $0xC00;
	[sflag:s15] =	ssyncadd.s32 @!p5 $0xFFFFC000;
	s15 =	simm.s32 @!p5 $0x1A000  }
0x92: {  	[spmem:s3] =	stream.indirect.scatter.add.f32 @!p5 [tilespmem:s15], [sflag:$0x5], $0x80, s7, s16, $0xb8;
	[tilespmem:$0x1E000] =	vst v63  }
0x93: {  	s12 =	sadd.s32 $0x2, s12;
	p0 =	por p0, p4;
	_ =	swait.ge @!p5 [sflag:s25], $0x4000  }
0x94: {  	[sflag:s25] =	ssyncset.done @!p5 $0x0  }
0x95: {  	s7 =	simm.s32 @!p0 $0x3;
	[sflag:s25] =	ssyncadd.s32 @!p5 $0xFFFFC000  }
0x96: {  	s13 =	sadd.s32 $0x1, s12;
	p4 =	sge.u32 s12, s17;
	_ =	swait.ge @!p0 [sflag:s7], $0x800  }
0x97: {  	p2 =	sge.u32 s12, s6;
	s12 =	simm.s32 @!p0 $0x4;
	[sflag:s7] =	ssyncset.done @!p0 $0x0  }
0x98: {  	s15 =	simm.s32 @!p2 $0x16000;
	s16 =	simm.s32 @!p4 $0x1A000;
	[sflag:s7] =	ssyncadd.s32 @!p0 $0xFFFFF800  }
0x99: {  	s18 =	simm.s32 @!p2 $0x1;
	s7 =	sshra.s32 @!p4 s11, $0x2;
	_ =	swait.ge @!p0 [sflag:s12], $0x800  }
0x9a: {  	s23 =	simm.s32 @!p4 $0x80;
	s7 =	sadd.s32 @!p4 s7, s10;
	[sflag:s12] =	ssyncset.done @!p0 $0x0  }
0x9b: {  	s7 =	sadd.s32 @!p4 $0x80, s7;
	[sflag:s12] =	ssyncadd.s32 @!p0 $0xFFFFF800;
	s12 =	sshra.s32 @!p2 s11, $0x2  }
0x9c: {  	[tilespmem:s16], [sflag:$0x2] =	stream.indirect.gather @!p4 [hbm4b:s1+s23], $0x80, s7, s23, $0xb8;
	[tilespmem:$0x1E000] =	vst v63  }
0x9d: {  	p0 =	sge.u32 s13, s6;
	s7 =	simm.s32 @!p2 $0x6;
	_ =	swait.ge @!p2 [sflag:s18], $0x4000  }
0x9e: {  	s12 =	sadd.s32 @!p2 s12, s9;
	p4 =	sge.u32 s13, s17;
	[sflag:s18] =	ssyncset.done @!p2 $0x0  }
0x9f: {  	s13 =	simm.s32 @!p2 $0x80;
	s16 =	sshra.s32 @!p4 s11, $0x2;
	[sflag:s18] =	ssyncadd.s32 @!p2 $0xFFFFC000  }
0xa0: {  	[spmem:s3] =	stream.indirect.scatter.add.f32 @!p2 [tilespmem:s15], [sflag:$0x6], $0x80, s12, s13, $0xb8;
	[tilespmem:$0x1E000] =	vst v63  }
0xa1: {  	s11 =	sshra.s32 @!p0 s11, $0x2;
	s10 =	sadd.s32 @!p4 s16, s10;
	_ =	swait.ge @!p2 [sflag:s7], $0x4000  }
0xa2: {  	s10 =	sadd.s32 @!p4 $0x100, s10;
	s12 =	simm.s32 @!p0 $0x2;
	[sflag:s7] =	ssyncset.done @!p2 $0x0  }
0xa3: {  	s13 =	simm.s32 @!p4 $0x16000;
	[sflag:s7] =	ssyncadd.s32 @!p2 $0xFFFFC000;
	s7 =	simm.s32 @!p4 $0x80  }
0xa4: {  	[tilespmem:s13], [sflag:$0x1] =	stream.indirect.gather @!p4 [hbm4b:s1+s7], $0x80, s10, s7, $0xb8;
	[tilespmem:$0x1E000] =	vst v63  }
0xa5: {  	s7 =	sadd.s32 @!p0 s11, s9;
	_ =	swait.ge @!p0 [sflag:s12], $0x4000  }
0xa6: {  	s9 =	simm.s32 @!p0 $0x5;
	s10 =	simm.s32 @!p0 $0x80;
	[sflag:s12] =	ssyncset.done @!p0 $0x0  }
0xa7: {  	s11 =	simm.s32 @!p0 $0x1A000;
	s7 =	sadd.s32 @!p0 $0x80, s7;
	[sflag:s12] =	ssyncadd.s32 @!p0 $0xFFFFC000  }
0xa8: {  	[spmem:s3] =	stream.indirect.scatter.add.f32 @!p0 [tilespmem:s11], [sflag:$0x5], $0x80, s7, s10, $0xb8;
	[tilespmem:$0x1E000] =	vst v63  }
0xa9: {  	_ =	swait.ge @!p0 [sflag:s9], $0x4000  }
0xaa: {  	[sflag:s9] =	ssyncset.done @!p0 $0x0  }
0xab: {  	[sflag:s9] =	ssyncadd.s32 @!p0 $0xFFFFC000  }
0xac: {  	s9 =	sor.u32 $0xE, s2  }
0xad: {  	s10 =	sor.u32 $0xE, s0;
	p0 =	sge.u32 s9, s17  }
0xae: {  	s11 =	sshll.u32 @!p0 s10, $0x7  }
0xaf: {  	s12 =	simm.s32 @!p0 $0x80;
	s13 =	simm.s32 @!p0 $0x1A000;
	s11 =	sadd.s32 @!p0 $0x14080, s11  }
0xb0: {  	[tilespmem:s13], [sflag:$0x2] =	stream.indirect.gather @!p0 [hbm4b:s1+s12], $0x80, s11, s12, $0xb8;
	[tilespmem:$0x1E000] =	vst v63  }
0xb1: {  	p0 =	sge.u32 s9, s6  }
0xb2: {  	s9 =	simm.s32 @!p0 $0x1  }
0xb3: {  	_ =	swait.ge @!p0 [sflag:s9], $0x4000  }
0xb4: {  	[sflag:s9] =	ssyncset.done @!p0 $0x0  }
0xb5: {  	[sflag:s9] =	ssyncadd.s32 @!p0 $0xFFFFC000;
	s9 =	sshll.u32 @!p0 s10, $0x7  }
0xb6: {  	s11 =	simm.s32 @!p0 $0x16000;
	s10 =	simm.s32 @!p0 $0x80;
	s9 =	sor.u32 @!p0 $0x15000, s9  }
0xb7: {  	[spmem:s3] =	stream.indirect.scatter.add.f32 @!p0 [tilespmem:s11], [sflag:$0x6], $0x80, s9, s10, $0xb8;
	[tilespmem:$0x1E000] =	vst v63  }
0xb8: {  	s28 =	sor.u32 $0xF, s2;
	s9 =	simm.s32 @!p0 $0x6  }
0xb9: {  	p2 =	sge.u32 s28, s17;
	_ =	swait.ge @!p0 [sflag:s9], $0x4000  }
0xba: {  	s10 =	simm.s32 @!p2 $0x80;
	[sflag:s9] =	ssyncset.done @!p0 $0x0  }
0xbb: {  	[sflag:s9] =	ssyncadd.s32 @!p0 $0xFFFFC000;
	s9 =	sshll.u32 @!p2 s29, $0x7;
	p0 =	sge.u32 s28, s6  }
0xbc: {  	s11 =	simm.s32 @!p2 $0x16000;
	s9 =	sor.u32 @!p2 $0x14000, s9;
	s2 =	simm.s32 @!p0 $0x2  }
0xbd: {  	[tilespmem:s11], [sflag:$0x1] =	stream.indirect.gather @!p2 [hbm4b:s1+s10], $0x80, s9, s10, $0xb8;
	[tilespmem:$0x1E000] =	vst v63  }
0xbe: {  	s0 =	sshll.u32 @!p0 s0, $0x7;
	_ =	swait.ge @!p0 [sflag:s2], $0x4000  }
0xbf: {  	s0 =	sadd.s32 @!p0 $0x15780, s0;
	s9 =	simm.s32 @!p0 $0x1A000;
	[sflag:s2] =	ssyncset.done @!p0 $0x0  }
0xc0: {  	p2 =	seq.s32 s30, $0x5;
	[sflag:s2] =	ssyncadd.s32 @!p0 $0xFFFFC000;
	s2 =	simm.s32 @!p0 $0x80  }
0xc1: {  	[spmem:s3] =	stream.indirect.scatter.add.f32 @!p0 [tilespmem:s9], [sflag:$0x5], $0x80, s0, s2, $0xb8;
	[tilespmem:$0x1E000] =	vst v63  }
.Ltmp7:
0xc2: {  	_ = 	snop;
	(pc) =	sbr.rel @!p2 .LBB2_11-.Ltmp7, $4  }
0xc3: {  	s0 =	simm.s32 @!p0 $0x5  }
0xc4: {  	_ =	swait.ge @!p0 [sflag:s0], $0x4000  }
0xc5: {  	[sflag:s0] =	ssyncset.done @!p0 $0x0  }
0xc6: {  	p3 =	por !p3, !p3;
	s31 =	sadd.s32 $0x10, s31;
	[sflag:s0] =	ssyncadd.s32 @!p0 $0xFFFFC000  }
0xc7: {  	[bflag:$0x0] =	sbarrier.arrive $0xFFFF  }
0xc8: {  	s0 =	rddreg [dreg:$0xc]  }
0xc9: {  	[hbm:s0], [sflag:s20] =	dma.local [spmem:s21], $0x2800  }
0xca: {  	_ =	swait.ge [sflag:s22], $0x2800  }
0xcb: {  	s4 =	sadd.s32 $0x1, s4;
	s31 =	rddreg [dreg:$0xe]  }
0xcc: {  	p0 =	sne.s32 s4, s31  }
.Ltmp8:
0xcd: {  	_ = 	snop;
	(pc) =	sbr.rel @p0 .LBB2_1-.Ltmp8, $3  }
0xce: {  	_ =	sdelay $0x1  }
0xcf: {  	[sflag:s22] =	ssyncset.done $0x0  }
0xd0: {  	[sflag:s22] =	ssyncadd.s32 $0xFFFFD800  }
0xd1: {  	_ =	sfence.sel $0x180000  }
0xd2: {  	[bflag:$0x0] =	sbarrier.arrive $0xFFFF  }
0xd3: {  	_ =	strace $0x9000004A  }
0xd4: {  	s0 =	stileid.u32;
	[bflag:$0x2] =	sbarrier.arrive $0xFFFF  }
0xd5: {  	p0 =	sne.s32 s0, $0x0;
	s0 =	rddreg [dreg:$0x3]  }
0xd6: {  	s0 =	sadd.s32 @!p0 $0x100000, s0  }
0xd7: {  	[sflag:s0] =	ssyncadd.tile.s32 @!p0 $0x1;
	_ =	shalt  }
.Lfunc_end2:
_tile_overlayer_lowered:
.L_overlay_start_2:
0xd8: {  	(tag) =	ssettag $0x2  }
0xd9: {  	s0 =	rddreg [dreg:$0x0];
	s2 =	stileid.u32  }
0xda: {  	s1 =	rddreg [dreg:$0x1];
	p0 =	sne.s32 s2, $0x0  }
0xdb: {  	s3 =	rddreg [dreg:$0x2];
	[bflag:$0x3] =	sbarrier.arrive $0xFFFF;
	s2 =	simm.s32 @!p0 $0x1C05  }
0xdc: {  	[timem:s3], [sflag:s2] =	dma.local @!p0 [hbm:s0], s1  }
0xdd: {  	s0 =	simm.s32 @!p0 $0x5  }
0xde: {  	_ =	swait.ge @!p0 [sflag:s0], s1  }
0xdf: {  	s1 =	ssub.s32 @!p0 $0x0, s1;
	[sflag:s0] =	ssyncset.done @!p0 $0x0  }
0xe0: {  	[sflag:s0] =	ssyncadd.s32 @!p0 s1  }
0xe1: {  	[bflag:$0x3] =	sbarrier.arrive $0xFFFF  }
0xe2: {  	_ =	shalt  }

// kernel: kernel.14.cloned.1.call-start
scs
__scs_entry_jumppad:
0x0: {  	(pc) =	sbr.rel $0x88, $3  }
0x1: {  	(tag) =	ssettag $0x0;
	lr =	simm.s32 $0x1  }
0x2: {  	[smem:$0x3F9B] =	sst lr;
	_ =	strace $0xD0000000  }
0x3: {  	_ = 	snop  }
0x4: {  	_ = 	snop  }
0x5: {  	_ = 	snop  }
0x6: {  	_ = 	snop  }
0x7: {  	_ = 	snop  }
__scs_overlays_trampoline_lowered:
0x8: {  	[smem:$0x3FAA] =	sst s0  }
0x9: {  	[smem:$0x3FAB] =	sst s1  }
0xa: {  	[smem:$0x3FAC] =	sst s2  }
0xb: {  	[smem:$0x3FAD] =	sst s3  }
0xc: {  	[smem:$0x3FAE] =	sst s4  }
0xd: {  	[smem:$0x3FAF] =	sst s5  }
0xe: {  	[smem:$0x3FB0] =	sst s6  }
0xf: {  	[smem:$0x3FB1] =	sst s7  }
0x10: {  	[smem:$0x3FB2] =	sst s8  }
0x11: {  	[smem:$0x3FB3] =	sst s9;
	s0 =	simm.s32 @!p0 $0x0  }
0x12: {  	s1 =	sld [smem:$0x3F99];
	s0 =	simm.s32 @p0 $0x1  }
0x13: {  	[smem:$0x3FB4] =	sst s0;
	s0 =	simm.s32 @!p1 $0x0  }
0x14: {  	s2 =	sld [smem:$0x3F98];
	s0 =	simm.s32 @p1 $0x1  }
0x15: {  	[smem:$0x3FB5] =	sst s0;
	s0 =	simm.s32 @!p2 $0x0  }
0x16: {  	s3 =	sld [smem:$0x3FDB];
	s0 =	simm.s32 @p2 $0x1  }
0x17: {  	s4 =	simm.s32 $0x1BF5;
	[smem:$0x3FB7] =	sst s0  }
0x18: {  	s0 =	sld [smem:$0x3F9A];
	_ =	swait.ge [sflag:s4], $0x0  }
0x19: {  	s7 =	sld [smem:$0x3F9B]  }
0x1a: {  	s8 =	sadd.s32 $0xFFFFE003, lr  }
0x1b: {  	s9 =	sadd.s32 $0xFFFFFEF7, lr;
	s5 =	simm.s32 $0xFFFFFFFF;
	p2 =	slt.u32 s8, $0xFFFFF086  }
0x1c: {  	p1 =	slt.u32 s9, $0xF7A;
	s5 =	simm.s32 @!p2 $0x0  }
0x1d: {  	s5 =	simm.s32 @p1 $0x1;
	p0 =	seq.s32 s7, s2  }
0x1e: {  	s7 =	smul.u32 @!p0 $0xF7A, s2;
	p2 =	seq.s32 @!p0 s5, $0x0  }
0x1f: {  	s9 =	smul.u32 $0xF7A, s1;
	s8 =	simm.s32 @!p0 $0x1BF5;
	p2 =	por !p2, p0  }
0x20: {  	[sflag:s8] =	ssyncset.s32 @!p0 $0xFFFFF086;
	s6 =	sadd.s32 @!p0 s3, s7;
	s7 =	simm.s32 @!p0 $0x108  }
0x21: {  	s3 =	sadd.s32 s3, s9;
	s6 =	sadd.s32 @!p0 $0x88, s6;
	s7 =	simm.s32 @p2 $0x1082  }
0x22: {  	[simem:s7], [sflag:s8] =	dma.local @!p0 [hbm:s6], $0xF7A  }
0x23: {  	s9 =	sor.u32 $0xD0000000, s2;
	s6 =	simm.s32 $0x108;
	_ =	swait.ge @!p0 [sflag:s8], $0x0  }
0x24: {  	s3 =	sadd.s32 $0x88, s3;
	s6 =	simm.s32 @!p1 $0x1082;
	[sflag:s4] =	ssyncset.s32 $0xFFFFF086  }
0x25: {  	[simem:s6], [sflag:s4] =	dma.local [hbm:s3], $0xF7A  }
0x26: {  	[smem:$0x3F9B] =	sst s1;
	(tag) =	ssettag s2;
	_ =	strace s9  }
0x27: {  	s1 =	sld [smem:$0x3FAB]  }
0x28: {  	s2 =	sld [smem:$0x3FAC]  }
0x29: {  	s4 =	sld [smem:$0x3FAE]  }
0x2a: {  	p0 =	seq.s32 s5, $0x0;
	s5 =	sld [smem:$0x3FAF]  }
0x2b: {  	s6 =	sld [smem:$0x3FB0]  }
0x2c: {  	s7 =	sld [smem:$0x3FB1]  }
0x2d: {  	s3 =	simm.s32 $0x108;
	s8 =	sld [smem:$0x3FB2]  }
0x2e: {  	s3 =	simm.s32 @!p0 $0x1082;
	s9 =	sld [smem:$0x3FB3]  }
0x2f: {  	lr =	sadd.s32 s0, s3;
	s0 =	sld [smem:$0x3FAA]  }
0x30: {  	s3 =	sld [smem:$0x3FAD]  }
0x31: {  	[smem:$0x3FB6] =	sst s10  }
0x32: {  	s10 =	sld [smem:$0x3FB4];
	_ =	sdelay $0x3  }
0x33: {  	p0 =	seq.s32 s10, $0x1;
	s10 =	sld [smem:$0x3FB6];
	_ =	sdelay $0x3  }
0x34: {  	[smem:$0x3FB6] =	sst s10  }
0x35: {  	s10 =	sld [smem:$0x3FB5];
	_ =	sdelay $0x3  }
0x36: {  	p1 =	seq.s32 s10, $0x1;
	s10 =	sld [smem:$0x3FB6];
	_ =	sdelay $0x3  }
0x37: {  	[smem:$0x3FB6] =	sst s10  }
0x38: {  	s10 =	sld [smem:$0x3FB7]  }
0x39: {  	_ = 	snop;
	(pc) =	sbr.ind lr, $3  }
0x3a: {  	_ = 	snop  }
0x3b: {  	_ = 	snop  }
0x3c: {  	p2 =	seq.s32 s10, $0x1;
	s10 =	sld [smem:$0x3FB6]  }
0x3d: {  	_ =	shalt  }
0x3e: {  	_ =	shalt  }
0x3f: {  	_ =	shalt  }
0x40: {  	_ =	shalt  }
0x41: {  	_ =	shalt  }
0x42: {  	_ =	shalt  }
0x43: {  	_ =	shalt  }
0x44: {  	_ =	shalt  }
0x45: {  	_ =	shalt  }
0x46: {  	_ =	shalt  }
0x47: {  	_ =	shalt  }
0x48: {  	_ =	shalt  }
0x49: {  	_ =	shalt  }
0x4a: {  	_ =	shalt  }
0x4b: {  	_ =	shalt  }
0x4c: {  	_ =	shalt  }
0x4d: {  	_ =	shalt  }
0x4e: {  	_ =	shalt  }
0x4f: {  	_ =	shalt  }
0x50: {  	_ =	shalt  }
0x51: {  	_ =	shalt  }
0x52: {  	_ =	shalt  }
0x53: {  	_ =	shalt  }
0x54: {  	_ =	shalt  }
0x55: {  	_ =	shalt  }
0x56: {  	_ =	shalt  }
0x57: {  	_ =	shalt  }
0x58: {  	_ =	shalt  }
0x59: {  	_ =	shalt  }
0x5a: {  	_ =	shalt  }
0x5b: {  	_ =	shalt  }
0x5c: {  	_ =	shalt  }
0x5d: {  	_ =	shalt  }
0x5e: {  	_ =	shalt  }
0x5f: {  	_ =	shalt  }
0x60: {  	_ =	shalt  }
0x61: {  	_ =	shalt  }
0x62: {  	_ =	shalt  }
0x63: {  	_ =	shalt  }
0x64: {  	_ =	shalt  }
0x65: {  	_ =	shalt  }
0x66: {  	_ =	shalt  }
0x67: {  	_ =	shalt  }
0x68: {  	_ =	shalt  }
0x69: {  	_ =	shalt  }
0x6a: {  	_ =	shalt  }
0x6b: {  	_ =	shalt  }
0x6c: {  	_ =	shalt  }
0x6d: {  	_ =	shalt  }
0x6e: {  	_ =	shalt  }
0x6f: {  	_ =	shalt  }
0x70: {  	_ =	shalt  }
0x71: {  	_ =	shalt  }
0x72: {  	_ =	shalt  }
0x73: {  	_ =	shalt  }
0x74: {  	_ =	shalt  }
0x75: {  	_ =	shalt  }
0x76: {  	_ =	shalt  }
0x77: {  	_ =	shalt  }
0x78: {  	_ =	shalt  }
0x79: {  	_ =	shalt  }
0x7a: {  	_ =	shalt  }
0x7b: {  	_ =	shalt  }
0x7c: {  	_ =	shalt  }
0x7d: {  	_ =	shalt  }
0x7e: {  	_ =	shalt  }
0x7f: {  	_ =	shalt  }
0x80: {  	_ =	shalt  }
0x81: {  	_ =	shalt  }
0x82: {  	_ =	shalt  }
0x83: {  	_ =	shalt  }
0x84: {  	_ =	shalt  }
0x85: {  	_ =	shalt  }
0x86: {  	_ =	shalt  }
0x87: {  	_ =	shalt  }
.Lfunc_end0:
.L_simem_size_0:
called_computation.2_lowered:
.L_overlay_start_0:
0x88: {  	s2 =	sld [smem:$0x3FD9]  }
0x89: {  	s3 =	sld [smem:$0x3FFE];
	_ =	sdelay $0x1  }
0x8a: {  	s1 =	srdreg.scid  }
0x8b: {  	s0 =	sand.u32 $0x1, s1  }
0x8c: {  	s17 =	sshll.u32 s0, $0xA;
	s2 =	sadd.s32 s3, s2  }
0x8d: {  	s2 =	sadd.s32 s2, s17  }
0x8e: {  	[smem:$0x3FC2] =	sst s2  }
0x8f: {  	_ = 	snop  }
0x90: {  	s2 =	sld [smem:$0x3FD0];
	(tm) =	ssettm $0x1  }
0x91: {  	s18 =	sld [smem:$0x3FFB];
	_ =	sdelay $0x3  }
0x92: {  	_ =	strace s18  }
0x93: {  	s3 =	sld [smem:$0x3FFC];
	_ =	sdelay $0x3  }
0x94: {  	_ =	strace s3  }
0x95: {  	s3 =	sld [smem:$0x3FFD];
	_ =	sdelay $0x3  }
0x96: {  	_ =	strace s3  }
0x97: {  	_ =	strace $0x8FFFFFFF  }
0x98: {  	s19 =	sld [smem:$0x3FDB];
	_ =	sdelay $0x1  }
0x99: {  	s4 =	simm.s32 $_scs_section_size  }
0x9a: {  	s5 =	simm.s32 $_size__tile_overlayer_lowered;
	s6 =	simm.s32 $_tile_overlayer_lowered  }
0x9b: {  	s22 =	simm.s32 $0x1BFF;
	s21 =	sshll.u32 s6, $0x1;
	s3 =	sadd.s32 s4, s19  }
0x9c: {  	s7 =	simm.s32 $0x0;
	s20 =	sshll.u32 s5, $0x1;
	s5 =	sadd.s32 s21, s3  }
0x9d: {  	[timem:s7], [sflag:s22] =	dma.local [hbm:s5], s20  }
0x9e: {  	_ =	swait.ge [sflag:s22], s20  }
0x9f: {  	s4 =	ssub.s32 $0x0, s20;
	[sflag:s22] =	ssyncset.done $0x0  }
0xa0: {  	[sflag:s22] =	ssyncadd.s32 s4;
	_ =	sdelay $0x1  }
0xa1: {  	s23 =	simm.s32 $0x1B8B  }
0xa2: {  	_ =	swait.ge [sflag:s23], $0x1  }
0xa3: {  	[sflag:s23] =	ssyncset.done $0x0  }
0xa4: {  	s25 =	simm.s32 $0x1B8E;
	s24 =	sld [smem:$0x3FFE];
	[sflag:s23] =	ssyncadd.s32 $0xFFFFFFFF  }
0xa5: {  	s26 =	simm.s32 $execute0_lowered;
	[smem:$0x3FD2] =	sst s25  }
0xa6: {  	s5 =	sshll.u32 s26, $0x1;
	_ =	strace $0x8000004C;
	[dreg:$0x1] =	wrdreg $0xFFFFFFFF  }
0xa7: {  	s28 =	simm.s32 $_size_execute0_lowered;
	s3 =	sadd.s32 s3, s5;
	[dreg:$0x0] =	wrdreg $0x0  }
0xa8: {  	s5 =	sshll.u32 s28, $0x1;
	[dreg:$0x2] =	wrdreg s3  }
0xa9: {  	[dreg:$0x3] =	wrdreg s5  }
0xaa: {  	[dreg:$0x4] =	wrdreg $0xC0  }
0xab: {  	_ =	task [dreg:s7], $0x5FFFF  }
0xac: {  	[dreg:$0x1] =	wrdreg $0xFFFFFFFF  }
0xad: {  	[dreg:$0x0] =	wrdreg $0x60  }
0xae: {  	[dreg:$0x2] =	wrdreg s2  }
0xaf: {  	[dreg:$0x3] =	wrdreg s24  }
0xb0: {  	[dreg:$0x4] =	wrdreg $0x0  }
0xb1: {  	[dreg:$0x5] =	wrdreg $0x9  }
0xb2: {  	_ =	task.clear_ibuf [dreg:s7], $0x6FFFF;
	_ =	strace $0x9000004C  }
0xb3: {  	s29 =	simm.s32 $0x9;
	_ =	strace $0x8000004E  }
0xb4: {  	_ =	swait.ge [sflag:s29], $0x1  }
0xb5: {  	[sflag:s29] =	ssyncadd.s32 $0xFFFFFFFF  }
0xb6: {  	_ =	strace $0x9000004E  }
0xb7: {  	_ =	sfence  }
0xb8: {  	s30 =	sld [smem:$0x0];
	_ =	sdelay $0x2  }
0xb9: {  	s31 =	sshll.u32 s1, $0xD;
	s1 =	sshrl.u32 s1, $0x2  }
0xba: {  	s3 =	sand.u32 $0x4000, s31;
	s1 =	sadd.s32 s1, s30  }
0xbb: {  	s0 =	sor.u32 s3, s0;
	s1 =	sshll.u32 s1, $0x11  }
0xbc: {  	s0 =	sor.u32 s1, s0  }
0xbd: {  	s0 =	sadd.s32 $0x8F2B, s0  }
0xbe: {  	[sflag:s0] =	ssyncadd.remote.s32 $0x1  }
0xbf: {  	_ =	sfence.sel $0xFFFF  }
0xc0: {  	[dreg:$0x0] =	wrdreg $0xFFFFFFFF;
	(pc) =	sbr.abs _section_cstart, $3  }
0xc1: {  	[dreg:$0x1] =	wrdreg $0xFFFFFFFF  }
0xc2: {  	_ =	task.clear_ibuf [dreg:s7], $0x2FFFF;
	_ =	strace $0x9FFFFFFF  }
0xc3: {  	(tm) =	ssettm $0x7FFFFFFF  }
tec
execute0_lowered:
.L_overlay_start_1:
0x0: {  	(tag) =	ssettag $0x1  }
0x1: {  	s1 =	rddreg [dreg:$0x0]  }
0x2: {  	s0 =	rddreg [dreg:$0x1]  }
0x3: {  	s3 =	rddreg [dreg:$0x2]  }
0x4: {  	s2 =	srdreg.scid;
	s13 =	stileid.u32;
	s4 =	simm.s32 $0x0  }
0x5: {  	s19 =	simm.s32 $0x16000;
	s2 =	sand.u32 $0x1, s2;
	s7 =	smul.u32 $0x14000, s13  }
0x6: {  	s5 =	sshll.u32 s13, $0x1;
	[smem:$0x7FF] =	sst s4;
	s21 =	smul.u32 $0x50000, s13  }
0x7: {  	p5 =	sne.s32 s13, $0xF;
	p2 =	seq.s32 s13, $0xF;
	s26 =	smul.u32 $0x2800, s13  }
0x8: {  	s12 =	sadd.s32 $0x12C000, s3;
	s14 =	sadd.s32 $0x25800, s1;
	s30 =	sshll.u32 s13, $0x6  }
0x9: {  	s6 =	smul.u32 $0x140000, s2;
	s8 =	sor.u32 s2, s5;
	_ =	strace $0x8000004D  }
0xa: {  	s5 =	sadd.s32 $0x2800, s0;
	s20 =	ssub.s32 $0x2, s2;
	p3 =	seq.s32 s2, $0x0  }
0xb: {  	[dreg:$0x9] =	wrdreg s14;
	s31 =	sshrl.u32 s12, $0x3;
	s9 =	smul.u32 $0xFFFFFFB0, s8  }
0xc: {  	s10 =	sshrl.u32 s20, $0x1;
	p6 =	por !p3, !p2;
	s2 =	sshrl.u32 s21, $0x2  }
0xd: {  	s8 =	smul.u32 $0x2800, s8;
	[dreg:$0xd] =	wrdreg s31;
	s6 =	sadd.s32 s7, s6  }
0xe: {  	s10 =	ssub.s32 s20, s10;
	s7 =	simm.s32 @!p3 $0x0;
	s22 =	sadd.s32 s2, s3  }
0xf: {  	s20 =	sor.u32 $0x1C05, s30;
	s6 =	sshrl.u32 s6, $0x3;
	p0 =	slt.s32 s9, $0xFFFFF68C  }
0x10: {  	s7 =	simm.s32 @p3 $0x1;
	s2 =	sadd.s32 $0x4000, s22;
	[dreg:$0x4] =	wrdreg s22  }
0x11: {  	s23 =	sadd.s32 $0x8000, s22;
	s24 =	sadd.s32 $0xC000, s22;
	[smem:$0x7FC] =	sst s7  }
0x12: {  	s25 =	sadd.s32 $0x10000, s22;
	s11 =	sshrl.u32 s8, $0x3;
	[dreg:$0x5] =	wrdreg s2  }
0x13: {  	s29 =	smax.u32 s10, $0x1;
	s21 =	sshrl.u32 s22, $0x3;
	[dreg:$0x6] =	wrdreg s23  }
0x14: {  	s0 =	sadd.s32 s6, s0;
	s9 =	simm.s32 @!p0 $0xFFFFF68C;
	[dreg:$0x7] =	wrdreg s24  }
0x15: {  	p0 =	por !p3, !p5;
	[dreg:$0x8] =	wrdreg s25;
	s14 =	sadd.s32 s5, s11  }
0x16: {  	s2 =	sadd.s32 s1, s26;
	[dreg:$0xe] =	wrdreg s29;
	p1 =	por !p0, !p0  }
0x17: {  	p0 =	por !p6, !p6;
	[dreg:$0xa] =	wrdreg s2;
	s28 =	sadd.s32 $0xA000, s14  }
0x18: {  	s0 =	sadd.s32 $0x16800, s0;
	s7 =	simm.s32 @!p0 $0x0;
	[dreg:$0xb] =	wrdreg s28  }
0x19: {  	s22 =	simm.s32 $0x5;
	[dreg:$0xc] =	wrdreg s0;
	s7 =	simm.s32 @p0 $0x1  }
0x1a: {  	v0 =	vimm.f32 $0.0e+00;
	s6 =	sadd.s32 $0x9C4, s9;
	s17 =	sadd.s32 $0x9C3, s9;
	[smem:$0x7FD] =	sst s7  }
.LBB2_1:
.Ltmp0:
0x1b: {  	(pc) =	sbr.rel @!p1 .LBB2_3-.Ltmp0, $1  }
0x1c: {  	_ =	sdelay $0x3  }
.Ltmp1:
0x1d: {  	s0 =	rddreg [dreg:$0xa];
	(pc) =	sbr.rel .LBB2_9-.Ltmp1, $4  }
0x1e: {  	[spmem:s21], [sflag:s20] =	dma.local [hbm:s0], $0x2800  }
0x1f: {  	_ =	swait.ge [sflag:s22], $0x2800  }
0x20: {  	[sflag:s22] =	ssyncset.done $0x0  }
0x21: {  	[sflag:s22] =	ssyncadd.s32 $0xFFFFD800  }
.LBB2_3:
0x22: {  	s0 =	sld [smem:$0x7FD];
	_ =	sdelay $0x2  }
0x23: {  	p0 =	seq.s32 s0, $0x1  }
.Ltmp2:
0x24: {  	_ = 	snop;
	(pc) =	sbr.rel @!p0 .LBB2_5-.Ltmp2, $1  }
0x25: {  	_ =	sdelay $0x3  }
0x26: {  	s0 =	rddreg [dreg:$0x9]  }
.Ltmp3:
0x27: {  	s2 =	rddreg [dreg:$0xd];
	s7 =	simm.s32 $0x1FC5;
	(pc) =	sbr.rel .LBB2_9-.Ltmp3, $4  }
0x28: {  	[spmem:s2], [sflag:s7] =	dma.local [hbm:s0], $0x1900  }
0x29: {  	_ =	swait.ge [sflag:s22], $0x1900  }
0x2a: {  	[sflag:s22] =	ssyncset.done $0x0  }
0x2b: {  	[sflag:s22] =	ssyncadd.s32 $0xFFFFE700  }
.LBB2_5:
0x2c: {  	s0 =	sld [smem:$0x7FC];
	_ =	sdelay $0x2  }
0x2d: {  	p0 =	seq.s32 s0, $0x1  }
.Ltmp4:
0x2e: {  	_ = 	snop;
	(pc) =	sbr.rel @p0 .LBB2_9-.Ltmp4, $2  }
0x2f: {  	_ =	sdelay $0x2  }
0x30: {  	s2 =	simm.s32 $0x0  }
0x31: {  	s0 =	sshra.s32 s2, $0x2;
	s2 =	sadd.s32 $0x200, s2  }
.LBB2_7:
0x32: {  	p0 =	sne.s32 s2, $0xFE00;
	[tilespmem:s0+$0x16070] =	vst v0  }
0x33: {  	[tilespmem:s0+$0x16000] =	vst v0  }
0x34: {  	[tilespmem:s0+$0x16010] =	vst v0  }
.Ltmp5:
0x35: {  	[tilespmem:s0+$0x16020] =	vst v0;
	(pc) =	sbr.rel @p0 .LBB2_7-.Ltmp5, $4  }
0x36: {  	[tilespmem:s0+$0x16030] =	vst v0  }
0x37: {  	[tilespmem:s0+$0x16040] =	vst v0  }
0x38: {  	[tilespmem:s0+$0x16050] =	vst v0  }
0x39: {  	[tilespmem:s0+$0x16060] =	vst v0;
	s0 =	sshra.s32 s2, $0x2;
	s2 =	sadd.s32 $0x200, s2  }
0x3a: {  	[tilespmem:s0+$0x16070] =	vst v0  }
0x3b: {  	[tilespmem:s0+$0x16000] =	vst v0  }
0x3c: {  	[tilespmem:s0+$0x16010] =	vst v0  }
0x3d: {  	[tilespmem:s0+$0x16020] =	vst v0  }
0x3e: {  	[tilespmem:s0+$0x16030] =	vst v0  }
0x3f: {  	[tilespmem:s0+$0x16040] =	vst v0  }
0x40: {  	[tilespmem:s0+$0x16050] =	vst v0  }
0x41: {  	[tilespmem:s0+$0x16060] =	vst v0;
	s26 =	rddreg [dreg:$0x4];
	s2 =	simm.s32 $0x16000  }
0x42: {  	[spmem:s26] =	stream.linear.scatter [tilespmem:s2], [sflag:$0x5], $0x4000, $0x38;
	[tilespmem:$0x1E000] =	vst v63  }
0x43: {  	_ =	swait.ge [sflag:s22], $0x4000  }
0x44: {  	[sflag:s22] =	ssyncset.done $0x0  }
0x45: {  	s28 =	rddreg [dreg:$0x5];
	[sflag:s22] =	ssyncadd.s32 $0xFFFFC000  }
0x46: {  	[spmem:s28] =	stream.linear.scatter [tilespmem:s2], [sflag:$0x5], $0x4000, $0x38;
	[tilespmem:$0x1E000] =	vst v63  }
0x47: {  	_ =	swait.ge [sflag:s22], $0x4000  }
0x48: {  	[sflag:s22] =	ssyncset.done $0x0  }
0x49: {  	s29 =	rddreg [dreg:$0x6];
	[sflag:s22] =	ssyncadd.s32 $0xFFFFC000  }
0x4a: {  	[spmem:s29] =	stream.linear.scatter [tilespmem:s2], [sflag:$0x5], $0x4000, $0x38;
	[tilespmem:$0x1E000] =	vst v63  }
0x4b: {  	_ =	swait.ge [sflag:s22], $0x4000  }
0x4c: {  	[sflag:s22] =	ssyncset.done $0x0  }
0x4d: {  	s30 =	rddreg [dreg:$0x7];
	[sflag:s22] =	ssyncadd.s32 $0xFFFFC000  }
0x4e: {  	[spmem:s30] =	stream.linear.scatter [tilespmem:s2], [sflag:$0x5], $0x4000, $0x38;
	[tilespmem:$0x1E000] =	vst v63  }
0x4f: {  	_ =	swait.ge [sflag:s22], $0x4000  }
0x50: {  	[sflag:s22] =	ssyncset.done $0x0  }
0x51: {  	s31 =	rddreg [dreg:$0x8];
	[sflag:s22] =	ssyncadd.s32 $0xFFFFC000  }
0x52: {  	[spmem:s31] =	stream.linear.scatter [tilespmem:s2], [sflag:$0x5], $0x4000, $0x38;
	[tilespmem:$0x1E000] =	vst v63  }
0x53: {  	_ =	swait.ge [sflag:s22], $0x4000  }
0x54: {  	[sflag:s22] =	ssyncset.done $0x0  }
0x55: {  	s19 =	simm.s32 $0x16000;
	[sflag:s22] =	ssyncadd.s32 $0xFFFFC000  }
.LBB2_9:
0x56: {  	[bflag:$0x0] =	sbarrier.arrive $0xFFFF;
	s30 =	simm.s32 $0x0;
	s2 =	simm.s32 $0x14000  }
0x57: {  	[tilespmem:s2], [sflag:$0x5] =	stream.linear.gather [hbm4b:s14+s30], $0x800, $0x38;
	[tilespmem:$0x1E000] =	vst v63  }
0x58: {  	_ =	swait.ge [sflag:s22], $0x800  }
0x59: {  	[sflag:s22] =	ssyncset.done $0x0  }
0x5a: {  	s7 =	simm.s32 $0x15000;
	s0 =	rddreg [dreg:$0xb];
	[sflag:s22] =	ssyncadd.s32 $0xFFFFF800  }
0x5b: {  	[tilespmem:s7], [sflag:$0x5] =	stream.linear.gather [hbm4b:s0+s30], $0x800, $0x38;
	[tilespmem:$0x1E000] =	vst v63  }
0x5c: {  	_ =	swait.ge [sflag:s22], $0x800  }
0x5d: {  	s29 =	simm.s32 $0x80;
	[sflag:s22] =	ssyncset.done $0x0  }
0x5e: {  	p3 =	por $0x0, $0x0;
	s31 =	simm.s32 $0x0;
	[sflag:s22] =	ssyncadd.s32 $0xFFFFF800  }
0x5f: {  	[tilespmem:s19], [sflag:$0x1] =	stream.indirect.gather [hbm4b:s1+s29], $0x80, s2, s29, $0xb8;
	[tilespmem:$0x1E000] =	vst v63  }
.LBB2_11:
0x60: {  	s0 =	smov.u32 s30;
	s2 =	sshll.u32 s30, $0x4;
	s30 =	sadd.s32 $0x1, s30  }
0x61: {  	p5 =	sge.u32 s31, s17;
	s28 =	sadd.s32 $0x1, s31;
	p4 =	seq.s32 s0, $0x4  }
0x62: {  	s0 =	sand.u32 $0x10, s2;
	s7 =	simm.s32 @!p5 $0x80;
	s9 =	sshll.u32 @!p4 s30, $0xB  }
0x63: {  	s29 =	sxor.u32 $0x10, s0;
	s12 =	simm.s32 @!p4 $0x0;
	s9 =	sadd.s32 @!p4 s8, s9  }
0x64: {  	p0 =	por @!p4 $0x1, $0x1;
	s10 =	sshll.u32 @!p4 s29, $0x7;
	s9 =	sshrl.u32 @!p4 s9, $0x3  }
0x65: {  	p2 =	por p0, p4;
	s11 =	sor.u32 @!p4 $0x14000, s10;
	s9 =	sadd.s32 @!p4 s5, s9  }
0x66: {  	[tilespmem:s11], [sflag:$0x3] =	stream.linear.gather @!p4 [hbm4b:s9+s12], $0x800, $0x38;
	[tilespmem:$0x1E000] =	vst v63  }
0x67: {  	s10 =	sor.u32 @!p4 $0x15000, s10;
	s9 =	sadd.s32 @!p4 $0xA000, s9;
	s11 =	simm.s32 @!p2 $0x3  }
0x68: {  	[tilespmem:s10], [sflag:$0x4] =	stream.linear.gather @!p4 [hbm4b:s9+s12], $0x800, $0x38;
	[tilespmem:$0x1E000] =	vst v63  }
0x69: {  	p0 =	sge.u32 s31, s6;
	s9 =	simm.s32 $0x1;
	_ =	swait.ge @!p2 [sflag:s11], $0x800  }
0x6a: {  	s25 =	simm.s32 @!p0 $0x1;
	s9 =	simm.s32 @!p3 $0x0;
	[sflag:s11] =	ssyncset.done @!p2 $0x0  }
0x6b: {  	s12 =	simm.s32 @!p2 $0x4;
	s9 =	sshll.u32 s9, $0xB;
	[sflag:s11] =	ssyncadd.s32 @!p2 $0xFFFFF800  }
0x6c: {  	s24 =	simm.s32 @!p0 $0x80;
	s10 =	sor.u32 $0x14000, s9;
	_ =	swait.ge @!p2 [sflag:s12], $0x800  }
0x6d: {  	s9 =	sor.u32 $0x15000, s9;
	s13 =	sadd.s32 @!p5 $0x0, s10;
	[sflag:s12] =	ssyncset.done @!p2 $0x0  }
0x6e: {  	s11 =	simm.s32 @!p5 $0x1A000;
	s13 =	sadd.s32 @!p5 $0x80, s13;
	[sflag:s12] =	ssyncadd.s32 @!p2 $0xFFFFF800  }
0x6f: {  	[tilespmem:s11], [sflag:$0x2] =	stream.indirect.gather @!p5 [hbm4b:s1+s7], $0x80, s13, s7, $0xb8;
	[tilespmem:$0x1E000] =	vst v63  }
0x70: {  	s12 =	simm.s32 @!p0 $0x6;
	p2 =	sge.u32 s28, s17;
	_ =	swait.ge @!p0 [sflag:s25], $0x4000  }
0x71: {  	s11 =	simm.s32 @!p0 $0x16000;
	s13 =	sadd.s32 @!p0 $0x0, s9;
	[sflag:s25] =	ssyncset.done @!p0 $0x0  }
0x72: {  	p5 =	sge.u32 s28, s6;
	s7 =	sadd.s32 @!p2 $0x0, s10;
	[sflag:s25] =	ssyncadd.s32 @!p0 $0xFFFFC000  }
0x73: {  	[spmem:s3] =	stream.indirect.scatter.add.f32 @!p0 [tilespmem:s11], [sflag:$0x6], $0x80, s13, s24, $0xb8;
	[tilespmem:$0x1E000] =	vst v63  }
0x74: {  	s7 =	sadd.s32 @!p2 $0x100, s7;
	s25 =	simm.s32 @!p5 $0x5;
	_ =	swait.ge @!p0 [sflag:s12], $0x4000  }
0x75: {  	s13 =	simm.s32 @!p5 $0x2;
	s11 =	simm.s32 @!p2 $0x80;
	[sflag:s12] =	ssyncset.done @!p0 $0x0  }
0x76: {  	[sflag:s12] =	ssyncadd.s32 @!p0 $0xFFFFC000;
	s12 =	simm.s32 @!p2 $0x16000;
	p0 =	por @!p4 $0x1, $0x1  }
0x77: {  	[tilespmem:s12], [sflag:$0x1] =	stream.indirect.gather @!p2 [hbm4b:s1+s11], $0x80, s7, s11, $0xb8;
	[tilespmem:$0x1E000] =	vst v63  }
0x78: {  	s7 =	sadd.s32 @!p5 $0x0, s9;
	s11 =	simm.s32 $0x400;
	_ =	swait.ge @!p5 [sflag:s13], $0x4000  }
0x79: {  	s12 =	simm.s32 @!p5 $0x80;
	p0 =	por p0, p4;
	[sflag:s13] =	ssyncset.done @!p5 $0x0  }
0x7a: {  	s7 =	sadd.s32 @!p5 $0x80, s7;
	[sflag:s13] =	ssyncadd.s32 @!p5 $0xFFFFC000;
	s13 =	simm.s32 @!p5 $0x1A000  }
0x7b: {  	[spmem:s3] =	stream.indirect.scatter.add.f32 @!p5 [tilespmem:s13], [sflag:$0x5], $0x80, s7, s12, $0xb8;
	[tilespmem:$0x1E000] =	vst v63  }
0x7c: {  	s13 =	simm.s32 $0x800;
	s12 =	sadd.s32 $0x2, s31;
	_ =	swait.ge @!p5 [sflag:s25], $0x4000  }
.LBB2_12:
0x7d: {  	s7 =	simm.s32 @!p0 $0x3;
	[sflag:s25] =	ssyncset.done @!p5 $0x0  }
0x7e: {  	s24 =	smov.u32 s11;
	s11 =	smov.u32 s13;
	s13 =	sadd.s32 $0x400, s13  }
0x7f: {  	s15 =	sadd.s32 $0x1, s12;
	p6 =	seq.s32 s13, $0x1C00;
	[sflag:s25] =	ssyncadd.s32 @!p5 $0xFFFFC000  }
0x80: {  	p2 =	sge.u32 s12, s6;
	p5 =	sge.u32 s12, s17;
	_ =	swait.ge @!p0 [sflag:s7], $0x800  }
0x81: {  	s25 =	simm.s32 @!p0 $0x4;
	s26 =	simm.s32 @!p2 $0x16000;
	[sflag:s7] =	ssyncset.done @!p0 $0x0  }
0x82: {  	s28 =	simm.s32 @!p5 $0x1A000;
	[sflag:s7] =	ssyncadd.s32 @!p0 $0xFFFFF800;
	s7 =	sshra.s32 @!p5 s24, $0x2  }
0x83: {  	s16 =	simm.s32 @!p2 $0x1;
	_ =	swait.ge @!p0 [sflag:s25], $0x800;
	s7 =	sadd.s32 @!p5 s7, s10  }
0x84: {  	s23 =	simm.s32 @!p5 $0x80;
	[sflag:s25] =	ssyncset.done @!p0 $0x0;
	s7 =	sadd.s32 @!p5 $0x80, s7  }
0x85: {  	s18 =	simm.s32 @!p2 $0x6;
	[sflag:s25] =	ssyncadd.s32 @!p0 $0xFFFFF800;
	s25 =	sshra.s32 @!p2 s24, $0x2  }
0x86: {  	[tilespmem:s28], [sflag:$0x2] =	stream.indirect.gather @!p5 [hbm4b:s1+s23], $0x80, s7, s23, $0xb8;
	[tilespmem:$0x1E000] =	vst v63  }
0x87: {  	s7 =	sadd.s32 @!p2 s25, s9;
	p5 =	sge.u32 s15, s6;
	_ =	swait.ge @!p2 [sflag:s16], $0x4000  }
0x88: {  	p0 =	sge.u32 s15, s17;
	s23 =	simm.s32 @!p2 $0x80;
	[sflag:s16] =	ssyncset.done @!p2 $0x0  }
0x89: {  	s15 =	sshra.s32 @!p0 s24, $0x2;
	[sflag:s16] =	ssyncadd.s32 @!p2 $0xFFFFC000;
	s16 =	sshra.s32 @!p5 s24, $0x2  }
0x8a: {  	[spmem:s3] =	stream.indirect.scatter.add.f32 @!p2 [tilespmem:s26], [sflag:$0x6], $0x80, s7, s23, $0xb8;
	[tilespmem:$0x1E000] =	vst v63  }
0x8b: {  	s25 =	simm.s32 @!p5 $0x5;
	s7 =	sadd.s32 @!p0 s15, s10;
	_ =	swait.ge @!p2 [sflag:s18], $0x4000  }
0x8c: {  	s15 =	simm.s32 @!p5 $0x2;
	s7 =	sadd.s32 @!p0 $0x100, s7;
	[sflag:s18] =	ssyncset.done @!p2 $0x0  }
0x8d: {  	s23 =	simm.s32 @!p0 $0x16000;
	[sflag:s18] =	ssyncadd.s32 @!p2 $0xFFFFC000;
	s18 =	simm.s32 @!p0 $0x80  }
0x8e: {  	[tilespmem:s23], [sflag:$0x1] =	stream.indirect.gather @!p0 [hbm4b:s1+s18], $0x80, s7, s18, $0xb8;
	[tilespmem:$0x1E000] =	vst v63  }
.Ltmp6:
0x8f: {  	s7 =	sadd.s32 @!p5 s16, s9;
	_ =	swait.ge @!p5 [sflag:s15], $0x4000;
	(pc) =	sbr.rel @!p6 .LBB2_12-.Ltmp6, $4  }
0x90: {  	s16 =	simm.s32 @!p5 $0x80;
	s7 =	sadd.s32 @!p5 $0x80, s7;
	[sflag:s15] =	ssyncset.done @!p5 $0x0  }
0x91: {  	p0 =	sne.s32 @!p4 s11, $0xC00;
	[sflag:s15] =	ssyncadd.s32 @!p5 $0xFFFFC000;
	s15 =	simm.s32 @!p5 $0x1A000  }
0x92: {  	[spmem:s3] =	stream.indirect.scatter.add.f32 @!p5 [tilespmem:s15], [sflag:$0x5], $0x80, s7, s16, $0xb8;
	[tilespmem:$0x1E000] =	vst v63  }
0x93: {  	s12 =	sadd.s32 $0x2, s12;
	p0 =	por p0, p4;
	_ =	swait.ge @!p5 [sflag:s25], $0x4000  }
0x94: {  	[sflag:s25] =	ssyncset.done @!p5 $0x0  }
0x95: {  	s7 =	simm.s32 @!p0 $0x3;
	[sflag:s25] =	ssyncadd.s32 @!p5 $0xFFFFC000  }
0x96: {  	s13 =	sadd.s32 $0x1, s12;
	p4 =	sge.u32 s12, s17;
	_ =	swait.ge @!p0 [sflag:s7], $0x800  }
0x97: {  	p2 =	sge.u32 s12, s6;
	s12 =	simm.s32 @!p0 $0x4;
	[sflag:s7] =	ssyncset.done @!p0 $0x0  }
0x98: {  	s15 =	simm.s32 @!p2 $0x16000;
	s16 =	simm.s32 @!p4 $0x1A000;
	[sflag:s7] =	ssyncadd.s32 @!p0 $0xFFFFF800  }
0x99: {  	s18 =	simm.s32 @!p2 $0x1;
	s7 =	sshra.s32 @!p4 s11, $0x2;
	_ =	swait.ge @!p0 [sflag:s12], $0x800  }
0x9a: {  	s23 =	simm.s32 @!p4 $0x80;
	s7 =	sadd.s32 @!p4 s7, s10;
	[sflag:s12] =	ssyncset.done @!p0 $0x0  }
0x9b: {  	s7 =	sadd.s32 @!p4 $0x80, s7;
	[sflag:s12] =	ssyncadd.s32 @!p0 $0xFFFFF800;
	s12 =	sshra.s32 @!p2 s11, $0x2  }
0x9c: {  	[tilespmem:s16], [sflag:$0x2] =	stream.indirect.gather @!p4 [hbm4b:s1+s23], $0x80, s7, s23, $0xb8;
	[tilespmem:$0x1E000] =	vst v63  }
0x9d: {  	p0 =	sge.u32 s13, s6;
	s7 =	simm.s32 @!p2 $0x6;
	_ =	swait.ge @!p2 [sflag:s18], $0x4000  }
0x9e: {  	s12 =	sadd.s32 @!p2 s12, s9;
	p4 =	sge.u32 s13, s17;
	[sflag:s18] =	ssyncset.done @!p2 $0x0  }
0x9f: {  	s13 =	simm.s32 @!p2 $0x80;
	s16 =	sshra.s32 @!p4 s11, $0x2;
	[sflag:s18] =	ssyncadd.s32 @!p2 $0xFFFFC000  }
0xa0: {  	[spmem:s3] =	stream.indirect.scatter.add.f32 @!p2 [tilespmem:s15], [sflag:$0x6], $0x80, s12, s13, $0xb8;
	[tilespmem:$0x1E000] =	vst v63  }
0xa1: {  	s11 =	sshra.s32 @!p0 s11, $0x2;
	s10 =	sadd.s32 @!p4 s16, s10;
	_ =	swait.ge @!p2 [sflag:s7], $0x4000  }
0xa2: {  	s10 =	sadd.s32 @!p4 $0x100, s10;
	s12 =	simm.s32 @!p0 $0x2;
	[sflag:s7] =	ssyncset.done @!p2 $0x0  }
0xa3: {  	s13 =	simm.s32 @!p4 $0x16000;
	[sflag:s7] =	ssyncadd.s32 @!p2 $0xFFFFC000;
	s7 =	simm.s32 @!p4 $0x80  }
0xa4: {  	[tilespmem:s13], [sflag:$0x1] =	stream.indirect.gather @!p4 [hbm4b:s1+s7], $0x80, s10, s7, $0xb8;
	[tilespmem:$0x1E000] =	vst v63  }
0xa5: {  	s7 =	sadd.s32 @!p0 s11, s9;
	_ =	swait.ge @!p0 [sflag:s12], $0x4000  }
0xa6: {  	s9 =	simm.s32 @!p0 $0x5;
	s10 =	simm.s32 @!p0 $0x80;
	[sflag:s12] =	ssyncset.done @!p0 $0x0  }
0xa7: {  	s11 =	simm.s32 @!p0 $0x1A000;
	s7 =	sadd.s32 @!p0 $0x80, s7;
	[sflag:s12] =	ssyncadd.s32 @!p0 $0xFFFFC000  }
0xa8: {  	[spmem:s3] =	stream.indirect.scatter.add.f32 @!p0 [tilespmem:s11], [sflag:$0x5], $0x80, s7, s10, $0xb8;
	[tilespmem:$0x1E000] =	vst v63  }
0xa9: {  	_ =	swait.ge @!p0 [sflag:s9], $0x4000  }
0xaa: {  	[sflag:s9] =	ssyncset.done @!p0 $0x0  }
0xab: {  	[sflag:s9] =	ssyncadd.s32 @!p0 $0xFFFFC000  }
0xac: {  	s9 =	sor.u32 $0xE, s2  }
0xad: {  	s10 =	sor.u32 $0xE, s0;
	p0 =	sge.u32 s9, s17  }
0xae: {  	s11 =	sshll.u32 @!p0 s10, $0x7  }
0xaf: {  	s12 =	simm.s32 @!p0 $0x80;
	s13 =	simm.s32 @!p0 $0x1A000;
	s11 =	sadd.s32 @!p0 $0x14080, s11  }
0xb0: {  	[tilespmem:s13], [sflag:$0x2] =	stream.indirect.gather @!p0 [hbm4b:s1+s12], $0x80, s11, s12, $0xb8;
	[tilespmem:$0x1E000] =	vst v63  }
0xb1: {  	p0 =	sge.u32 s9, s6  }
0xb2: {  	s9 =	simm.s32 @!p0 $0x1  }
0xb3: {  	_ =	swait.ge @!p0 [sflag:s9], $0x4000  }
0xb4: {  	[sflag:s9] =	ssyncset.done @!p0 $0x0  }
0xb5: {  	[sflag:s9] =	ssyncadd.s32 @!p0 $0xFFFFC000;
	s9 =	sshll.u32 @!p0 s10, $0x7  }
0xb6: {  	s11 =	simm.s32 @!p0 $0x16000;
	s10 =	simm.s32 @!p0 $0x80;
	s9 =	sor.u32 @!p0 $0x15000, s9  }
0xb7: {  	[spmem:s3] =	stream.indirect.scatter.add.f32 @!p0 [tilespmem:s11], [sflag:$0x6], $0x80, s9, s10, $0xb8;
	[tilespmem:$0x1E000] =	vst v63  }
0xb8: {  	s28 =	sor.u32 $0xF, s2;
	s9 =	simm.s32 @!p0 $0x6  }
0xb9: {  	p2 =	sge.u32 s28, s17;
	_ =	swait.ge @!p0 [sflag:s9], $0x4000  }
0xba: {  	s10 =	simm.s32 @!p2 $0x80;
	[sflag:s9] =	ssyncset.done @!p0 $0x0  }
0xbb: {  	[sflag:s9] =	ssyncadd.s32 @!p0 $0xFFFFC000;
	s9 =	sshll.u32 @!p2 s29, $0x7;
	p0 =	sge.u32 s28, s6  }
0xbc: {  	s11 =	simm.s32 @!p2 $0x16000;
	s9 =	sor.u32 @!p2 $0x14000, s9;
	s2 =	simm.s32 @!p0 $0x2  }
0xbd: {  	[tilespmem:s11], [sflag:$0x1] =	stream.indirect.gather @!p2 [hbm4b:s1+s10], $0x80, s9, s10, $0xb8;
	[tilespmem:$0x1E000] =	vst v63  }
0xbe: {  	s0 =	sshll.u32 @!p0 s0, $0x7;
	_ =	swait.ge @!p0 [sflag:s2], $0x4000  }
0xbf: {  	s0 =	sadd.s32 @!p0 $0x15780, s0;
	s9 =	simm.s32 @!p0 $0x1A000;
	[sflag:s2] =	ssyncset.done @!p0 $0x0  }
0xc0: {  	p2 =	seq.s32 s30, $0x5;
	[sflag:s2] =	ssyncadd.s32 @!p0 $0xFFFFC000;
	s2 =	simm.s32 @!p0 $0x80  }
0xc1: {  	[spmem:s3] =	stream.indirect.scatter.add.f32 @!p0 [tilespmem:s9], [sflag:$0x5], $0x80, s0, s2, $0xb8;
	[tilespmem:$0x1E000] =	vst v63  }
.Ltmp7:
0xc2: {  	_ = 	snop;
	(pc) =	sbr.rel @!p2 .LBB2_11-.Ltmp7, $4  }
0xc3: {  	s0 =	simm.s32 @!p0 $0x5  }
0xc4: {  	_ =	swait.ge @!p0 [sflag:s0], $0x4000  }
0xc5: {  	[sflag:s0] =	ssyncset.done @!p0 $0x0  }
0xc6: {  	p3 =	por !p3, !p3;
	s31 =	sadd.s32 $0x10, s31;
	[sflag:s0] =	ssyncadd.s32 @!p0 $0xFFFFC000  }
0xc7: {  	[bflag:$0x0] =	sbarrier.arrive $0xFFFF  }
0xc8: {  	s0 =	rddreg [dreg:$0xc]  }
0xc9: {  	[hbm:s0], [sflag:s20] =	dma.local [spmem:s21], $0x2800  }
0xca: {  	_ =	swait.ge [sflag:s22], $0x2800  }
0xcb: {  	s4 =	sadd.s32 $0x1, s4;
	s31 =	rddreg [dreg:$0xe]  }
0xcc: {  	p0 =	sne.s32 s4, s31  }
.Ltmp8:
0xcd: {  	_ = 	snop;
	(pc) =	sbr.rel @p0 .LBB2_1-.Ltmp8, $3  }
0xce: {  	_ =	sdelay $0x1  }
0xcf: {  	[sflag:s22] =	ssyncset.done $0x0  }
0xd0: {  	[sflag:s22] =	ssyncadd.s32 $0xFFFFD800  }
0xd1: {  	_ =	sfence.sel $0x180000  }
0xd2: {  	[bflag:$0x0] =	sbarrier.arrive $0xFFFF  }
0xd3: {  	_ =	strace $0x9000004D  }
0xd4: {  	s0 =	stileid.u32;
	[bflag:$0x2] =	sbarrier.arrive $0xFFFF  }
0xd5: {  	p0 =	sne.s32 s0, $0x0;
	s0 =	rddreg [dreg:$0x3]  }
0xd6: {  	s0 =	sadd.s32 @!p0 $0x100000, s0  }
0xd7: {  	[sflag:s0] =	ssyncadd.tile.s32 @!p0 $0x1;
	_ =	shalt  }
.Lfunc_end2:
_tile_overlayer_lowered:
.L_overlay_start_2:
0xd8: {  	(tag) =	ssettag $0x2  }
0xd9: {  	s0 =	rddreg [dreg:$0x0];
	s2 =	stileid.u32  }
0xda: {  	s1 =	rddreg [dreg:$0x1];
	p0 =	sne.s32 s2, $0x0  }
0xdb: {  	s3 =	rddreg [dreg:$0x2];
	[bflag:$0x3] =	sbarrier.arrive $0xFFFF;
	s2 =	simm.s32 @!p0 $0x1C05  }
0xdc: {  	[timem:s3], [sflag:s2] =	dma.local @!p0 [hbm:s0], s1  }
0xdd: {  	s0 =	simm.s32 @!p0 $0x5  }
0xde: {  	_ =	swait.ge @!p0 [sflag:s0], s1  }
0xdf: {  	s1 =	ssub.s32 @!p0 $0x0, s1;
	[sflag:s0] =	ssyncset.done @!p0 $0x0  }
0xe0: {  	[sflag:s0] =	ssyncadd.s32 @!p0 s1  }
0xe1: {  	[bflag:$0x3] =	sbarrier.arrive $0xFFFF  }
0xe2: {  	_ =	shalt  }

// kernel: kernel.8.cloned.1.call-start
scs
__scs_entry_jumppad:
0x0: {  	(pc) =	sbr.rel $0x88, $3  }
0x1: {  	(tag) =	ssettag $0x0;
	lr =	simm.s32 $0x1  }
0x2: {  	[smem:$0x3F9B] =	sst lr;
	_ =	strace $0xD0000000  }
0x3: {  	_ = 	snop  }
0x4: {  	_ = 	snop  }
0x5: {  	_ = 	snop  }
0x6: {  	_ = 	snop  }
0x7: {  	_ = 	snop  }
__scs_overlays_trampoline_lowered:
0x8: {  	[smem:$0x3FAA] =	sst s0  }
0x9: {  	[smem:$0x3FAB] =	sst s1  }
0xa: {  	[smem:$0x3FAC] =	sst s2  }
0xb: {  	[smem:$0x3FAD] =	sst s3  }
0xc: {  	[smem:$0x3FAE] =	sst s4  }
0xd: {  	[smem:$0x3FAF] =	sst s5  }
0xe: {  	[smem:$0x3FB0] =	sst s6  }
0xf: {  	[smem:$0x3FB1] =	sst s7  }
0x10: {  	[smem:$0x3FB2] =	sst s8  }
0x11: {  	[smem:$0x3FB3] =	sst s9;
	s0 =	simm.s32 @!p0 $0x0  }
0x12: {  	s1 =	sld [smem:$0x3F99];
	s0 =	simm.s32 @p0 $0x1  }
0x13: {  	[smem:$0x3FB4] =	sst s0;
	s0 =	simm.s32 @!p1 $0x0  }
0x14: {  	s2 =	sld [smem:$0x3F98];
	s0 =	simm.s32 @p1 $0x1  }
0x15: {  	[smem:$0x3FB5] =	sst s0;
	s0 =	simm.s32 @!p2 $0x0  }
0x16: {  	s3 =	sld [smem:$0x3FDB];
	s0 =	simm.s32 @p2 $0x1  }
0x17: {  	s4 =	simm.s32 $0x1BF5;
	[smem:$0x3FB7] =	sst s0  }
0x18: {  	s0 =	sld [smem:$0x3F9A];
	_ =	swait.ge [sflag:s4], $0x0  }
0x19: {  	s7 =	sld [smem:$0x3F9B]  }
0x1a: {  	s8 =	sadd.s32 $0xFFFFE003, lr  }
0x1b: {  	s9 =	sadd.s32 $0xFFFFFEF7, lr;
	s5 =	simm.s32 $0xFFFFFFFF;
	p2 =	slt.u32 s8, $0xFFFFF086  }
0x1c: {  	p1 =	slt.u32 s9, $0xF7A;
	s5 =	simm.s32 @!p2 $0x0  }
0x1d: {  	s5 =	simm.s32 @p1 $0x1;
	p0 =	seq.s32 s7, s2  }
0x1e: {  	s7 =	smul.u32 @!p0 $0xF7A, s2;
	p2 =	seq.s32 @!p0 s5, $0x0  }
0x1f: {  	s9 =	smul.u32 $0xF7A, s1;
	s8 =	simm.s32 @!p0 $0x1BF5;
	p2 =	por !p2, p0  }
0x20: {  	[sflag:s8] =	ssyncset.s32 @!p0 $0xFFFFF086;
	s6 =	sadd.s32 @!p0 s3, s7;
	s7 =	simm.s32 @!p0 $0x108  }
0x21: {  	s3 =	sadd.s32 s3, s9;
	s6 =	sadd.s32 @!p0 $0x88, s6;
	s7 =	simm.s32 @p2 $0x1082  }
0x22: {  	[simem:s7], [sflag:s8] =	dma.local @!p0 [hbm:s6], $0xF7A  }
0x23: {  	s9 =	sor.u32 $0xD0000000, s2;
	s6 =	simm.s32 $0x108;
	_ =	swait.ge @!p0 [sflag:s8], $0x0  }
0x24: {  	s3 =	sadd.s32 $0x88, s3;
	s6 =	simm.s32 @!p1 $0x1082;
	[sflag:s4] =	ssyncset.s32 $0xFFFFF086  }
0x25: {  	[simem:s6], [sflag:s4] =	dma.local [hbm:s3], $0xF7A  }
0x26: {  	[smem:$0x3F9B] =	sst s1;
	(tag) =	ssettag s2;
	_ =	strace s9  }
0x27: {  	s1 =	sld [smem:$0x3FAB]  }
0x28: {  	s2 =	sld [smem:$0x3FAC]  }
0x29: {  	s4 =	sld [smem:$0x3FAE]  }
0x2a: {  	p0 =	seq.s32 s5, $0x0;
	s5 =	sld [smem:$0x3FAF]  }
0x2b: {  	s6 =	sld [smem:$0x3FB0]  }
0x2c: {  	s7 =	sld [smem:$0x3FB1]  }
0x2d: {  	s3 =	simm.s32 $0x108;
	s8 =	sld [smem:$0x3FB2]  }
0x2e: {  	s3 =	simm.s32 @!p0 $0x1082;
	s9 =	sld [smem:$0x3FB3]  }
0x2f: {  	lr =	sadd.s32 s0, s3;
	s0 =	sld [smem:$0x3FAA]  }
0x30: {  	s3 =	sld [smem:$0x3FAD]  }
0x31: {  	[smem:$0x3FB6] =	sst s10  }
0x32: {  	s10 =	sld [smem:$0x3FB4];
	_ =	sdelay $0x3  }
0x33: {  	p0 =	seq.s32 s10, $0x1;
	s10 =	sld [smem:$0x3FB6];
	_ =	sdelay $0x3  }
0x34: {  	[smem:$0x3FB6] =	sst s10  }
0x35: {  	s10 =	sld [smem:$0x3FB5];
	_ =	sdelay $0x3  }
0x36: {  	p1 =	seq.s32 s10, $0x1;
	s10 =	sld [smem:$0x3FB6];
	_ =	sdelay $0x3  }
0x37: {  	[smem:$0x3FB6] =	sst s10  }
0x38: {  	s10 =	sld [smem:$0x3FB7]  }
0x39: {  	_ = 	snop;
	(pc) =	sbr.ind lr, $3  }
0x3a: {  	_ = 	snop  }
0x3b: {  	_ = 	snop  }
0x3c: {  	p2 =	seq.s32 s10, $0x1;
	s10 =	sld [smem:$0x3FB6]  }
0x3d: {  	_ =	shalt  }
0x3e: {  	_ =	shalt  }
0x3f: {  	_ =	shalt  }
0x40: {  	_ =	shalt  }
0x41: {  	_ =	shalt  }
0x42: {  	_ =	shalt  }
0x43: {  	_ =	shalt  }
0x44: {  	_ =	shalt  }
0x45: {  	_ =	shalt  }
0x46: {  	_ =	shalt  }
0x47: {  	_ =	shalt  }
0x48: {  	_ =	shalt  }
0x49: {  	_ =	shalt  }
0x4a: {  	_ =	shalt  }
0x4b: {  	_ =	shalt  }
0x4c: {  	_ =	shalt  }
0x4d: {  	_ =	shalt  }
0x4e: {  	_ =	shalt  }
0x4f: {  	_ =	shalt  }
0x50: {  	_ =	shalt  }
0x51: {  	_ =	shalt  }
0x52: {  	_ =	shalt  }
0x53: {  	_ =	shalt  }
0x54: {  	_ =	shalt  }
0x55: {  	_ =	shalt  }
0x56: {  	_ =	shalt  }
0x57: {  	_ =	shalt  }
0x58: {  	_ =	shalt  }
0x59: {  	_ =	shalt  }
0x5a: {  	_ =	shalt  }
0x5b: {  	_ =	shalt  }
0x5c: {  	_ =	shalt  }
0x5d: {  	_ =	shalt  }
0x5e: {  	_ =	shalt  }
0x5f: {  	_ =	shalt  }
0x60: {  	_ =	shalt  }
0x61: {  	_ =	shalt  }
0x62: {  	_ =	shalt  }
0x63: {  	_ =	shalt  }
0x64: {  	_ =	shalt  }
0x65: {  	_ =	shalt  }
0x66: {  	_ =	shalt  }
0x67: {  	_ =	shalt  }
0x68: {  	_ =	shalt  }
0x69: {  	_ =	shalt  }
0x6a: {  	_ =	shalt  }
0x6b: {  	_ =	shalt  }
0x6c: {  	_ =	shalt  }
0x6d: {  	_ =	shalt  }
0x6e: {  	_ =	shalt  }
0x6f: {  	_ =	shalt  }
0x70: {  	_ =	shalt  }
0x71: {  	_ =	shalt  }
0x72: {  	_ =	shalt  }
0x73: {  	_ =	shalt  }
0x74: {  	_ =	shalt  }
0x75: {  	_ =	shalt  }
0x76: {  	_ =	shalt  }
0x77: {  	_ =	shalt  }
0x78: {  	_ =	shalt  }
0x79: {  	_ =	shalt  }
0x7a: {  	_ =	shalt  }
0x7b: {  	_ =	shalt  }
0x7c: {  	_ =	shalt  }
0x7d: {  	_ =	shalt  }
0x7e: {  	_ =	shalt  }
0x7f: {  	_ =	shalt  }
0x80: {  	_ =	shalt  }
0x81: {  	_ =	shalt  }
0x82: {  	_ =	shalt  }
0x83: {  	_ =	shalt  }
0x84: {  	_ =	shalt  }
0x85: {  	_ =	shalt  }
0x86: {  	_ =	shalt  }
0x87: {  	_ =	shalt  }
.Lfunc_end0:
.L_simem_size_0:
called_computation_lowered:
.L_overlay_start_0:
0x88: {  	s2 =	sld [smem:$0x3FD9]  }
0x89: {  	s3 =	sld [smem:$0x3FFE];
	_ =	sdelay $0x1  }
0x8a: {  	s1 =	srdreg.scid  }
0x8b: {  	s0 =	sand.u32 $0x1, s1  }
0x8c: {  	s17 =	sshll.u32 s0, $0xA;
	s2 =	sadd.s32 s3, s2  }
0x8d: {  	s2 =	sadd.s32 s2, s17  }
0x8e: {  	[smem:$0x3FC2] =	sst s2  }
0x8f: {  	_ = 	snop  }
0x90: {  	s2 =	sld [smem:$0x3FD0];
	(tm) =	ssettm $0x1  }
0x91: {  	s18 =	sld [smem:$0x3FFB];
	_ =	sdelay $0x3  }
0x92: {  	_ =	strace s18  }
0x93: {  	s3 =	sld [smem:$0x3FFC];
	_ =	sdelay $0x3  }
0x94: {  	_ =	strace s3  }
0x95: {  	s3 =	sld [smem:$0x3FFD];
	_ =	sdelay $0x3  }
0x96: {  	_ =	strace s3  }
0x97: {  	_ =	strace $0x8FFFFFFF  }
0x98: {  	s19 =	sld [smem:$0x3FDB];
	_ =	sdelay $0x1  }
0x99: {  	s4 =	simm.s32 $_scs_section_size  }
0x9a: {  	s5 =	simm.s32 $_size__tile_overlayer_lowered;
	s6 =	simm.s32 $_tile_overlayer_lowered  }
0x9b: {  	s22 =	simm.s32 $0x1BFF;
	s21 =	sshll.u32 s6, $0x1;
	s3 =	sadd.s32 s4, s19  }
0x9c: {  	s7 =	simm.s32 $0x0;
	s20 =	sshll.u32 s5, $0x1;
	s5 =	sadd.s32 s21, s3  }
0x9d: {  	[timem:s7], [sflag:s22] =	dma.local [hbm:s5], s20  }
0x9e: {  	_ =	swait.ge [sflag:s22], s20  }
0x9f: {  	s4 =	ssub.s32 $0x0, s20;
	[sflag:s22] =	ssyncset.done $0x0  }
0xa0: {  	[sflag:s22] =	ssyncadd.s32 s4;
	_ =	sdelay $0x1  }
0xa1: {  	s23 =	simm.s32 $0x1B8B  }
0xa2: {  	_ =	swait.ge [sflag:s23], $0x1  }
0xa3: {  	[sflag:s23] =	ssyncset.done $0x0  }
0xa4: {  	s25 =	simm.s32 $0x1B8E;
	s24 =	sld [smem:$0x3FFE];
	[sflag:s23] =	ssyncadd.s32 $0xFFFFFFFF  }
0xa5: {  	s26 =	simm.s32 $execute0_lowered;
	[smem:$0x3FD2] =	sst s25  }
0xa6: {  	s5 =	sshll.u32 s26, $0x1;
	_ =	strace $0x80000046;
	[dreg:$0x1] =	wrdreg $0xFFFFFFFF  }
0xa7: {  	s28 =	simm.s32 $_size_execute0_lowered;
	s3 =	sadd.s32 s3, s5;
	[dreg:$0x0] =	wrdreg $0x0  }
0xa8: {  	s5 =	sshll.u32 s28, $0x1;
	[dreg:$0x2] =	wrdreg s3  }
0xa9: {  	[dreg:$0x3] =	wrdreg s5  }
0xaa: {  	[dreg:$0x4] =	wrdreg $0xC0  }
0xab: {  	_ =	task [dreg:s7], $0x5FFFF  }
0xac: {  	[dreg:$0x1] =	wrdreg $0xFFFFFFFF  }
0xad: {  	[dreg:$0x0] =	wrdreg $0x60  }
0xae: {  	[dreg:$0x2] =	wrdreg s24  }
0xaf: {  	[dreg:$0x3] =	wrdreg s2  }
0xb0: {  	[dreg:$0x4] =	wrdreg $0x9  }
0xb1: {  	_ =	task.clear_ibuf [dreg:s7], $0x5FFFF;
	_ =	strace $0x90000046  }
0xb2: {  	s29 =	simm.s32 $0x9;
	_ =	strace $0x80000048  }
0xb3: {  	_ =	swait.ge [sflag:s29], $0x1  }
0xb4: {  	[sflag:s29] =	ssyncadd.s32 $0xFFFFFFFF  }
0xb5: {  	_ =	strace $0x90000048  }
0xb6: {  	_ =	sfence  }
0xb7: {  	s30 =	sld [smem:$0x0];
	_ =	sdelay $0x2  }
0xb8: {  	s31 =	sshll.u32 s1, $0xD;
	s1 =	sshrl.u32 s1, $0x2  }
0xb9: {  	s3 =	sand.u32 $0x4000, s31;
	s1 =	sadd.s32 s1, s30  }
0xba: {  	s0 =	sor.u32 s3, s0;
	s1 =	sshll.u32 s1, $0x11  }
0xbb: {  	s0 =	sor.u32 s1, s0  }
0xbc: {  	s0 =	sadd.s32 $0x8F2B, s0  }
0xbd: {  	[sflag:s0] =	ssyncadd.remote.s32 $0x1  }
0xbe: {  	_ =	sfence.sel $0xFFFF  }
0xbf: {  	[dreg:$0x0] =	wrdreg $0xFFFFFFFF;
	(pc) =	sbr.abs _section_cstart, $3  }
0xc0: {  	[dreg:$0x1] =	wrdreg $0xFFFFFFFF  }
0xc1: {  	_ =	task.clear_ibuf [dreg:s7], $0x2FFFF;
	_ =	strace $0x9FFFFFFF  }
0xc2: {  	(tm) =	ssettm $0x7FFFFFFF  }
0xc3: {  	_ =	shalt  }
tec
execute0_lowered:
.L_overlay_start_1:
0x0: {  	(tag) =	ssettag $0x1  }
0x1: {  	s3 =	rddreg [dreg:$0x0]  }
0x2: {  	s1 =	srdreg.scid;
	s0 =	stileid.u32  }
0x3: {  	s5 =	rddreg [dreg:$0x1];
	s2 =	simm.s32 $0x0;
	s11 =	simm.s32 $0x0  }
0x4: {  	s4 =	sand.u32 $0x1, s1;
	s6 =	sshll.u32 s0, $0x1;
	s1 =	rddreg [dreg:$0x2]  }
0x5: {  	[smem:$0x7FF] =	sst s2;
	s8 =	sshrl.u32 s0, $0x2;
	s6 =	sor.u32 s4, s6  }
0x6: {  	s4 =	ssub.s32 $0x2, s4;
	s8 =	smul.u32 $0x14000, s8;
	_ =	strace $0x80000047  }
0x7: {  	s7 =	smul.u32 $0x2800, s6;
	s9 =	sshll.u32 s6, $0x7;
	s10 =	sshrl.u32 s4, $0x1  }
0x8: {  	s6 =	smul.u32 $0xFFFFFFB0, s6;
	s9 =	sand.u32 $0x380, s9;
	s29 =	ssub.s32 s4, s10  }
0x9: {  	s10 =	simm.s32 $0x400;
	s7 =	sshrl.u32 s7, $0x3;
	s8 =	sor.u32 s8, s9  }
0xa: {  	s9 =	simm.s32 $0x80;
	s30 =	sadd.s32 s3, s7;
	s31 =	sshrl.u32 s8, $0x3  }
0xb: {  	s3 =	sadd.s32 $0x9C4, s6;
	s6 =	smax.u32 s29, $0x1;
	s7 =	simm.s32 $0x2800  }
0xc: {  	v0 =	vimm.f32 $0.0e+00;
	s8 =	simm.s32 $0x1;
	s4 =	sadd.s32 $0xC800, s30;
	s5 =	sadd.s32 s5, s31  }
.LBB2_1:
0xd: {  	[tilespmem:s7], [sflag:$0x1] =	stream.linear.gather [hbm4b:s4+s2], $0x2800, $0x38;
	[tilespmem:$0x5000] =	vst v63  }
0xe: {  	_ =	swait.ge [sflag:s8], $0x2800  }
0xf: {  	[sflag:s8] =	ssyncset.done $0x0  }
0x10: {  	s12 =	simm.s32 $0x0;
	s13 =	simm.s32 $0x200;
	[sflag:s8] =	ssyncadd.s32 $0xFFFFD800  }
.LBB2_2:
0x11: {  	p0 =	sne.s32 s13, $0x9E00;
	[tilespmem:s12+$0x70] =	vst v0  }
0x12: {  	[tilespmem:s12+$0x0] =	vst v0  }
0x13: {  	[tilespmem:s12+$0x10] =	vst v0  }
.Ltmp0:
0x14: {  	[tilespmem:s12+$0x20] =	vst v0;
	(pc) =	sbr.rel @p0 .LBB2_2-.Ltmp0, $4  }
0x15: {  	[tilespmem:s12+$0x30] =	vst v0  }
0x16: {  	[tilespmem:s12+$0x40] =	vst v0  }
0x17: {  	[tilespmem:s12+$0x50] =	vst v0  }
0x18: {  	[tilespmem:s12+$0x60] =	vst v0;
	s12 =	sshra.s32 s13, $0x2;
	s13 =	sadd.s32 $0x200, s13  }
0x19: {  	[tilespmem:s12+$0x70] =	vst v0  }
0x1a: {  	[tilespmem:s12+$0x0] =	vst v0  }
0x1b: {  	[tilespmem:s12+$0x10] =	vst v0  }
0x1c: {  	[tilespmem:s12+$0x20] =	vst v0  }
0x1d: {  	[tilespmem:s12+$0x30] =	vst v0  }
0x1e: {  	[tilespmem:s12+$0x40] =	vst v0  }
0x1f: {  	[tilespmem:s12+$0x50] =	vst v0  }
0x20: {  	[tilespmem:s12+$0x60] =	vst v0;
	s12 =	simm.s32 $0x0;
	s13 =	simm.s32 $0x2840  }
.LBB2_4:
0x21: {  	p0 =	sle.u32 s3, s12  }
0x22: {  	v1 =	vld @!p0 [tilespmem:s13+$0xFFFFFFC0];
	_ =	sdelay $0x6  }
0x23: {  	v2 =	vimm.f32 @!p0 $1.000000000e+00;
	s14 =	simm.s32 @!p0 $0x0  }
0x24: {  	[tilespmem:v1+s14+$0x0] =	vst.idx.add.f32.msk @!p0 $0xffff, v2  }
0x25: {  	v1 =	vld @!p0 [tilespmem:s13+$0xFFFFFFD0];
	_ =	sdelay $0x7  }
0x26: {  	[tilespmem:v1+s14+$0x0] =	vst.idx.add.f32.msk @!p0 $0xffff, v2  }
0x27: {  	v1 =	vld @!p0 [tilespmem:s13+$0xFFFFFFE0];
	_ =	sdelay $0x7  }
0x28: {  	[tilespmem:v1+s14+$0x0] =	vst.idx.add.f32.msk @!p0 $0xffff, v2  }
0x29: {  	v1 =	vld @!p0 [tilespmem:s13+$0xFFFFFFF0];
	_ =	sdelay $0x7  }
0x2a: {  	[tilespmem:v1+s14+$0x0] =	vst.idx.add.f32.msk @!p0 $0xffff, v2  }
0x2b: {  	v1 =	vld @!p0 [tilespmem:s13+$0x0];
	_ =	sdelay $0x7  }
0x2c: {  	[tilespmem:v1+s14+$0x0] =	vst.idx.add.f32.msk @!p0 $0xffff, v2  }
0x2d: {  	v1 =	vld @!p0 [tilespmem:s13+$0x10];
	_ =	sdelay $0x7  }
0x2e: {  	[tilespmem:v1+s14+$0x0] =	vst.idx.add.f32.msk @!p0 $0xffff, v2  }
0x2f: {  	v1 =	vld @!p0 [tilespmem:s13+$0x20];
	_ =	sdelay $0x7  }
0x30: {  	[tilespmem:v1+s14+$0x0] =	vst.idx.add.f32.msk @!p0 $0xffff, v2  }
0x31: {  	v1 =	vld @!p0 [tilespmem:s13+$0x30];
	_ =	sdelay $0x1  }
0x32: {  	s12 =	sadd.s32 $0x1, s12  }
0x33: {  	p1 =	sne.s32 s12, $0x50  }
.Ltmp1:
0x34: {  	_ = 	snop;
	(pc) =	sbr.rel @p1 .LBB2_4-.Ltmp1, $2  }
0x35: {  	_ =	sdelay $0x2  }
0x36: {  	s13 =	sadd.s32 $0x80, s13;
	[tilespmem:v1+s14+$0x0] =	vst.idx.add.f32.msk @!p0 $0xffff, v2  }
0x37: {  	s11 =	sadd.s32 $0x1, s11  }
0x38: {  	p0 =	sne.s32 s11, s6  }
.Ltmp2:
0x39: {  	_ = 	snop;
	(pc) =	sbr.rel @p0 .LBB2_1-.Ltmp2, $4  }
0x3a: {  	[hbm4b:s5+s9] =	stream.strided.scatter [tilespmem:s2], [sflag:$0x1], $0x2800, s10, s9, $0x38;
	[tilespmem:$0x5000] =	vst v63  }
0x3b: {  	_ =	swait.ge [sflag:s8], $0x2800  }
0x3c: {  	[sflag:s8] =	ssyncset.done $0x0  }
0x3d: {  	[sflag:s8] =	ssyncadd.s32 $0xFFFFD800  }
0x3e: {  	_ =	sfence.sel $0x180000  }
0x3f: {  	[bflag:$0x0] =	sbarrier.arrive $0xFFFF  }
0x40: {  	p0 =	sne.s32 s0, $0x0;
	_ =	strace $0x90000047  }
0x41: {  	s0 =	sadd.s32 @!p0 $0x100000, s1;
	[bflag:$0x2] =	sbarrier.arrive $0xFFFF  }
0x42: {  	[sflag:s0] =	ssyncadd.tile.s32 @!p0 $0x1;
	_ =	shalt  }
.Lfunc_end2:
_tile_overlayer_lowered:
.L_overlay_start_2:
0x43: {  	(tag) =	ssettag $0x2  }
0x44: {  	s0 =	rddreg [dreg:$0x0];
	s2 =	stileid.u32  }
0x45: {  	s1 =	rddreg [dreg:$0x1];
	p0 =	sne.s32 s2, $0x0  }
0x46: {  	s3 =	rddreg [dreg:$0x2];
	[bflag:$0x3] =	sbarrier.arrive $0xFFFF;
	s2 =	simm.s32 @!p0 $0x1C01  }
0x47: {  	[timem:s3], [sflag:s2] =	dma.local @!p0 [hbm:s0], s1  }
0x48: {  	s0 =	simm.s32 @!p0 $0x1  }
0x49: {  	_ =	swait.ge @!p0 [sflag:s0], s1  }
0x4a: {  	s1 =	ssub.s32 @!p0 $0x0, s1;
	[sflag:s0] =	ssyncset.done @!p0 $0x0  }
0x4b: {  	[sflag:s0] =	ssyncadd.s32 @!p0 s1  }
0x4c: {  	[bflag:$0x3] =	sbarrier.arrive $0xFFFF  }
0x4d: {  	_ =	shalt  }

</sc_bundles>
